<compile_context>
chip_gen: v7x
topology: tpu7x:2x2x1
jax: 0.10.2.dev20260603
libtpu: 0.0.44.dev20260713+nightly
codegen_flags: <defaults>
</compile_context>

<pallas_src>
import functools

import jax
import jax.numpy as jnp
from jax import lax
from jax.experimental import pallas as pl
from jax.experimental.pallas import tpu as pltpu
from jax.experimental.pallas import tpu_sc as plsc

C = 192
H = 224
W = 224
OH = 7
OW = 7
NB = OH * OW
N_ROIS = 1000

NW = 32
R_PER_W = 32
L = 16
NCH = C // L
NG = 4
RSTRIDE = 208
WSTRIDE = 256

_mesh = plsc.VectorSubcoreMesh(core_axis_name="c", subcore_axis_name="s")


@functools.partial(
    pl.kernel,
    out_type=jax.ShapeDtypeStruct((N_ROIS, C * NB), jnp.float32),
    mesh=_mesh,
    compiler_params=pltpu.CompilerParams(
        needs_layout_passes=False, use_tc_tiling_on_sc=False),
    scratch_types=[
        pltpu.VMEM((4 * R_PER_W,), jnp.float32),
        pltpu.VMEM((64,), jnp.float32),
        pltpu.VMEM((64,), jnp.float32),
        pltpu.VMEM((R_PER_W * RSTRIDE,), jnp.int32),
        pltpu.VMEM((R_PER_W * WSTRIDE,), jnp.float32),
        pltpu.VMEM((4 * NB, C), jnp.float32),
        pltpu.VMEM((4 * NB, C), jnp.float32),
        pltpu.VMEM((C * NB,), jnp.float32),
        pltpu.VMEM((C * NB,), jnp.float32),
        pltpu.VMEM((C * NB,), jnp.float32),
        pltpu.SMEM((R_PER_W,), jnp.int32),
        pltpu.SMEM((R_PER_W,), jnp.int32),
        pltpu.SMEM((2,), jnp.int32),
        pltpu.SemaphoreType.DMA,
        pltpu.SemaphoreType.DMA,
        pltpu.SemaphoreType.DMA,
        pltpu.SemaphoreType.DMA,
        pltpu.SemaphoreType.DMA,
    ],
)
def _roi_align_sc(feat_hbm, rois_hbm, ohp5_hbm, owp5_hbm, zeros_hbm, out_hbm,
                  rois_v, ohp5_v, owp5_v, idx_v, w_v, g0, g1, ob0, ob1, zb,
                  f_valid, f_zero, pend, sem0, sem1, semz, semo0, semo1):
    wid = lax.axis_index("s") * 2 + lax.axis_index("c")
    n_base = wid * R_PER_W

    pltpu.sync_copy(rois_hbm.at[pl.ds(n_base * 4, 4 * R_PER_W)], rois_v)
    pltpu.sync_copy(ohp5_hbm, ohp5_v)
    pltpu.sync_copy(owp5_hbm, owp5_v)
    pltpu.sync_copy(zeros_hbm, zb)

    iota16 = lax.iota(jnp.int32, 16)
    zeros16 = jnp.zeros((L,), jnp.int32)
    tail_mask = iota16 < 1

    def flag_body(r, acc):
        n = n_base + r
        r4 = zeros16 + r * 4
        x1 = plsc.load_gather(rois_v, [r4]) * float(W)
        y1 = plsc.load_gather(rois_v, [r4 + 1]) * float(H)
        x2 = plsc.load_gather(rois_v, [r4 + 2]) * float(W)
        y2 = plsc.load_gather(rois_v, [r4 + 3]) * float(H)
        bh = (y2 - y1) / float(OH)
        bw = (x2 - x1) / float(OW)
        validv = jnp.where((bh > 0.0) & (bw > 0.0), 1, 0)
        vs = jnp.max(validv)
        exists = jnp.where(n < N_ROIS, 1, 0)
        zflag = (1 - vs) * exists
        f_valid[r] = vs * exists
        f_zero[r] = zflag
        for g in range(NG):
            ohv = ohp5_v[pl.ds(g * L, L)]
            owv = owp5_v[pl.ds(g * L, L)]
            y = jnp.clip(y1 + ohv * bh, 0.0, float(H - 1))
            x = jnp.clip(x1 + owv * bw, 0.0, float(W - 1))
            y0 = y.astype(jnp.int32)
            x0 = x.astype(jnp.int32)
            wy = y - y0.astype(jnp.float32)
            wx = x - x0.astype(jnp.float32)
            y1i = jnp.minimum(y0 + 1, H - 1)
            x1i = jnp.minimum(x0 + 1, W - 1)
            omwx = 1.0 - wx
            omwy = 1.0 - wy
            yb0 = y0 * W
            yb1 = y1i * W
            corners = ((yb0 + x0, omwx * omwy), (yb0 + x1i, wx * omwy),
                       (yb1 + x0, omwx * wy), (yb1 + x1i, wx * wy))
            for c, (pc, wc) in enumerate(corners):
                pos = iota16 + (r * RSTRIDE + c * NB + g * L)
                if g == NG - 1:
                    plsc.store_scatter(idx_v, [pos], pc, mask=tail_mask)
                else:
                    plsc.store_scatter(idx_v, [pos], pc)
                w_v[pl.ds(r * WSTRIDE + c * 64 + g * L, L)] = wc
        return acc + zflag

    zcnt = lax.fori_loop(0, R_PER_W, flag_body, 0)

    def start_gather(r, gbuf, sem):
        ib = r * RSTRIDE
        pltpu.async_copy(feat_hbm.at[idx_v.at[pl.ds(ib, 128)]],
                         gbuf.at[pl.ds(0, 128)], sem)
        pltpu.async_copy(feat_hbm.at[idx_v.at[pl.ds(ib + 128, 68)]],
                         gbuf.at[pl.ds(128, 68)], sem)

    def wait_gather(r, gbuf, sem):
        ib = r * RSTRIDE
        pltpu.make_async_copy(feat_hbm.at[idx_v.at[pl.ds(ib, 128)]],
                              gbuf.at[pl.ds(0, 128)], sem).wait()
        pltpu.make_async_copy(feat_hbm.at[idx_v.at[pl.ds(ib + 128, 68)]],
                              gbuf.at[pl.ds(128, 68)], sem).wait()

    def combine(r, gbuf, ob):
        wb = r * WSTRIDE

        def samp_body(s, _):
            w00 = plsc.load_gather(w_v, [zeros16 + (wb + 0 * 64) + s])
            w01 = plsc.load_gather(w_v, [zeros16 + (wb + 1 * 64) + s])
            w10 = plsc.load_gather(w_v, [zeros16 + (wb + 2 * 64) + s])
            w11 = plsc.load_gather(w_v, [zeros16 + (wb + 3 * 64) + s])
            sbase = s * C
            for j in range(NCH):
                cs = pl.ds(j * L, L)
                acc = (gbuf[0 * NB + s, cs] * w00
                       + gbuf[1 * NB + s, cs] * w01
                       + gbuf[2 * NB + s, cs] * w10
                       + gbuf[3 * NB + s, cs] * w11)
                ob[pl.ds(sbase + j * L, L)] = acc
            return 0

        lax.fori_loop(0, NB, samp_body, 0)

    gbufs = (g0, g1)
    sems = (sem0, sem1)
    obufs = (ob0, ob1)
    osems = (semo0, semo1)
    pend[0] = 0
    pend[1] = 0

    @pl.when(f_valid[0] == 1)
    def _():
        start_gather(0, g0, sem0)

    def pipe_body(rr, _):
        for b in range(2):
            r = rr * 2 + b
            nxt = r + 1
            prefetch = jnp.logical_and(nxt < R_PER_W, f_valid[nxt] == 1)

            @pl.when(prefetch)
            def _():
                start_gather(nxt, gbufs[1 - b], sems[1 - b])

            @pl.when(f_valid[r] == 1)
            def _():
                wait_gather(r, gbufs[b], sems[b])

                @pl.when(pend[b] == 1)
                def _():
                    pltpu.make_async_copy(
                        obufs[b], out_hbm.at[n_base], osems[b]).wait()

                combine(r, gbufs[b], obufs[b])
                pltpu.async_copy(obufs[b], out_hbm.at[n_base + r], osems[b])
                pend[b] = 1

            @pl.when(f_zero[r] == 1)
            def _():
                pltpu.async_copy(zb, out_hbm.at[n_base + r], semz)
        return 0

    lax.fori_loop(0, R_PER_W // 2, pipe_body, 0)

    for b in range(2):
        @pl.when(pend[b] == 1)
        def _():
            pltpu.make_async_copy(
                obufs[b], out_hbm.at[n_base], osems[b]).wait()

    def zdrain(i, _):
        pltpu.make_async_copy(zeros_hbm, zb, semz).wait()
        return 0

    lax.fori_loop(0, zcnt, zdrain, 0)


def kernel(features, rois):
    feat_t = jnp.transpose(features, (1, 2, 0)).reshape(H * W, C)
    rois_pad = jnp.pad(rois.reshape(-1), (0, 4 * (NW * R_PER_W - N_ROIS)))
    s = jnp.arange(64, dtype=jnp.int32)
    ohp5 = jnp.minimum(s // OW, OH - 1).astype(jnp.float32) + 0.5
    owp5 = (s % OW).astype(jnp.float32) + 0.5
    zeros_tile = jnp.zeros((C * NB,), jnp.float32)
    out = _roi_align_sc(feat_t, rois_pad, ohp5, owp5, zeros_tile)
    return out.reshape(N_ROIS, OH, OW, C).transpose(0, 3, 1, 2)

# --- scband reference (transcript-rebuilt; emitter-appended) ---
"""Pipeline reference for scband-ro-ialign-54520314855548 (READ-ONLY COPY).

The authoritative reference and input builder live on the scoring server;
editing this copy changes nothing except your own understanding.
"""

import jax, jax.numpy as jnp
import numpy as np

OUTPUT_SIZE = (7, 7)
SPATIAL_SCALE = 1.0


def roi_align(features, rois):
    C, H, W = features.shape
    OH, OW = OUTPUT_SIZE
    N = rois.shape[0]
    x1 = rois[:, 0] * W * SPATIAL_SCALE
    y1 = rois[:, 1] * H * SPATIAL_SCALE
    x2 = rois[:, 2] * W * SPATIAL_SCALE
    y2 = rois[:, 3] * H * SPATIAL_SCALE
    bin_h = (y2 - y1) / OH
    bin_w = (x2 - x1) / OW
    oh = jnp.arange(OH, dtype=features.dtype) + 0.5
    ow = jnp.arange(OW, dtype=features.dtype) + 0.5
    y = y1[:, None] + oh[None, :] * bin_h[:, None]  # [N, OH]
    x = x1[:, None] + ow[None, :] * bin_w[:, None]  # [N, OW]
    y = jnp.clip(y, 0.0, float(H - 1))
    x = jnp.clip(x, 0.0, float(W - 1))
    Yg = jnp.broadcast_to(y[:, :, None], (N, OH, OW))
    Xg = jnp.broadcast_to(x[:, None, :], (N, OH, OW))
    y0f = jnp.floor(Yg)
    x0f = jnp.floor(Xg)
    y0 = y0f.astype(jnp.int32)
    x0 = x0f.astype(jnp.int32)
    y1i = jnp.minimum(y0 + 1, H - 1)
    x1i = jnp.minimum(x0 + 1, W - 1)
    wy = Yg - y0f
    wx = Xg - x0f
    # gathers: features is [C, H, W]; index arrays [N, OH, OW] -> [C, N, OH, OW]
    v00 = features[:, y0, x0]
    v01 = features[:, y0, x1i]
    v10 = features[:, y1i, x0]
    v11 = features[:, y1i, x1i]
    out = ((1.0 - wx) * (1.0 - wy) * v00
           + wx * (1.0 - wy) * v01
           + (1.0 - wx) * wy * v10
           + wx * wy * v11)  # [C, N, OH, OW]
    out = jnp.transpose(out, (1, 0, 2, 3))  # [N, C, OH, OW]
    # torch reference skips rois with non-positive bin sizes (leaves zeros)
    valid = ((bin_h > 0) & (bin_w > 0)).astype(features.dtype)
    return out * valid[:, None, None, None]


def setup_inputs(seed: int = 0) -> dict:
    key = jax.random.key(seed)
    k1, k2 = jax.random.split(key)
    features = jax.random.normal(k1, (192, 224, 224), dtype=jnp.float32)
    rois = jax.random.uniform(k2, (1000, 4), dtype=jnp.float32)
    return {"features": features, "rois": rois}


def reference(features, rois):
    return roi_align(features, rois)

if __name__ == "__main__":
    import jax
    _d = setup_inputs()
    print(jax.jit(kernel)(*tuple(_d.values())))

</pallas_src>

<mosaic_0001>
#map = affine_map<(d0, d1) -> (0, 0)>
#map1 = affine_map<(d0, d1) -> (0)>
module attributes {stable_mosaic.version = 14 : i64} {
  func.func @_roi_align_sc(%arg0: i32, %arg1: i32, %arg2: memref<50176x192xf32, #tpu.memory_space<hbm>>, %arg3: memref<4096xf32, #tpu.memory_space<hbm>>, %arg4: memref<64xf32, #tpu.memory_space<hbm>>, %arg5: memref<64xf32, #tpu.memory_space<hbm>>, %arg6: memref<9408xf32, #tpu.memory_space<hbm>>, %arg7: memref<1000x9408xf32, #tpu.memory_space<hbm>>, %arg8: memref<128xf32, #tpu.memory_space<vmem>>, %arg9: memref<64xf32, #tpu.memory_space<vmem>>, %arg10: memref<64xf32, #tpu.memory_space<vmem>>, %arg11: memref<6656xi32, #tpu.memory_space<vmem>>, %arg12: memref<8192xf32, #tpu.memory_space<vmem>>, %arg13: memref<196x192xf32, #tpu.memory_space<vmem>>, %arg14: memref<196x192xf32, #tpu.memory_space<vmem>>, %arg15: memref<9408xf32, #tpu.memory_space<vmem>>, %arg16: memref<9408xf32, #tpu.memory_space<vmem>>, %arg17: memref<9408xf32, #tpu.memory_space<vmem>>, %arg18: memref<32xi32, #tpu.memory_space<smem>>, %arg19: memref<32xi32, #tpu.memory_space<smem>>, %arg20: memref<2xi32, #tpu.memory_space<smem>>, %arg21: memref<!tpu.dma_semaphore, #tpu.memory_space<semaphore_mem>>, %arg22: memref<!tpu.dma_semaphore, #tpu.memory_space<semaphore_mem>>, %arg23: memref<!tpu.dma_semaphore, #tpu.memory_space<semaphore_mem>>, %arg24: memref<!tpu.dma_semaphore, #tpu.memory_space<semaphore_mem>>, %arg25: memref<!tpu.dma_semaphore, #tpu.memory_space<semaphore_mem>>) attributes {dimension_semantics = [#tpu.dimension_semantics<core_parallel>, #tpu.dimension_semantics<subcore_parallel>], iteration_bounds = array<i64: 2, 16>, scalar_prefetch = 0 : i64, scratch_operands = 18 : i64, tpu.core_type = #tpu.core_type<sc_vector_subcore>, window_params = [{transform_indices = #map}, {transform_indices = #map1}, {transform_indices = #map1}, {transform_indices = #map1}, {transform_indices = #map1}, {transform_indices = #map}]} {
    %mul3A = arith.constant 2 : i32
    %mul3A_0 = arith.muli %arg1, %mul3A : i32
    %add3A = arith.addi %mul3A_0, %arg0 : i32
    %mul3A_1 = arith.constant 32 : i32
    %mul3A_2 = arith.muli %add3A, %mul3A_1 : i32
    %mul3A_3 = arith.constant 4 : i32
    %mul3A_4 = arith.muli %mul3A_2, %mul3A_3 : i32
    "tpu.region"() ({
      %run_scoped3A = tpu.sem_alloc : memref<!tpu.dma_semaphore, #tpu.memory_space<semaphore_mem>>
      %dma_start3A = tpu.memref_slice %arg3[%mul3A_4] : memref<4096xf32, #tpu.memory_space<hbm>> -> memref<128xf32, #tpu.memory_space<hbm>>
      %dma_start3A_59 = tpu.memref_slice %arg3[%mul3A_4] : memref<4096xf32, #tpu.memory_space<hbm>> -> memref<128xf32, #tpu.memory_space<hbm>>
      tpu.enqueue_dma source(%dma_start3A_59 : memref<128xf32, #tpu.memory_space<hbm>>) target(%arg8 : memref<128xf32, #tpu.memory_space<vmem>>) target_semaphore(%run_scoped3A : memref<!tpu.dma_semaphore, #tpu.memory_space<semaphore_mem>>)
      %dma_wait3A = tpu.memref_slice %arg3[%mul3A_4] : memref<4096xf32, #tpu.memory_space<hbm>> -> memref<128xf32, #tpu.memory_space<hbm>>
      %dma_wait3A_60 = tpu.memref_slice %arg3[%mul3A_4] : memref<4096xf32, #tpu.memory_space<hbm>> -> memref<128xf32, #tpu.memory_space<hbm>>
      tpu.wait_dma2 semaphore(%run_scoped3A : memref<!tpu.dma_semaphore, #tpu.memory_space<semaphore_mem>>) src(%dma_wait3A_60 : memref<128xf32, #tpu.memory_space<hbm>>) dst(%arg8 : memref<128xf32, #tpu.memory_space<vmem>>)
      tpu.yield
    }) : () -> ()
    "tpu.region"() ({
      %run_scoped3A = tpu.sem_alloc : memref<!tpu.dma_semaphore, #tpu.memory_space<semaphore_mem>>
      tpu.enqueue_dma source(%arg4 : memref<64xf32, #tpu.memory_space<hbm>>) target(%arg9 : memref<64xf32, #tpu.memory_space<vmem>>) target_semaphore(%run_scoped3A : memref<!tpu.dma_semaphore, #tpu.memory_space<semaphore_mem>>)
      tpu.wait_dma2 semaphore(%run_scoped3A : memref<!tpu.dma_semaphore, #tpu.memory_space<semaphore_mem>>) src(%arg4 : memref<64xf32, #tpu.memory_space<hbm>>) dst(%arg9 : memref<64xf32, #tpu.memory_space<vmem>>)
      tpu.yield
    }) : () -> ()
    "tpu.region"() ({
      %run_scoped3A = tpu.sem_alloc : memref<!tpu.dma_semaphore, #tpu.memory_space<semaphore_mem>>
      tpu.enqueue_dma source(%arg5 : memref<64xf32, #tpu.memory_space<hbm>>) target(%arg10 : memref<64xf32, #tpu.memory_space<vmem>>) target_semaphore(%run_scoped3A : memref<!tpu.dma_semaphore, #tpu.memory_space<semaphore_mem>>)
      tpu.wait_dma2 semaphore(%run_scoped3A : memref<!tpu.dma_semaphore, #tpu.memory_space<semaphore_mem>>) src(%arg5 : memref<64xf32, #tpu.memory_space<hbm>>) dst(%arg10 : memref<64xf32, #tpu.memory_space<vmem>>)
      tpu.yield
    }) : () -> ()
    "tpu.region"() ({
      %run_scoped3A = tpu.sem_alloc : memref<!tpu.dma_semaphore, #tpu.memory_space<semaphore_mem>>
      tpu.enqueue_dma source(%arg6 : memref<9408xf32, #tpu.memory_space<hbm>>) target(%arg17 : memref<9408xf32, #tpu.memory_space<vmem>>) target_semaphore(%run_scoped3A : memref<!tpu.dma_semaphore, #tpu.memory_space<semaphore_mem>>)
      tpu.wait_dma2 semaphore(%run_scoped3A : memref<!tpu.dma_semaphore, #tpu.memory_space<semaphore_mem>>) src(%arg6 : memref<9408xf32, #tpu.memory_space<hbm>>) dst(%arg17 : memref<9408xf32, #tpu.memory_space<vmem>>)
      tpu.yield
    }) : () -> ()
    %iota3A = tpu.iota {dimensions = array<i32: 0>} : vector<16xi32>
    %broadcast_in_dim3A = arith.constant 0 : i32
    %broadcast_in_dim3A_5 = vector.broadcast %broadcast_in_dim3A : i32 to vector<16xi32>
    %lt3A = arith.constant 1 : i32
    %lt3A_6 = vector.broadcast %lt3A : i32 to vector<16xi32>
    %lt3A_7 = arith.cmpi slt, %iota3A, %lt3A_6 : vector<16xi32>
    %scan3A = arith.constant 0 : i32
    %scan3A_8 = arith.constant 0 : i32
    %scan3A_9 = arith.constant 32 : i32
    %scan3A_10 = arith.addi %scan3A_8, %scan3A_9 : i32
    %scan3A_11 = arith.constant 1 : i32
    %scan3A_12 = scf.for %scan3A_59 = %scan3A_8 to %scan3A_10 step %scan3A_11 iter_args(%scan3A_60 = %scan3A) -> (i32)  : i32 {
      %add3A_61 = arith.addi %mul3A_2, %scan3A_59 : i32
      %mul3A_62 = arith.constant 4 : i32
      %mul3A_63 = arith.muli %scan3A_59, %mul3A_62 : i32
      %add3A_64 = vector.broadcast %mul3A_63 : i32 to vector<16xi32>
      %add3A_65 = arith.addi %broadcast_in_dim3A_5, %add3A_64 : vector<16xi32>
      %gather3A = tpu.vector_load_idx %arg8[%add3A_65] : memref<128xf32, #tpu.memory_space<vmem>>[vector<16xi32>], vector<16xf32>,
      %mul3A_66 = arith.constant 2.240000e+02 : f32
      %mul3A_67 = vector.broadcast %mul3A_66 : f32 to vector<16xf32>
      %mul3A_68 = arith.mulf %gather3A, %mul3A_67 : vector<16xf32>
      %add3A_69 = arith.constant 1 : i32
      %add3A_70 = vector.broadcast %add3A_69 : i32 to vector<16xi32>
      %add3A_71 = arith.addi %add3A_65, %add3A_70 : vector<16xi32>
      %gather3A_72 = tpu.vector_load_idx %arg8[%add3A_71] : memref<128xf32, #tpu.memory_space<vmem>>[vector<16xi32>], vector<16xf32>,
      %mul3A_73 = arith.constant 2.240000e+02 : f32
      %mul3A_74 = vector.broadcast %mul3A_73 : f32 to vector<16xf32>
      %mul3A_75 = arith.mulf %gather3A_72, %mul3A_74 : vector<16xf32>
      %add3A_76 = arith.constant 2 : i32
      %add3A_77 = vector.broadcast %add3A_76 : i32 to vector<16xi32>
      %add3A_78 = arith.addi %add3A_65, %add3A_77 : vector<16xi32>
      %gather3A_79 = tpu.vector_load_idx %arg8[%add3A_78] : memref<128xf32, #tpu.memory_space<vmem>>[vector<16xi32>], vector<16xf32>,
      %mul3A_80 = arith.constant 2.240000e+02 : f32
      %mul3A_81 = vector.broadcast %mul3A_80 : f32 to vector<16xf32>
      %mul3A_82 = arith.mulf %gather3A_79, %mul3A_81 : vector<16xf32>
      %add3A_83 = arith.constant 3 : i32
      %add3A_84 = vector.broadcast %add3A_83 : i32 to vector<16xi32>
      %add3A_85 = arith.addi %add3A_65, %add3A_84 : vector<16xi32>
      %gather3A_86 = tpu.vector_load_idx %arg8[%add3A_85] : memref<128xf32, #tpu.memory_space<vmem>>[vector<16xi32>], vector<16xf32>,
      %mul3A_87 = arith.constant 2.240000e+02 : f32
      %mul3A_88 = vector.broadcast %mul3A_87 : f32 to vector<16xf32>
      %mul3A_89 = arith.mulf %gather3A_86, %mul3A_88 : vector<16xf32>
      %sub3A = arith.subf %mul3A_89, %mul3A_75 : vector<16xf32>
      %div3A = arith.constant 7.000000e+00 : f32
      %div3A_90 = vector.broadcast %div3A : f32 to vector<16xf32>
      %div3A_91 = arith.divf %sub3A, %div3A_90 : vector<16xf32>
      %sub3A_92 = arith.subf %mul3A_82, %mul3A_68 : vector<16xf32>
      %div3A_93 = arith.constant 7.000000e+00 : f32
      %div3A_94 = vector.broadcast %div3A_93 : f32 to vector<16xf32>
      %div3A_95 = arith.divf %sub3A_92, %div3A_94 : vector<16xf32>
      %gt3A = arith.constant 0.000000e+00 : f32
      %gt3A_96 = vector.broadcast %gt3A : f32 to vector<16xf32>
      %gt3A_97 = arith.cmpf ogt, %div3A_91, %gt3A_96 : vector<16xf32>
      %gt3A_98 = arith.constant 0.000000e+00 : f32
      %gt3A_99 = vector.broadcast %gt3A_98 : f32 to vector<16xf32>
      %gt3A_100 = arith.cmpf ogt, %div3A_95, %gt3A_99 : vector<16xf32>
      %and3A = arith.andi %gt3A_97, %gt3A_100 : vector<16xi1>
      %jit3A = arith.constant 1 : i32
      %jit3A_101 = arith.constant 0 : i32
      %broadcast_in_dim3A_102 = vector.broadcast %jit3A : i32 to vector<16xi32>
      %broadcast_in_dim3A_103 = vector.broadcast %jit3A_101 : i32 to vector<16xi32>
      %select_n3A = arith.select %and3A, %broadcast_in_dim3A_102, %broadcast_in_dim3A_103 : vector<16xi1>, vector<16xi32>
      %reduce_max3A = arith.constant true
      %reduce_max3A_104 = vector.broadcast %reduce_max3A : i1 to vector<16xi1>
      %reduce_max3A_105 = arith.constant -2147483648 : i32
      %reduce_max3A_106 = vector.broadcast %reduce_max3A_105 : i32 to vector<16xi32>
      %reduce_max3A_107 = arith.xori %select_n3A, %reduce_max3A_106 : vector<16xi32>
      %reduce_max3A_108 = tpu.scan <max>, %reduce_max3A_107 masked %reduce_max3A_104 : vector<16xi32>, vector<16xi1> -> vector<16xi32>
      %reduce_max3A_109 = arith.xori %reduce_max3A_108, %reduce_max3A_106 : vector<16xi32>
      %reduce_max3A_110 = vector.extract %reduce_max3A_109[15] : i32 from vector<16xi32>
      %lt3A_111 = arith.constant 1000 : i32
      %lt3A_112 = arith.cmpi slt, %add3A_61, %lt3A_111 : i32
      %jit3A_113 = arith.constant 1 : i32
      %jit3A_114 = arith.constant 0 : i32
      %select_n3A_115 = arith.select %lt3A_112, %jit3A_113, %jit3A_114 : i32
      %sub3A_116 = arith.constant 1 : i32
      %sub3A_117 = arith.subi %sub3A_116, %reduce_max3A_110 : i32
      %mul3A_118 = arith.muli %sub3A_117, %select_n3A_115 : i32
      %mul3A_119 = arith.muli %reduce_max3A_110, %select_n3A_115 : i32
      %swap3A_120 = arith.index_cast %scan3A_59 : i32 to index
      %swap3A_121 = memref.load %arg18[%swap3A_120] : memref<32xi32, #tpu.memory_space<smem>>
      memref.store %mul3A_119, %arg18[%swap3A_120] : memref<32xi32, #tpu.memory_space<smem>>
      %swap3A_122 = arith.index_cast %scan3A_59 : i32 to index
      %swap3A_123 = memref.load %arg19[%swap3A_122] : memref<32xi32, #tpu.memory_space<smem>>
      memref.store %mul3A_118, %arg19[%swap3A_122] : memref<32xi32, #tpu.memory_space<smem>>
      %get3A_124 = arith.constant 0 : index
      %get3A_125 = tpu.vector_load %arg9[%get3A_124] {strides = array<i32>} : memref<64xf32, #tpu.memory_space<vmem>>, vector<16xf32>,
      %get3A_126 = arith.constant 0 : index
      %get3A_127 = tpu.vector_load %arg10[%get3A_126] {strides = array<i32>} : memref<64xf32, #tpu.memory_space<vmem>>, vector<16xf32>,
      %mul3A_128 = arith.mulf %get3A_125, %div3A_91 : vector<16xf32>
      %add3A_129 = arith.addf %mul3A_75, %mul3A_128 : vector<16xf32>
      %jit3A_130 = arith.constant 0.000000e+00 : f32
      %jit3A_131 = arith.constant 2.230000e+02 : f32
      %max3A = vector.broadcast %jit3A_130 : f32 to vector<16xf32>
      %max3A_132 = arith.maximumf %max3A, %add3A_129 : vector<16xf32>
      %min3A = vector.broadcast %jit3A_131 : f32 to vector<16xf32>
      %min3A_133 = arith.minimumf %min3A, %max3A_132 : vector<16xf32>
      %mul3A_134 = arith.mulf %get3A_127, %div3A_95 : vector<16xf32>
      %add3A_135 = arith.addf %mul3A_68, %mul3A_134 : vector<16xf32>
      %jit3A_136 = arith.constant 0.000000e+00 : f32
      %jit3A_137 = arith.constant 2.230000e+02 : f32
      %max3A_138 = vector.broadcast %jit3A_136 : f32 to vector<16xf32>
      %max3A_139 = arith.maximumf %max3A_138, %add3A_135 : vector<16xf32>
      %min3A_140 = vector.broadcast %jit3A_137 : f32 to vector<16xf32>
      %min3A_141 = arith.minimumf %min3A_140, %max3A_139 : vector<16xf32>
      %convert_element_type3A_142 = arith.fptosi %min3A_133 : vector<16xf32> to vector<16xi32>
      %convert_element_type3A_143 = arith.fptosi %min3A_141 : vector<16xf32> to vector<16xi32>
      %convert_element_type3A_144 = arith.sitofp %convert_element_type3A_142 : vector<16xi32> to vector<16xf32>
      %sub3A_145 = arith.subf %min3A_133, %convert_element_type3A_144 : vector<16xf32>
      %convert_element_type3A_146 = arith.sitofp %convert_element_type3A_143 : vector<16xi32> to vector<16xf32>
      %sub3A_147 = arith.subf %min3A_141, %convert_element_type3A_146 : vector<16xf32>
      %add3A_148 = arith.constant 1 : i32
      %add3A_149 = vector.broadcast %add3A_148 : i32 to vector<16xi32>
      %add3A_150 = arith.addi %convert_element_type3A_142, %add3A_149 : vector<16xi32>
      %min3A_151 = arith.constant 223 : i32
      %min3A_152 = vector.broadcast %min3A_151 : i32 to vector<16xi32>
      %min3A_153 = arith.minsi %add3A_150, %min3A_152 : vector<16xi32>
      %add3A_154 = arith.constant 1 : i32
      %add3A_155 = vector.broadcast %add3A_154 : i32 to vector<16xi32>
      %add3A_156 = arith.addi %convert_element_type3A_143, %add3A_155 : vector<16xi32>
      %min3A_157 = arith.constant 223 : i32
      %min3A_158 = vector.broadcast %min3A_157 : i32 to vector<16xi32>
      %min3A_159 = arith.minsi %add3A_156, %min3A_158 : vector<16xi32>
      %sub3A_160 = arith.constant 1.000000e+00 : f32
      %sub3A_161 = vector.broadcast %sub3A_160 : f32 to vector<16xf32>
      %sub3A_162 = arith.subf %sub3A_161, %sub3A_147 : vector<16xf32>
      %sub3A_163 = arith.constant 1.000000e+00 : f32
      %sub3A_164 = vector.broadcast %sub3A_163 : f32 to vector<16xf32>
      %sub3A_165 = arith.subf %sub3A_164, %sub3A_145 : vector<16xf32>
      %mul3A_166 = arith.constant 224 : i32
      %mul3A_167 = vector.broadcast %mul3A_166 : i32 to vector<16xi32>
      %mul3A_168 = arith.muli %convert_element_type3A_142, %mul3A_167 : vector<16xi32>
      %mul3A_169 = arith.constant 224 : i32
      %mul3A_170 = vector.broadcast %mul3A_169 : i32 to vector<16xi32>
      %mul3A_171 = arith.muli %min3A_153, %mul3A_170 : vector<16xi32>
      %add3A_172 = arith.addi %mul3A_168, %convert_element_type3A_143 : vector<16xi32>
      %mul3A_173 = arith.mulf %sub3A_162, %sub3A_165 : vector<16xf32>
      %add3A_174 = arith.addi %mul3A_168, %min3A_159 : vector<16xi32>
      %mul3A_175 = arith.mulf %sub3A_147, %sub3A_165 : vector<16xf32>
      %add3A_176 = arith.addi %mul3A_171, %convert_element_type3A_143 : vector<16xi32>
      %mul3A_177 = arith.mulf %sub3A_162, %sub3A_145 : vector<16xf32>
      %add3A_178 = arith.addi %mul3A_171, %min3A_159 : vector<16xi32>
      %mul3A_179 = arith.mulf %sub3A_147, %sub3A_145 : vector<16xf32>
      %mul3A_180 = arith.constant 208 : i32
      %mul3A_181 = arith.muli %scan3A_59, %mul3A_180 : i32
      %add3A_182 = arith.constant 0 : i32
      %add3A_183 = arith.addi %mul3A_181, %add3A_182 : i32
      %add3A_184 = arith.constant 0 : i32
      %add3A_185 = arith.addi %add3A_183, %add3A_184 : i32
      %add3A_186 = vector.broadcast %add3A_185 : i32 to vector<16xi32>
      %add3A_187 = arith.addi %iota3A, %add3A_186 : vector<16xi32>
      tpu.vector_store_idx %arg11[%add3A_187], %add3A_172 : memref<6656xi32, #tpu.memory_space<vmem>>[vector<16xi32>], vector<16xi32>,
      %mul3A_188 = arith.constant 256 : i32
      %mul3A_189 = arith.muli %scan3A_59, %mul3A_188 : i32
      %add3A_190 = arith.constant 0 : i32
      %add3A_191 = arith.addi %mul3A_189, %add3A_190 : i32
      %add3A_192 = arith.constant 0 : i32
      %add3A_193 = arith.addi %add3A_191, %add3A_192 : i32
      %swap3A_194 = arith.index_cast %add3A_193 : i32 to index
      %swap3A_195 = tpu.vector_load %arg12[%swap3A_194] {strides = array<i32>} : memref<8192xf32, #tpu.memory_space<vmem>>, vector<16xf32>,
      tpu.vector_store %arg12[%swap3A_194], %mul3A_173 {strides = array<i32>} : memref<8192xf32, #tpu.memory_space<vmem>>, vector<16xf32>,
      %mul3A_196 = arith.constant 208 : i32
      %mul3A_197 = arith.muli %scan3A_59, %mul3A_196 : i32
      %add3A_198 = arith.constant 49 : i32
      %add3A_199 = arith.addi %mul3A_197, %add3A_198 : i32
      %add3A_200 = arith.constant 0 : i32
      %add3A_201 = arith.addi %add3A_199, %add3A_200 : i32
      %add3A_202 = vector.broadcast %add3A_201 : i32 to vector<16xi32>
      %add3A_203 = arith.addi %iota3A, %add3A_202 : vector<16xi32>
      tpu.vector_store_idx %arg11[%add3A_203], %add3A_174 : memref<6656xi32, #tpu.memory_space<vmem>>[vector<16xi32>], vector<16xi32>,
      %mul3A_204 = arith.constant 256 : i32
      %mul3A_205 = arith.muli %scan3A_59, %mul3A_204 : i32
      %add3A_206 = arith.constant 64 : i32
      %add3A_207 = arith.addi %mul3A_205, %add3A_206 : i32
      %add3A_208 = arith.constant 0 : i32
      %add3A_209 = arith.addi %add3A_207, %add3A_208 : i32
      %swap3A_210 = arith.index_cast %add3A_209 : i32 to index
      %swap3A_211 = tpu.vector_load %arg12[%swap3A_210] {strides = array<i32>} : memref<8192xf32, #tpu.memory_space<vmem>>, vector<16xf32>,
      tpu.vector_store %arg12[%swap3A_210], %mul3A_175 {strides = array<i32>} : memref<8192xf32, #tpu.memory_space<vmem>>, vector<16xf32>,
      %mul3A_212 = arith.constant 208 : i32
      %mul3A_213 = arith.muli %scan3A_59, %mul3A_212 : i32
      %add3A_214 = arith.constant 98 : i32
      %add3A_215 = arith.addi %mul3A_213, %add3A_214 : i32
      %add3A_216 = arith.constant 0 : i32
      %add3A_217 = arith.addi %add3A_215, %add3A_216 : i32
      %add3A_218 = vector.broadcast %add3A_217 : i32 to vector<16xi32>
      %add3A_219 = arith.addi %iota3A, %add3A_218 : vector<16xi32>
      tpu.vector_store_idx %arg11[%add3A_219], %add3A_176 : memref<6656xi32, #tpu.memory_space<vmem>>[vector<16xi32>], vector<16xi32>,
      %mul3A_220 = arith.constant 256 : i32
      %mul3A_221 = arith.muli %scan3A_59, %mul3A_220 : i32
      %add3A_222 = arith.constant 128 : i32
      %add3A_223 = arith.addi %mul3A_221, %add3A_222 : i32
      %add3A_224 = arith.constant 0 : i32
      %add3A_225 = arith.addi %add3A_223, %add3A_224 : i32
      %swap3A_226 = arith.index_cast %add3A_225 : i32 to index
      %swap3A_227 = tpu.vector_load %arg12[%swap3A_226] {strides = array<i32>} : memref<8192xf32, #tpu.memory_space<vmem>>, vector<16xf32>,
      tpu.vector_store %arg12[%swap3A_226], %mul3A_177 {strides = array<i32>} : memref<8192xf32, #tpu.memory_space<vmem>>, vector<16xf32>,
      %mul3A_228 = arith.constant 208 : i32
      %mul3A_229 = arith.muli %scan3A_59, %mul3A_228 : i32
      %add3A_230 = arith.constant 147 : i32
      %add3A_231 = arith.addi %mul3A_229, %add3A_230 : i32
      %add3A_232 = arith.constant 0 : i32
      %add3A_233 = arith.addi %add3A_231, %add3A_232 : i32
      %add3A_234 = vector.broadcast %add3A_233 : i32 to vector<16xi32>
      %add3A_235 = arith.addi %iota3A, %add3A_234 : vector<16xi32>
      tpu.vector_store_idx %arg11[%add3A_235], %add3A_178 : memref<6656xi32, #tpu.memory_space<vmem>>[vector<16xi32>], vector<16xi32>,
      %mul3A_236 = arith.constant 256 : i32
      %mul3A_237 = arith.muli %scan3A_59, %mul3A_236 : i32
      %add3A_238 = arith.constant 192 : i32
      %add3A_239 = arith.addi %mul3A_237, %add3A_238 : i32
      %add3A_240 = arith.constant 0 : i32
      %add3A_241 = arith.addi %add3A_239, %add3A_240 : i32
      %swap3A_242 = arith.index_cast %add3A_241 : i32 to index
      %swap3A_243 = tpu.vector_load %arg12[%swap3A_242] {strides = array<i32>} : memref<8192xf32, #tpu.memory_space<vmem>>, vector<16xf32>,
      tpu.vector_store %arg12[%swap3A_242], %mul3A_179 {strides = array<i32>} : memref<8192xf32, #tpu.memory_space<vmem>>, vector<16xf32>,
      %get3A_244 = arith.constant 16 : index
      %get3A_245 = tpu.vector_load %arg9[%get3A_244] {strides = array<i32>} : memref<64xf32, #tpu.memory_space<vmem>>, vector<16xf32>,
      %get3A_246 = arith.constant 16 : index
      %get3A_247 = tpu.vector_load %arg10[%get3A_246] {strides = array<i32>} : memref<64xf32, #tpu.memory_space<vmem>>, vector<16xf32>,
      %mul3A_248 = arith.mulf %get3A_245, %div3A_91 : vector<16xf32>
      %add3A_249 = arith.addf %mul3A_75, %mul3A_248 : vector<16xf32>
      %jit3A_250 = arith.constant 0.000000e+00 : f32
      %jit3A_251 = arith.constant 2.230000e+02 : f32
      %max3A_252 = vector.broadcast %jit3A_250 : f32 to vector<16xf32>
      %max3A_253 = arith.maximumf %max3A_252, %add3A_249 : vector<16xf32>
      %min3A_254 = vector.broadcast %jit3A_251 : f32 to vector<16xf32>
      %min3A_255 = arith.minimumf %min3A_254, %max3A_253 : vector<16xf32>
      %mul3A_256 = arith.mulf %get3A_247, %div3A_95 : vector<16xf32>
      %add3A_257 = arith.addf %mul3A_68, %mul3A_256 : vector<16xf32>
      %jit3A_258 = arith.constant 0.000000e+00 : f32
      %jit3A_259 = arith.constant 2.230000e+02 : f32
      %max3A_260 = vector.broadcast %jit3A_258 : f32 to vector<16xf32>
      %max3A_261 = arith.maximumf %max3A_260, %add3A_257 : vector<16xf32>
      %min3A_262 = vector.broadcast %jit3A_259 : f32 to vector<16xf32>
      %min3A_263 = arith.minimumf %min3A_262, %max3A_261 : vector<16xf32>
      %convert_element_type3A_264 = arith.fptosi %min3A_255 : vector<16xf32> to vector<16xi32>
      %convert_element_type3A_265 = arith.fptosi %min3A_263 : vector<16xf32> to vector<16xi32>
      %convert_element_type3A_266 = arith.sitofp %convert_element_type3A_264 : vector<16xi32> to vector<16xf32>
      %sub3A_267 = arith.subf %min3A_255, %convert_element_type3A_266 : vector<16xf32>
      %convert_element_type3A_268 = arith.sitofp %convert_element_type3A_265 : vector<16xi32> to vector<16xf32>
      %sub3A_269 = arith.subf %min3A_263, %convert_element_type3A_268 : vector<16xf32>
      %add3A_270 = arith.constant 1 : i32
      %add3A_271 = vector.broadcast %add3A_270 : i32 to vector<16xi32>
      %add3A_272 = arith.addi %convert_element_type3A_264, %add3A_271 : vector<16xi32>
      %min3A_273 = arith.constant 223 : i32
      %min3A_274 = vector.broadcast %min3A_273 : i32 to vector<16xi32>
      %min3A_275 = arith.minsi %add3A_272, %min3A_274 : vector<16xi32>
      %add3A_276 = arith.constant 1 : i32
      %add3A_277 = vector.broadcast %add3A_276 : i32 to vector<16xi32>
      %add3A_278 = arith.addi %convert_element_type3A_265, %add3A_277 : vector<16xi32>
      %min3A_279 = arith.constant 223 : i32
      %min3A_280 = vector.broadcast %min3A_279 : i32 to vector<16xi32>
      %min3A_281 = arith.minsi %add3A_278, %min3A_280 : vector<16xi32>
      %sub3A_282 = arith.constant 1.000000e+00 : f32
      %sub3A_283 = vector.broadcast %sub3A_282 : f32 to vector<16xf32>
      %sub3A_284 = arith.subf %sub3A_283, %sub3A_269 : vector<16xf32>
      %sub3A_285 = arith.constant 1.000000e+00 : f32
      %sub3A_286 = vector.broadcast %sub3A_285 : f32 to vector<16xf32>
      %sub3A_287 = arith.subf %sub3A_286, %sub3A_267 : vector<16xf32>
      %mul3A_288 = arith.constant 224 : i32
      %mul3A_289 = vector.broadcast %mul3A_288 : i32 to vector<16xi32>
      %mul3A_290 = arith.muli %convert_element_type3A_264, %mul3A_289 : vector<16xi32>
      %mul3A_291 = arith.constant 224 : i32
      %mul3A_292 = vector.broadcast %mul3A_291 : i32 to vector<16xi32>
      %mul3A_293 = arith.muli %min3A_275, %mul3A_292 : vector<16xi32>
      %add3A_294 = arith.addi %mul3A_290, %convert_element_type3A_265 : vector<16xi32>
      %mul3A_295 = arith.mulf %sub3A_284, %sub3A_287 : vector<16xf32>
      %add3A_296 = arith.addi %mul3A_290, %min3A_281 : vector<16xi32>
      %mul3A_297 = arith.mulf %sub3A_269, %sub3A_287 : vector<16xf32>
      %add3A_298 = arith.addi %mul3A_293, %convert_element_type3A_265 : vector<16xi32>
      %mul3A_299 = arith.mulf %sub3A_284, %sub3A_267 : vector<16xf32>
      %add3A_300 = arith.addi %mul3A_293, %min3A_281 : vector<16xi32>
      %mul3A_301 = arith.mulf %sub3A_269, %sub3A_267 : vector<16xf32>
      %mul3A_302 = arith.constant 208 : i32
      %mul3A_303 = arith.muli %scan3A_59, %mul3A_302 : i32
      %add3A_304 = arith.constant 0 : i32
      %add3A_305 = arith.addi %mul3A_303, %add3A_304 : i32
      %add3A_306 = arith.constant 16 : i32
      %add3A_307 = arith.addi %add3A_305, %add3A_306 : i32
      %add3A_308 = vector.broadcast %add3A_307 : i32 to vector<16xi32>
      %add3A_309 = arith.addi %iota3A, %add3A_308 : vector<16xi32>
      tpu.vector_store_idx %arg11[%add3A_309], %add3A_294 : memref<6656xi32, #tpu.memory_space<vmem>>[vector<16xi32>], vector<16xi32>,
      %mul3A_310 = arith.constant 256 : i32
      %mul3A_311 = arith.muli %scan3A_59, %mul3A_310 : i32
      %add3A_312 = arith.constant 0 : i32
      %add3A_313 = arith.addi %mul3A_311, %add3A_312 : i32
      %add3A_314 = arith.constant 16 : i32
      %add3A_315 = arith.addi %add3A_313, %add3A_314 : i32
      %swap3A_316 = arith.index_cast %add3A_315 : i32 to index
      %swap3A_317 = tpu.vector_load %arg12[%swap3A_316] {strides = array<i32>} : memref<8192xf32, #tpu.memory_space<vmem>>, vector<16xf32>,
      tpu.vector_store %arg12[%swap3A_316], %mul3A_295 {strides = array<i32>} : memref<8192xf32, #tpu.memory_space<vmem>>, vector<16xf32>,
      %mul3A_318 = arith.constant 208 : i32
      %mul3A_319 = arith.muli %scan3A_59, %mul3A_318 : i32
      %add3A_320 = arith.constant 49 : i32
      %add3A_321 = arith.addi %mul3A_319, %add3A_320 : i32
      %add3A_322 = arith.constant 16 : i32
      %add3A_323 = arith.addi %add3A_321, %add3A_322 : i32
      %add3A_324 = vector.broadcast %add3A_323 : i32 to vector<16xi32>
      %add3A_325 = arith.addi %iota3A, %add3A_324 : vector<16xi32>
      tpu.vector_store_idx %arg11[%add3A_325], %add3A_296 : memref<6656xi32, #tpu.memory_space<vmem>>[vector<16xi32>], vector<16xi32>,
      %mul3A_326 = arith.constant 256 : i32
      %mul3A_327 = arith.muli %scan3A_59, %mul3A_326 : i32
      %add3A_328 = arith.constant 64 : i32
      %add3A_329 = arith.addi %mul3A_327, %add3A_328 : i32
      %add3A_330 = arith.constant 16 : i32
      %add3A_331 = arith.addi %add3A_329, %add3A_330 : i32
      %swap3A_332 = arith.index_cast %add3A_331 : i32 to index
      %swap3A_333 = tpu.vector_load %arg12[%swap3A_332] {strides = array<i32>} : memref<8192xf32, #tpu.memory_space<vmem>>, vector<16xf32>,
      tpu.vector_store %arg12[%swap3A_332], %mul3A_297 {strides = array<i32>} : memref<8192xf32, #tpu.memory_space<vmem>>, vector<16xf32>,
      %mul3A_334 = arith.constant 208 : i32
      %mul3A_335 = arith.muli %scan3A_59, %mul3A_334 : i32
      %add3A_336 = arith.constant 98 : i32
      %add3A_337 = arith.addi %mul3A_335, %add3A_336 : i32
      %add3A_338 = arith.constant 16 : i32
      %add3A_339 = arith.addi %add3A_337, %add3A_338 : i32
      %add3A_340 = vector.broadcast %add3A_339 : i32 to vector<16xi32>
      %add3A_341 = arith.addi %iota3A, %add3A_340 : vector<16xi32>
      tpu.vector_store_idx %arg11[%add3A_341], %add3A_298 : memref<6656xi32, #tpu.memory_space<vmem>>[vector<16xi32>], vector<16xi32>,
      %mul3A_342 = arith.constant 256 : i32
      %mul3A_343 = arith.muli %scan3A_59, %mul3A_342 : i32
      %add3A_344 = arith.constant 128 : i32
      %add3A_345 = arith.addi %mul3A_343, %add3A_344 : i32
      %add3A_346 = arith.constant 16 : i32
      %add3A_347 = arith.addi %add3A_345, %add3A_346 : i32
      %swap3A_348 = arith.index_cast %add3A_347 : i32 to index
      %swap3A_349 = tpu.vector_load %arg12[%swap3A_348] {strides = array<i32>} : memref<8192xf32, #tpu.memory_space<vmem>>, vector<16xf32>,
      tpu.vector_store %arg12[%swap3A_348], %mul3A_299 {strides = array<i32>} : memref<8192xf32, #tpu.memory_space<vmem>>, vector<16xf32>,
      %mul3A_350 = arith.constant 208 : i32
      %mul3A_351 = arith.muli %scan3A_59, %mul3A_350 : i32
      %add3A_352 = arith.constant 147 : i32
      %add3A_353 = arith.addi %mul3A_351, %add3A_352 : i32
      %add3A_354 = arith.constant 16 : i32
      %add3A_355 = arith.addi %add3A_353, %add3A_354 : i32
      %add3A_356 = vector.broadcast %add3A_355 : i32 to vector<16xi32>
      %add3A_357 = arith.addi %iota3A, %add3A_356 : vector<16xi32>
      tpu.vector_store_idx %arg11[%add3A_357], %add3A_300 : memref<6656xi32, #tpu.memory_space<vmem>>[vector<16xi32>], vector<16xi32>,
      %mul3A_358 = arith.constant 256 : i32
      %mul3A_359 = arith.muli %scan3A_59, %mul3A_358 : i32
      %add3A_360 = arith.constant 192 : i32
      %add3A_361 = arith.addi %mul3A_359, %add3A_360 : i32
      %add3A_362 = arith.constant 16 : i32
      %add3A_363 = arith.addi %add3A_361, %add3A_362 : i32
      %swap3A_364 = arith.index_cast %add3A_363 : i32 to index
      %swap3A_365 = tpu.vector_load %arg12[%swap3A_364] {strides = array<i32>} : memref<8192xf32, #tpu.memory_space<vmem>>, vector<16xf32>,
      tpu.vector_store %arg12[%swap3A_364], %mul3A_301 {strides = array<i32>} : memref<8192xf32, #tpu.memory_space<vmem>>, vector<16xf32>,
      %get3A_366 = arith.constant 32 : index
      %get3A_367 = tpu.vector_load %arg9[%get3A_366] {strides = array<i32>} : memref<64xf32, #tpu.memory_space<vmem>>, vector<16xf32>,
      %get3A_368 = arith.constant 32 : index
      %get3A_369 = tpu.vector_load %arg10[%get3A_368] {strides = array<i32>} : memref<64xf32, #tpu.memory_space<vmem>>, vector<16xf32>,
      %mul3A_370 = arith.mulf %get3A_367, %div3A_91 : vector<16xf32>
      %add3A_371 = arith.addf %mul3A_75, %mul3A_370 : vector<16xf32>
      %jit3A_372 = arith.constant 0.000000e+00 : f32
      %jit3A_373 = arith.constant 2.230000e+02 : f32
      %max3A_374 = vector.broadcast %jit3A_372 : f32 to vector<16xf32>
      %max3A_375 = arith.maximumf %max3A_374, %add3A_371 : vector<16xf32>
      %min3A_376 = vector.broadcast %jit3A_373 : f32 to vector<16xf32>
      %min3A_377 = arith.minimumf %min3A_376, %max3A_375 : vector<16xf32>
      %mul3A_378 = arith.mulf %get3A_369, %div3A_95 : vector<16xf32>
      %add3A_379 = arith.addf %mul3A_68, %mul3A_378 : vector<16xf32>
      %jit3A_380 = arith.constant 0.000000e+00 : f32
      %jit3A_381 = arith.constant 2.230000e+02 : f32
      %max3A_382 = vector.broadcast %jit3A_380 : f32 to vector<16xf32>
      %max3A_383 = arith.maximumf %max3A_382, %add3A_379 : vector<16xf32>
      %min3A_384 = vector.broadcast %jit3A_381 : f32 to vector<16xf32>
      %min3A_385 = arith.minimumf %min3A_384, %max3A_383 : vector<16xf32>
      %convert_element_type3A_386 = arith.fptosi %min3A_377 : vector<16xf32> to vector<16xi32>
      %convert_element_type3A_387 = arith.fptosi %min3A_385 : vector<16xf32> to vector<16xi32>
      %convert_element_type3A_388 = arith.sitofp %convert_element_type3A_386 : vector<16xi32> to vector<16xf32>
      %sub3A_389 = arith.subf %min3A_377, %convert_element_type3A_388 : vector<16xf32>
      %convert_element_type3A_390 = arith.sitofp %convert_element_type3A_387 : vector<16xi32> to vector<16xf32>
      %sub3A_391 = arith.subf %min3A_385, %convert_element_type3A_390 : vector<16xf32>
      %add3A_392 = arith.constant 1 : i32
      %add3A_393 = vector.broadcast %add3A_392 : i32 to vector<16xi32>
      %add3A_394 = arith.addi %convert_element_type3A_386, %add3A_393 : vector<16xi32>
      %min3A_395 = arith.constant 223 : i32
      %min3A_396 = vector.broadcast %min3A_395 : i32 to vector<16xi32>
      %min3A_397 = arith.minsi %add3A_394, %min3A_396 : vector<16xi32>
      %add3A_398 = arith.constant 1 : i32
      %add3A_399 = vector.broadcast %add3A_398 : i32 to vector<16xi32>
      %add3A_400 = arith.addi %convert_element_type3A_387, %add3A_399 : vector<16xi32>
      %min3A_401 = arith.constant 223 : i32
      %min3A_402 = vector.broadcast %min3A_401 : i32 to vector<16xi32>
      %min3A_403 = arith.minsi %add3A_400, %min3A_402 : vector<16xi32>
      %sub3A_404 = arith.constant 1.000000e+00 : f32
      %sub3A_405 = vector.broadcast %sub3A_404 : f32 to vector<16xf32>
      %sub3A_406 = arith.subf %sub3A_405, %sub3A_391 : vector<16xf32>
      %sub3A_407 = arith.constant 1.000000e+00 : f32
      %sub3A_408 = vector.broadcast %sub3A_407 : f32 to vector<16xf32>
      %sub3A_409 = arith.subf %sub3A_408, %sub3A_389 : vector<16xf32>
      %mul3A_410 = arith.constant 224 : i32
      %mul3A_411 = vector.broadcast %mul3A_410 : i32 to vector<16xi32>
      %mul3A_412 = arith.muli %convert_element_type3A_386, %mul3A_411 : vector<16xi32>
      %mul3A_413 = arith.constant 224 : i32
      %mul3A_414 = vector.broadcast %mul3A_413 : i32 to vector<16xi32>
      %mul3A_415 = arith.muli %min3A_397, %mul3A_414 : vector<16xi32>
      %add3A_416 = arith.addi %mul3A_412, %convert_element_type3A_387 : vector<16xi32>
      %mul3A_417 = arith.mulf %sub3A_406, %sub3A_409 : vector<16xf32>
      %add3A_418 = arith.addi %mul3A_412, %min3A_403 : vector<16xi32>
      %mul3A_419 = arith.mulf %sub3A_391, %sub3A_409 : vector<16xf32>
      %add3A_420 = arith.addi %mul3A_415, %convert_element_type3A_387 : vector<16xi32>
      %mul3A_421 = arith.mulf %sub3A_406, %sub3A_389 : vector<16xf32>
      %add3A_422 = arith.addi %mul3A_415, %min3A_403 : vector<16xi32>
      %mul3A_423 = arith.mulf %sub3A_391, %sub3A_389 : vector<16xf32>
      %mul3A_424 = arith.constant 208 : i32
      %mul3A_425 = arith.muli %scan3A_59, %mul3A_424 : i32
      %add3A_426 = arith.constant 0 : i32
      %add3A_427 = arith.addi %mul3A_425, %add3A_426 : i32
      %add3A_428 = arith.constant 32 : i32
      %add3A_429 = arith.addi %add3A_427, %add3A_428 : i32
      %add3A_430 = vector.broadcast %add3A_429 : i32 to vector<16xi32>
      %add3A_431 = arith.addi %iota3A, %add3A_430 : vector<16xi32>
      tpu.vector_store_idx %arg11[%add3A_431], %add3A_416 : memref<6656xi32, #tpu.memory_space<vmem>>[vector<16xi32>], vector<16xi32>,
      %mul3A_432 = arith.constant 256 : i32
      %mul3A_433 = arith.muli %scan3A_59, %mul3A_432 : i32
      %add3A_434 = arith.constant 0 : i32
      %add3A_435 = arith.addi %mul3A_433, %add3A_434 : i32
      %add3A_436 = arith.constant 32 : i32
      %add3A_437 = arith.addi %add3A_435, %add3A_436 : i32
      %swap3A_438 = arith.index_cast %add3A_437 : i32 to index
      %swap3A_439 = tpu.vector_load %arg12[%swap3A_438] {strides = array<i32>} : memref<8192xf32, #tpu.memory_space<vmem>>, vector<16xf32>,
      tpu.vector_store %arg12[%swap3A_438], %mul3A_417 {strides = array<i32>} : memref<8192xf32, #tpu.memory_space<vmem>>, vector<16xf32>,
      %mul3A_440 = arith.constant 208 : i32
      %mul3A_441 = arith.muli %scan3A_59, %mul3A_440 : i32
      %add3A_442 = arith.constant 49 : i32
      %add3A_443 = arith.addi %mul3A_441, %add3A_442 : i32
      %add3A_444 = arith.constant 32 : i32
      %add3A_445 = arith.addi %add3A_443, %add3A_444 : i32
      %add3A_446 = vector.broadcast %add3A_445 : i32 to vector<16xi32>
      %add3A_447 = arith.addi %iota3A, %add3A_446 : vector<16xi32>
      tpu.vector_store_idx %arg11[%add3A_447], %add3A_418 : memref<6656xi32, #tpu.memory_space<vmem>>[vector<16xi32>], vector<16xi32>,
      %mul3A_448 = arith.constant 256 : i32
      %mul3A_449 = arith.muli %scan3A_59, %mul3A_448 : i32
      %add3A_450 = arith.constant 64 : i32
      %add3A_451 = arith.addi %mul3A_449, %add3A_450 : i32
      %add3A_452 = arith.constant 32 : i32
      %add3A_453 = arith.addi %add3A_451, %add3A_452 : i32
      %swap3A_454 = arith.index_cast %add3A_453 : i32 to index
      %swap3A_455 = tpu.vector_load %arg12[%swap3A_454] {strides = array<i32>} : memref<8192xf32, #tpu.memory_space<vmem>>, vector<16xf32>,
      tpu.vector_store %arg12[%swap3A_454], %mul3A_419 {strides = array<i32>} : memref<8192xf32, #tpu.memory_space<vmem>>, vector<16xf32>,
      %mul3A_456 = arith.constant 208 : i32
      %mul3A_457 = arith.muli %scan3A_59, %mul3A_456 : i32
      %add3A_458 = arith.constant 98 : i32
      %add3A_459 = arith.addi %mul3A_457, %add3A_458 : i32
      %add3A_460 = arith.constant 32 : i32
      %add3A_461 = arith.addi %add3A_459, %add3A_460 : i32
      %add3A_462 = vector.broadcast %add3A_461 : i32 to vector<16xi32>
      %add3A_463 = arith.addi %iota3A, %add3A_462 : vector<16xi32>
      tpu.vector_store_idx %arg11[%add3A_463], %add3A_420 : memref<6656xi32, #tpu.memory_space<vmem>>[vector<16xi32>], vector<16xi32>,
      %mul3A_464 = arith.constant 256 : i32
      %mul3A_465 = arith.muli %scan3A_59, %mul3A_464 : i32
      %add3A_466 = arith.constant 128 : i32
      %add3A_467 = arith.addi %mul3A_465, %add3A_466 : i32
      %add3A_468 = arith.constant 32 : i32
      %add3A_469 = arith.addi %add3A_467, %add3A_468 : i32
      %swap3A_470 = arith.index_cast %add3A_469 : i32 to index
      %swap3A_471 = tpu.vector_load %arg12[%swap3A_470] {strides = array<i32>} : memref<8192xf32, #tpu.memory_space<vmem>>, vector<16xf32>,
      tpu.vector_store %arg12[%swap3A_470], %mul3A_421 {strides = array<i32>} : memref<8192xf32, #tpu.memory_space<vmem>>, vector<16xf32>,
      %mul3A_472 = arith.constant 208 : i32
      %mul3A_473 = arith.muli %scan3A_59, %mul3A_472 : i32
      %add3A_474 = arith.constant 147 : i32
      %add3A_475 = arith.addi %mul3A_473, %add3A_474 : i32
      %add3A_476 = arith.constant 32 : i32
      %add3A_477 = arith.addi %add3A_475, %add3A_476 : i32
      %add3A_478 = vector.broadcast %add3A_477 : i32 to vector<16xi32>
      %add3A_479 = arith.addi %iota3A, %add3A_478 : vector<16xi32>
      tpu.vector_store_idx %arg11[%add3A_479], %add3A_422 : memref<6656xi32, #tpu.memory_space<vmem>>[vector<16xi32>], vector<16xi32>,
      %mul3A_480 = arith.constant 256 : i32
      %mul3A_481 = arith.muli %scan3A_59, %mul3A_480 : i32
      %add3A_482 = arith.constant 192 : i32
      %add3A_483 = arith.addi %mul3A_481, %add3A_482 : i32
      %add3A_484 = arith.constant 32 : i32
      %add3A_485 = arith.addi %add3A_483, %add3A_484 : i32
      %swap3A_486 = arith.index_cast %add3A_485 : i32 to index
      %swap3A_487 = tpu.vector_load %arg12[%swap3A_486] {strides = array<i32>} : memref<8192xf32, #tpu.memory_space<vmem>>, vector<16xf32>,
      tpu.vector_store %arg12[%swap3A_486], %mul3A_423 {strides = array<i32>} : memref<8192xf32, #tpu.memory_space<vmem>>, vector<16xf32>,
      %get3A_488 = arith.constant 48 : index
      %get3A_489 = tpu.vector_load %arg9[%get3A_488] {strides = array<i32>} : memref<64xf32, #tpu.memory_space<vmem>>, vector<16xf32>,
      %get3A_490 = arith.constant 48 : index
      %get3A_491 = tpu.vector_load %arg10[%get3A_490] {strides = array<i32>} : memref<64xf32, #tpu.memory_space<vmem>>, vector<16xf32>,
      %mul3A_492 = arith.mulf %get3A_489, %div3A_91 : vector<16xf32>
      %add3A_493 = arith.addf %mul3A_75, %mul3A_492 : vector<16xf32>
      %jit3A_494 = arith.constant 0.000000e+00 : f32
      %jit3A_495 = arith.constant 2.230000e+02 : f32
      %max3A_496 = vector.broadcast %jit3A_494 : f32 to vector<16xf32>
      %max3A_497 = arith.maximumf %max3A_496, %add3A_493 : vector<16xf32>
      %min3A_498 = vector.broadcast %jit3A_495 : f32 to vector<16xf32>
      %min3A_499 = arith.minimumf %min3A_498, %max3A_497 : vector<16xf32>
      %mul3A_500 = arith.mulf %get3A_491, %div3A_95 : vector<16xf32>
      %add3A_501 = arith.addf %mul3A_68, %mul3A_500 : vector<16xf32>
      %jit3A_502 = arith.constant 0.000000e+00 : f32
      %jit3A_503 = arith.constant 2.230000e+02 : f32
      %max3A_504 = vector.broadcast %jit3A_502 : f32 to vector<16xf32>
      %max3A_505 = arith.maximumf %max3A_504, %add3A_501 : vector<16xf32>
      %min3A_506 = vector.broadcast %jit3A_503 : f32 to vector<16xf32>
      %min3A_507 = arith.minimumf %min3A_506, %max3A_505 : vector<16xf32>
      %convert_element_type3A_508 = arith.fptosi %min3A_499 : vector<16xf32> to vector<16xi32>
      %convert_element_type3A_509 = arith.fptosi %min3A_507 : vector<16xf32> to vector<16xi32>
      %convert_element_type3A_510 = arith.sitofp %convert_element_type3A_508 : vector<16xi32> to vector<16xf32>
      %sub3A_511 = arith.subf %min3A_499, %convert_element_type3A_510 : vector<16xf32>
      %convert_element_type3A_512 = arith.sitofp %convert_element_type3A_509 : vector<16xi32> to vector<16xf32>
      %sub3A_513 = arith.subf %min3A_507, %convert_element_type3A_512 : vector<16xf32>
      %add3A_514 = arith.constant 1 : i32
      %add3A_515 = vector.broadcast %add3A_514 : i32 to vector<16xi32>
      %add3A_516 = arith.addi %convert_element_type3A_508, %add3A_515 : vector<16xi32>
      %min3A_517 = arith.constant 223 : i32
      %min3A_518 = vector.broadcast %min3A_517 : i32 to vector<16xi32>
      %min3A_519 = arith.minsi %add3A_516, %min3A_518 : vector<16xi32>
      %add3A_520 = arith.constant 1 : i32
      %add3A_521 = vector.broadcast %add3A_520 : i32 to vector<16xi32>
      %add3A_522 = arith.addi %convert_element_type3A_509, %add3A_521 : vector<16xi32>
      %min3A_523 = arith.constant 223 : i32
      %min3A_524 = vector.broadcast %min3A_523 : i32 to vector<16xi32>
      %min3A_525 = arith.minsi %add3A_522, %min3A_524 : vector<16xi32>
      %sub3A_526 = arith.constant 1.000000e+00 : f32
      %sub3A_527 = vector.broadcast %sub3A_526 : f32 to vector<16xf32>
      %sub3A_528 = arith.subf %sub3A_527, %sub3A_513 : vector<16xf32>
      %sub3A_529 = arith.constant 1.000000e+00 : f32
      %sub3A_530 = vector.broadcast %sub3A_529 : f32 to vector<16xf32>
      %sub3A_531 = arith.subf %sub3A_530, %sub3A_511 : vector<16xf32>
      %mul3A_532 = arith.constant 224 : i32
      %mul3A_533 = vector.broadcast %mul3A_532 : i32 to vector<16xi32>
      %mul3A_534 = arith.muli %convert_element_type3A_508, %mul3A_533 : vector<16xi32>
      %mul3A_535 = arith.constant 224 : i32
      %mul3A_536 = vector.broadcast %mul3A_535 : i32 to vector<16xi32>
      %mul3A_537 = arith.muli %min3A_519, %mul3A_536 : vector<16xi32>
      %add3A_538 = arith.addi %mul3A_534, %convert_element_type3A_509 : vector<16xi32>
      %mul3A_539 = arith.mulf %sub3A_528, %sub3A_531 : vector<16xf32>
      %add3A_540 = arith.addi %mul3A_534, %min3A_525 : vector<16xi32>
      %mul3A_541 = arith.mulf %sub3A_513, %sub3A_531 : vector<16xf32>
      %add3A_542 = arith.addi %mul3A_537, %convert_element_type3A_509 : vector<16xi32>
      %mul3A_543 = arith.mulf %sub3A_528, %sub3A_511 : vector<16xf32>
      %add3A_544 = arith.addi %mul3A_537, %min3A_525 : vector<16xi32>
      %mul3A_545 = arith.mulf %sub3A_513, %sub3A_511 : vector<16xf32>
      %mul3A_546 = arith.constant 208 : i32
      %mul3A_547 = arith.muli %scan3A_59, %mul3A_546 : i32
      %add3A_548 = arith.constant 0 : i32
      %add3A_549 = arith.addi %mul3A_547, %add3A_548 : i32
      %add3A_550 = arith.constant 48 : i32
      %add3A_551 = arith.addi %add3A_549, %add3A_550 : i32
      %add3A_552 = vector.broadcast %add3A_551 : i32 to vector<16xi32>
      %add3A_553 = arith.addi %iota3A, %add3A_552 : vector<16xi32>
      tpu.vector_store_idx %arg11[%add3A_553], %add3A_538 masked %lt3A_7 : memref<6656xi32, #tpu.memory_space<vmem>>[vector<16xi32>], vector<16xi32>, vector<16xi1>
      %mul3A_554 = arith.constant 256 : i32
      %mul3A_555 = arith.muli %scan3A_59, %mul3A_554 : i32
      %add3A_556 = arith.constant 0 : i32
      %add3A_557 = arith.addi %mul3A_555, %add3A_556 : i32
      %add3A_558 = arith.constant 48 : i32
      %add3A_559 = arith.addi %add3A_557, %add3A_558 : i32
      %swap3A_560 = arith.index_cast %add3A_559 : i32 to index
      %swap3A_561 = tpu.vector_load %arg12[%swap3A_560] {strides = array<i32>} : memref<8192xf32, #tpu.memory_space<vmem>>, vector<16xf32>,
      tpu.vector_store %arg12[%swap3A_560], %mul3A_539 {strides = array<i32>} : memref<8192xf32, #tpu.memory_space<vmem>>, vector<16xf32>,
      %mul3A_562 = arith.constant 208 : i32
      %mul3A_563 = arith.muli %scan3A_59, %mul3A_562 : i32
      %add3A_564 = arith.constant 49 : i32
      %add3A_565 = arith.addi %mul3A_563, %add3A_564 : i32
      %add3A_566 = arith.constant 48 : i32
      %add3A_567 = arith.addi %add3A_565, %add3A_566 : i32
      %add3A_568 = vector.broadcast %add3A_567 : i32 to vector<16xi32>
      %add3A_569 = arith.addi %iota3A, %add3A_568 : vector<16xi32>
      tpu.vector_store_idx %arg11[%add3A_569], %add3A_540 masked %lt3A_7 : memref<6656xi32, #tpu.memory_space<vmem>>[vector<16xi32>], vector<16xi32>, vector<16xi1>
      %mul3A_570 = arith.constant 256 : i32
      %mul3A_571 = arith.muli %scan3A_59, %mul3A_570 : i32
      %add3A_572 = arith.constant 64 : i32
      %add3A_573 = arith.addi %mul3A_571, %add3A_572 : i32
      %add3A_574 = arith.constant 48 : i32
      %add3A_575 = arith.addi %add3A_573, %add3A_574 : i32
      %swap3A_576 = arith.index_cast %add3A_575 : i32 to index
      %swap3A_577 = tpu.vector_load %arg12[%swap3A_576] {strides = array<i32>} : memref<8192xf32, #tpu.memory_space<vmem>>, vector<16xf32>,
      tpu.vector_store %arg12[%swap3A_576], %mul3A_541 {strides = array<i32>} : memref<8192xf32, #tpu.memory_space<vmem>>, vector<16xf32>,
      %mul3A_578 = arith.constant 208 : i32
      %mul3A_579 = arith.muli %scan3A_59, %mul3A_578 : i32
      %add3A_580 = arith.constant 98 : i32
      %add3A_581 = arith.addi %mul3A_579, %add3A_580 : i32
      %add3A_582 = arith.constant 48 : i32
      %add3A_583 = arith.addi %add3A_581, %add3A_582 : i32
      %add3A_584 = vector.broadcast %add3A_583 : i32 to vector<16xi32>
      %add3A_585 = arith.addi %iota3A, %add3A_584 : vector<16xi32>
      tpu.vector_store_idx %arg11[%add3A_585], %add3A_542 masked %lt3A_7 : memref<6656xi32, #tpu.memory_space<vmem>>[vector<16xi32>], vector<16xi32>, vector<16xi1>
      %mul3A_586 = arith.constant 256 : i32
      %mul3A_587 = arith.muli %scan3A_59, %mul3A_586 : i32
      %add3A_588 = arith.constant 128 : i32
      %add3A_589 = arith.addi %mul3A_587, %add3A_588 : i32
      %add3A_590 = arith.constant 48 : i32
      %add3A_591 = arith.addi %add3A_589, %add3A_590 : i32
      %swap3A_592 = arith.index_cast %add3A_591 : i32 to index
      %swap3A_593 = tpu.vector_load %arg12[%swap3A_592] {strides = array<i32>} : memref<8192xf32, #tpu.memory_space<vmem>>, vector<16xf32>,
      tpu.vector_store %arg12[%swap3A_592], %mul3A_543 {strides = array<i32>} : memref<8192xf32, #tpu.memory_space<vmem>>, vector<16xf32>,
      %mul3A_594 = arith.constant 208 : i32
      %mul3A_595 = arith.muli %scan3A_59, %mul3A_594 : i32
      %add3A_596 = arith.constant 147 : i32
      %add3A_597 = arith.addi %mul3A_595, %add3A_596 : i32
      %add3A_598 = arith.constant 48 : i32
      %add3A_599 = arith.addi %add3A_597, %add3A_598 : i32
      %add3A_600 = vector.broadcast %add3A_599 : i32 to vector<16xi32>
      %add3A_601 = arith.addi %iota3A, %add3A_600 : vector<16xi32>
      tpu.vector_store_idx %arg11[%add3A_601], %add3A_544 masked %lt3A_7 : memref<6656xi32, #tpu.memory_space<vmem>>[vector<16xi32>], vector<16xi32>, vector<16xi1>
      %mul3A_602 = arith.constant 256 : i32
      %mul3A_603 = arith.muli %scan3A_59, %mul3A_602 : i32
      %add3A_604 = arith.constant 192 : i32
      %add3A_605 = arith.addi %mul3A_603, %add3A_604 : i32
      %add3A_606 = arith.constant 48 : i32
      %add3A_607 = arith.addi %add3A_605, %add3A_606 : i32
      %swap3A_608 = arith.index_cast %add3A_607 : i32 to index
      %swap3A_609 = tpu.vector_load %arg12[%swap3A_608] {strides = array<i32>} : memref<8192xf32, #tpu.memory_space<vmem>>, vector<16xf32>,
      tpu.vector_store %arg12[%swap3A_608], %mul3A_545 {strides = array<i32>} : memref<8192xf32, #tpu.memory_space<vmem>>, vector<16xf32>,
      %add3A_610 = arith.addi %scan3A_60, %mul3A_118 : i32
      scf.yield %add3A_610 : i32
    }
    %scan3A_13 = arith.constant 32 : i32
    %swap3A = arith.constant 0 : i32
    %swap3A_14 = arith.constant 0 : i32
    %swap3A_15 = arith.index_cast %swap3A_14 : i32 to index
    %swap3A_16 = memref.load %arg20[%swap3A_15] : memref<2xi32, #tpu.memory_space<smem>>
    memref.store %swap3A, %arg20[%swap3A_15] : memref<2xi32, #tpu.memory_space<smem>>
    %swap3A_17 = arith.constant 0 : i32
    %swap3A_18 = arith.constant 1 : i32
    %swap3A_19 = arith.index_cast %swap3A_18 : i32 to index
    %swap3A_20 = memref.load %arg20[%swap3A_19] : memref<2xi32, #tpu.memory_space<smem>>
    memref.store %swap3A_17, %arg20[%swap3A_19] : memref<2xi32, #tpu.memory_space<smem>>
    %get3A = arith.constant 0 : i32
    %get3A_21 = arith.index_cast %get3A : i32 to index
    %get3A_22 = memref.load %arg18[%get3A_21] : memref<32xi32, #tpu.memory_space<smem>>
    %eq3A = arith.constant 1 : i32
    %eq3A_23 = arith.cmpi eq, %get3A_22, %eq3A : i32
    %convert_element_type3A = arith.extui %eq3A_23 : i1 to i32
    %cond3A = arith.constant 0 : i32
    %cond3A_24 = arith.cmpi ne, %convert_element_type3A, %cond3A : i32
    scf.if %cond3A_24 {
      %dma_start3A = arith.constant 0 : i32
      %dma_start3A_59 = arith.constant 0 : i32
      %dma_start3A_60 = tpu.memref_slice %arg13[%dma_start3A, %dma_start3A_59] : memref<196x192xf32, #tpu.memory_space<vmem>> -> memref<128x192xf32, #tpu.memory_space<vmem>>
      %dma_start3A_61 = arith.constant 0 : i32
      %dma_start3A_62 = tpu.memref_slice %arg11[%dma_start3A_61] : memref<6656xi32, #tpu.memory_space<vmem>> -> memref<128xi32, #tpu.memory_space<vmem>>
      %dma_start3A_63 = arith.constant 0 : i32
      %dma_start3A_64 = arith.constant 0 : i32
      %dma_start3A_65 = tpu.memref_slice %arg2[%dma_start3A_63, %dma_start3A_64] : memref<50176x192xf32, #tpu.memory_space<hbm>> -> memref<50176x192xf32, #tpu.memory_space<hbm>>
      tpu.enqueue_indirect_dma source(%dma_start3A_65 : memref<50176x192xf32, #tpu.memory_space<hbm>>) target(%dma_start3A_60 : memref<128x192xf32, #tpu.memory_space<vmem>>) offsets(%dma_start3A_62 : memref<128xi32, #tpu.memory_space<vmem>>) semaphore(%arg21 : memref<!tpu.dma_semaphore, #tpu.memory_space<semaphore_mem>>)
      %dma_start3A_66 = arith.constant 128 : i32
      %dma_start3A_67 = arith.constant 0 : i32
      %dma_start3A_68 = tpu.memref_slice %arg13[%dma_start3A_66, %dma_start3A_67] : memref<196x192xf32, #tpu.memory_space<vmem>> -> memref<68x192xf32, #tpu.memory_space<vmem>>
      %dma_start3A_69 = arith.constant 128 : i32
      %dma_start3A_70 = tpu.memref_slice %arg11[%dma_start3A_69] : memref<6656xi32, #tpu.memory_space<vmem>> -> memref<68xi32, #tpu.memory_space<vmem>>
      %dma_start3A_71 = arith.constant 0 : i32
      %dma_start3A_72 = arith.constant 0 : i32
      %dma_start3A_73 = tpu.memref_slice %arg2[%dma_start3A_71, %dma_start3A_72] : memref<50176x192xf32, #tpu.memory_space<hbm>> -> memref<50176x192xf32, #tpu.memory_space<hbm>>
      tpu.enqueue_indirect_dma source(%dma_start3A_73 : memref<50176x192xf32, #tpu.memory_space<hbm>>) target(%dma_start3A_68 : memref<68x192xf32, #tpu.memory_space<vmem>>) offsets(%dma_start3A_70 : memref<68xi32, #tpu.memory_space<vmem>>) semaphore(%arg21 : memref<!tpu.dma_semaphore, #tpu.memory_space<semaphore_mem>>)
    } else {
    }
    %scan3A_25 = arith.constant 0 : i32
    %scan3A_26 = arith.constant 0 : i32
    %scan3A_27 = arith.constant 16 : i32
    %scan3A_28 = arith.addi %scan3A_26, %scan3A_27 : i32
    %scan3A_29 = arith.constant 1 : i32
    %scan3A_30 = scf.for %scan3A_59 = %scan3A_26 to %scan3A_28 step %scan3A_29 iter_args(%scan3A_60 = %scan3A_25) -> (i32)  : i32 {
      %mul3A_61 = arith.constant 2 : i32
      %mul3A_62 = arith.muli %scan3A_59, %mul3A_61 : i32
      %add3A_63 = arith.constant 0 : i32
      %add3A_64 = arith.addi %mul3A_62, %add3A_63 : i32
      %add3A_65 = arith.constant 1 : i32
      %add3A_66 = arith.addi %add3A_64, %add3A_65 : i32
      %lt3A_67 = arith.constant 32 : i32
      %lt3A_68 = arith.cmpi slt, %add3A_66, %lt3A_67 : i32
      %get3A_69 = arith.index_cast %add3A_66 : i32 to index
      %get3A_70 = memref.load %arg18[%get3A_69] : memref<32xi32, #tpu.memory_space<smem>>
      %eq3A_71 = arith.constant 1 : i32
      %eq3A_72 = arith.cmpi eq, %get3A_70, %eq3A_71 : i32
      %and3A = arith.andi %lt3A_68, %eq3A_72 : i1
      %convert_element_type3A_73 = arith.extui %and3A : i1 to i32
      %cond3A_74 = arith.constant 0 : i32
      %cond3A_75 = arith.cmpi ne, %convert_element_type3A_73, %cond3A_74 : i32
      scf.if %cond3A_75 {
        %mul3A_121 = arith.constant 208 : i32
        %mul3A_122 = arith.muli %add3A_66, %mul3A_121 : i32
        %dma_start3A = arith.constant 0 : i32
        %dma_start3A_123 = arith.constant 0 : i32
        %dma_start3A_124 = tpu.memref_slice %arg14[%dma_start3A, %dma_start3A_123] : memref<196x192xf32, #tpu.memory_space<vmem>> -> memref<128x192xf32, #tpu.memory_space<vmem>>
        %dma_start3A_125 = tpu.memref_slice %arg11[%mul3A_122] : memref<6656xi32, #tpu.memory_space<vmem>> -> memref<128xi32, #tpu.memory_space<vmem>>
        %dma_start3A_126 = arith.constant 0 : i32
        %dma_start3A_127 = arith.constant 0 : i32
        %dma_start3A_128 = tpu.memref_slice %arg2[%dma_start3A_126, %dma_start3A_127] : memref<50176x192xf32, #tpu.memory_space<hbm>> -> memref<50176x192xf32, #tpu.memory_space<hbm>>
        tpu.enqueue_indirect_dma source(%dma_start3A_128 : memref<50176x192xf32, #tpu.memory_space<hbm>>) target(%dma_start3A_124 : memref<128x192xf32, #tpu.memory_space<vmem>>) offsets(%dma_start3A_125 : memref<128xi32, #tpu.memory_space<vmem>>) semaphore(%arg22 : memref<!tpu.dma_semaphore, #tpu.memory_space<semaphore_mem>>)
        %add3A_129 = arith.constant 128 : i32
        %add3A_130 = arith.addi %mul3A_122, %add3A_129 : i32
        %dma_start3A_131 = arith.constant 128 : i32
        %dma_start3A_132 = arith.constant 0 : i32
        %dma_start3A_133 = tpu.memref_slice %arg14[%dma_start3A_131, %dma_start3A_132] : memref<196x192xf32, #tpu.memory_space<vmem>> -> memref<68x192xf32, #tpu.memory_space<vmem>>
        %dma_start3A_134 = tpu.memref_slice %arg11[%add3A_130] : memref<6656xi32, #tpu.memory_space<vmem>> -> memref<68xi32, #tpu.memory_space<vmem>>
        %dma_start3A_135 = arith.constant 0 : i32
        %dma_start3A_136 = arith.constant 0 : i32
        %dma_start3A_137 = tpu.memref_slice %arg2[%dma_start3A_135, %dma_start3A_136] : memref<50176x192xf32, #tpu.memory_space<hbm>> -> memref<50176x192xf32, #tpu.memory_space<hbm>>
        tpu.enqueue_indirect_dma source(%dma_start3A_137 : memref<50176x192xf32, #tpu.memory_space<hbm>>) target(%dma_start3A_133 : memref<68x192xf32, #tpu.memory_space<vmem>>) offsets(%dma_start3A_134 : memref<68xi32, #tpu.memory_space<vmem>>) semaphore(%arg22 : memref<!tpu.dma_semaphore, #tpu.memory_space<semaphore_mem>>)
      } else {
      }
      %get3A_76 = arith.index_cast %add3A_64 : i32 to index
      %get3A_77 = memref.load %arg18[%get3A_76] : memref<32xi32, #tpu.memory_space<smem>>
      %eq3A_78 = arith.constant 1 : i32
      %eq3A_79 = arith.cmpi eq, %get3A_77, %eq3A_78 : i32
      %convert_element_type3A_80 = arith.extui %eq3A_79 : i1 to i32
      %cond3A_81 = arith.constant 0 : i32
      %cond3A_82 = arith.cmpi ne, %convert_element_type3A_80, %cond3A_81 : i32
      scf.if %cond3A_82 {
        %mul3A_121 = arith.constant 208 : i32
        %mul3A_122 = arith.muli %add3A_64, %mul3A_121 : i32
        %dma_wait3A = arith.constant 0 : i32
        %dma_wait3A_123 = arith.constant 0 : i32
        %dma_wait3A_124 = tpu.memref_slice %arg13[%dma_wait3A, %dma_wait3A_123] : memref<196x192xf32, #tpu.memory_space<vmem>> -> memref<128x192xf32, #tpu.memory_space<vmem>>
        %dma_wait3A_125 = tpu.memref_slice %arg11[%mul3A_122] : memref<6656xi32, #tpu.memory_space<vmem>> -> memref<128xi32, #tpu.memory_space<vmem>>
        %dma_wait3A_126 = arith.constant 0 : i32
        %dma_wait3A_127 = arith.constant 0 : i32
        %dma_wait3A_128 = tpu.memref_slice %arg2[%dma_wait3A_126, %dma_wait3A_127] : memref<50176x192xf32, #tpu.memory_space<hbm>> -> memref<50176x192xf32, #tpu.memory_space<hbm>>
        tpu.wait_indirect_dma semaphore(%arg21 : memref<!tpu.dma_semaphore, #tpu.memory_space<semaphore_mem>>) src(%dma_wait3A_128 : memref<50176x192xf32, #tpu.memory_space<hbm>>) dst(%dma_wait3A_124 : memref<128x192xf32, #tpu.memory_space<vmem>>)
        %add3A_129 = arith.constant 128 : i32
        %add3A_130 = arith.addi %mul3A_122, %add3A_129 : i32
        %dma_wait3A_131 = arith.constant 128 : i32
        %dma_wait3A_132 = arith.constant 0 : i32
        %dma_wait3A_133 = tpu.memref_slice %arg13[%dma_wait3A_131, %dma_wait3A_132] : memref<196x192xf32, #tpu.memory_space<vmem>> -> memref<68x192xf32, #tpu.memory_space<vmem>>
        %dma_wait3A_134 = tpu.memref_slice %arg11[%add3A_130] : memref<6656xi32, #tpu.memory_space<vmem>> -> memref<68xi32, #tpu.memory_space<vmem>>
        %dma_wait3A_135 = arith.constant 0 : i32
        %dma_wait3A_136 = arith.constant 0 : i32
        %dma_wait3A_137 = tpu.memref_slice %arg2[%dma_wait3A_135, %dma_wait3A_136] : memref<50176x192xf32, #tpu.memory_space<hbm>> -> memref<50176x192xf32, #tpu.memory_space<hbm>>
        tpu.wait_indirect_dma semaphore(%arg21 : memref<!tpu.dma_semaphore, #tpu.memory_space<semaphore_mem>>) src(%dma_wait3A_137 : memref<50176x192xf32, #tpu.memory_space<hbm>>) dst(%dma_wait3A_133 : memref<68x192xf32, #tpu.memory_space<vmem>>)
        %get3A_138 = arith.constant 0 : i32
        %get3A_139 = arith.index_cast %get3A_138 : i32 to index
        %get3A_140 = memref.load %arg20[%get3A_139] : memref<2xi32, #tpu.memory_space<smem>>
        %eq3A_141 = arith.constant 1 : i32
        %eq3A_142 = arith.cmpi eq, %get3A_140, %eq3A_141 : i32
        %convert_element_type3A_143 = arith.extui %eq3A_142 : i1 to i32
        %cond3A_144 = arith.constant 0 : i32
        %cond3A_145 = arith.cmpi ne, %convert_element_type3A_143, %cond3A_144 : i32
        scf.if %cond3A_145 {
          %dma_wait3A_165 = arith.constant 0 : i32
          %dma_wait3A_166 = tpu.memref_slice %arg7[%mul3A_2, %dma_wait3A_165] : memref<1000x9408xf32, #tpu.memory_space<hbm>> -> memref<1x9408xf32, #tpu.memory_space<hbm>>
          %dma_wait3A_167 = tpu.memref_squeeze %dma_wait3A_166 : memref<1x9408xf32, #tpu.memory_space<hbm>> -> memref<9408xf32, #tpu.memory_space<hbm>>
          %dma_wait3A_168 = arith.constant 0 : i32
          %dma_wait3A_169 = tpu.memref_slice %arg7[%mul3A_2, %dma_wait3A_168] : memref<1000x9408xf32, #tpu.memory_space<hbm>> -> memref<1x9408xf32, #tpu.memory_space<hbm>>
          %dma_wait3A_170 = tpu.memref_squeeze %dma_wait3A_169 : memref<1x9408xf32, #tpu.memory_space<hbm>> -> memref<9408xf32, #tpu.memory_space<hbm>>
          tpu.wait_dma2 semaphore(%arg24 : memref<!tpu.dma_semaphore, #tpu.memory_space<semaphore_mem>>) src(%arg15 : memref<9408xf32, #tpu.memory_space<vmem>>) dst(%dma_wait3A_170 : memref<9408xf32, #tpu.memory_space<hbm>>)
        } else {
        }
        %mul3A_146 = arith.constant 256 : i32
        %mul3A_147 = arith.muli %add3A_64, %mul3A_146 : i32
        %scan3A_148 = arith.constant 0 : i32
        %scan3A_149 = arith.constant 0 : i32
        %scan3A_150 = arith.constant 49 : i32
        %scan3A_151 = arith.addi %scan3A_149, %scan3A_150 : i32
        %scan3A_152 = arith.constant 1 : i32
        %scan3A_153 = scf.for %scan3A_165 = %scan3A_149 to %scan3A_151 step %scan3A_152 iter_args(%scan3A_166 = %scan3A_148) -> (i32)  : i32 {
          %add3A_167 = arith.constant 0 : i32
          %add3A_168 = arith.addi %mul3A_147, %add3A_167 : i32
          %add3A_169 = vector.broadcast %add3A_168 : i32 to vector<16xi32>
          %add3A_170 = arith.addi %broadcast_in_dim3A_5, %add3A_169 : vector<16xi32>
          %add3A_171 = vector.broadcast %scan3A_165 : i32 to vector<16xi32>
          %add3A_172 = arith.addi %add3A_170, %add3A_171 : vector<16xi32>
          %gather3A = tpu.vector_load_idx %arg12[%add3A_172] : memref<8192xf32, #tpu.memory_space<vmem>>[vector<16xi32>], vector<16xf32>,
          %add3A_173 = arith.constant 64 : i32
          %add3A_174 = arith.addi %mul3A_147, %add3A_173 : i32
          %add3A_175 = vector.broadcast %add3A_174 : i32 to vector<16xi32>
          %add3A_176 = arith.addi %broadcast_in_dim3A_5, %add3A_175 : vector<16xi32>
          %add3A_177 = vector.broadcast %scan3A_165 : i32 to vector<16xi32>
          %add3A_178 = arith.addi %add3A_176, %add3A_177 : vector<16xi32>
          %gather3A_179 = tpu.vector_load_idx %arg12[%add3A_178] : memref<8192xf32, #tpu.memory_space<vmem>>[vector<16xi32>], vector<16xf32>,
          %add3A_180 = arith.constant 128 : i32
          %add3A_181 = arith.addi %mul3A_147, %add3A_180 : i32
          %add3A_182 = vector.broadcast %add3A_181 : i32 to vector<16xi32>
          %add3A_183 = arith.addi %broadcast_in_dim3A_5, %add3A_182 : vector<16xi32>
          %add3A_184 = vector.broadcast %scan3A_165 : i32 to vector<16xi32>
          %add3A_185 = arith.addi %add3A_183, %add3A_184 : vector<16xi32>
          %gather3A_186 = tpu.vector_load_idx %arg12[%add3A_185] : memref<8192xf32, #tpu.memory_space<vmem>>[vector<16xi32>], vector<16xf32>,
          %add3A_187 = arith.constant 192 : i32
          %add3A_188 = arith.addi %mul3A_147, %add3A_187 : i32
          %add3A_189 = vector.broadcast %add3A_188 : i32 to vector<16xi32>
          %add3A_190 = arith.addi %broadcast_in_dim3A_5, %add3A_189 : vector<16xi32>
          %add3A_191 = vector.broadcast %scan3A_165 : i32 to vector<16xi32>
          %add3A_192 = arith.addi %add3A_190, %add3A_191 : vector<16xi32>
          %gather3A_193 = tpu.vector_load_idx %arg12[%add3A_192] : memref<8192xf32, #tpu.memory_space<vmem>>[vector<16xi32>], vector<16xf32>,
          %mul3A_194 = arith.constant 192 : i32
          %mul3A_195 = arith.muli %scan3A_165, %mul3A_194 : i32
          %add3A_196 = arith.constant 0 : i32
          %add3A_197 = arith.addi %add3A_196, %scan3A_165 : i32
          %get3A_198 = arith.index_cast %add3A_197 : i32 to index
          %get3A_199 = arith.constant 0 : index
          %get3A_200 = tpu.vector_load %arg13[%get3A_198, %get3A_199] {strides = array<i32>} : memref<196x192xf32, #tpu.memory_space<vmem>>, vector<16xf32>,
          %mul3A_201 = arith.mulf %get3A_200, %gather3A : vector<16xf32>
          %add3A_202 = arith.constant 49 : i32
          %add3A_203 = arith.addi %add3A_202, %scan3A_165 : i32
          %get3A_204 = arith.index_cast %add3A_203 : i32 to index
          %get3A_205 = arith.constant 0 : index
          %get3A_206 = tpu.vector_load %arg13[%get3A_204, %get3A_205] {strides = array<i32>} : memref<196x192xf32, #tpu.memory_space<vmem>>, vector<16xf32>,
          %mul3A_207 = arith.mulf %get3A_206, %gather3A_179 : vector<16xf32>
          %add3A_208 = arith.addf %mul3A_201, %mul3A_207 : vector<16xf32>
          %add3A_209 = arith.constant 98 : i32
          %add3A_210 = arith.addi %add3A_209, %scan3A_165 : i32
          %get3A_211 = arith.index_cast %add3A_210 : i32 to index
          %get3A_212 = arith.constant 0 : index
          %get3A_213 = tpu.vector_load %arg13[%get3A_211, %get3A_212] {strides = array<i32>} : memref<196x192xf32, #tpu.memory_space<vmem>>, vector<16xf32>,
          %mul3A_214 = arith.mulf %get3A_213, %gather3A_186 : vector<16xf32>
          %add3A_215 = arith.addf %add3A_208, %mul3A_214 : vector<16xf32>
          %add3A_216 = arith.constant 147 : i32
          %add3A_217 = arith.addi %add3A_216, %scan3A_165 : i32
          %get3A_218 = arith.index_cast %add3A_217 : i32 to index
          %get3A_219 = arith.constant 0 : index
          %get3A_220 = tpu.vector_load %arg13[%get3A_218, %get3A_219] {strides = array<i32>} : memref<196x192xf32, #tpu.memory_space<vmem>>, vector<16xf32>,
          %mul3A_221 = arith.mulf %get3A_220, %gather3A_193 : vector<16xf32>
          %add3A_222 = arith.addf %add3A_215, %mul3A_221 : vector<16xf32>
          %add3A_223 = arith.constant 0 : i32
          %add3A_224 = arith.addi %mul3A_195, %add3A_223 : i32
          %swap3A_225 = arith.index_cast %add3A_224 : i32 to index
          %swap3A_226 = tpu.vector_load %arg15[%swap3A_225] {strides = array<i32>} : memref<9408xf32, #tpu.memory_space<vmem>>, vector<16xf32>,
          tpu.vector_store %arg15[%swap3A_225], %add3A_222 {strides = array<i32>} : memref<9408xf32, #tpu.memory_space<vmem>>, vector<16xf32>,
          %add3A_227 = arith.constant 0 : i32
          %add3A_228 = arith.addi %add3A_227, %scan3A_165 : i32
          %get3A_229 = arith.index_cast %add3A_228 : i32 to index
          %get3A_230 = arith.constant 16 : index
          %get3A_231 = tpu.vector_load %arg13[%get3A_229, %get3A_230] {strides = array<i32>} : memref<196x192xf32, #tpu.memory_space<vmem>>, vector<16xf32>,
          %mul3A_232 = arith.mulf %get3A_231, %gather3A : vector<16xf32>
          %add3A_233 = arith.constant 49 : i32
          %add3A_234 = arith.addi %add3A_233, %scan3A_165 : i32
          %get3A_235 = arith.index_cast %add3A_234 : i32 to index
          %get3A_236 = arith.constant 16 : index
          %get3A_237 = tpu.vector_load %arg13[%get3A_235, %get3A_236] {strides = array<i32>} : memref<196x192xf32, #tpu.memory_space<vmem>>, vector<16xf32>,
          %mul3A_238 = arith.mulf %get3A_237, %gather3A_179 : vector<16xf32>
          %add3A_239 = arith.addf %mul3A_232, %mul3A_238 : vector<16xf32>
          %add3A_240 = arith.constant 98 : i32
          %add3A_241 = arith.addi %add3A_240, %scan3A_165 : i32
          %get3A_242 = arith.index_cast %add3A_241 : i32 to index
          %get3A_243 = arith.constant 16 : index
          %get3A_244 = tpu.vector_load %arg13[%get3A_242, %get3A_243] {strides = array<i32>} : memref<196x192xf32, #tpu.memory_space<vmem>>, vector<16xf32>,
          %mul3A_245 = arith.mulf %get3A_244, %gather3A_186 : vector<16xf32>
          %add3A_246 = arith.addf %add3A_239, %mul3A_245 : vector<16xf32>
          %add3A_247 = arith.constant 147 : i32
          %add3A_248 = arith.addi %add3A_247, %scan3A_165 : i32
          %get3A_249 = arith.index_cast %add3A_248 : i32 to index
          %get3A_250 = arith.constant 16 : index
          %get3A_251 = tpu.vector_load %arg13[%get3A_249, %get3A_250] {strides = array<i32>} : memref<196x192xf32, #tpu.memory_space<vmem>>, vector<16xf32>,
          %mul3A_252 = arith.mulf %get3A_251, %gather3A_193 : vector<16xf32>
          %add3A_253 = arith.addf %add3A_246, %mul3A_252 : vector<16xf32>
          %add3A_254 = arith.constant 16 : i32
          %add3A_255 = arith.addi %mul3A_195, %add3A_254 : i32
          %swap3A_256 = arith.index_cast %add3A_255 : i32 to index
          %swap3A_257 = tpu.vector_load %arg15[%swap3A_256] {strides = array<i32>} : memref<9408xf32, #tpu.memory_space<vmem>>, vector<16xf32>,
          tpu.vector_store %arg15[%swap3A_256], %add3A_253 {strides = array<i32>} : memref<9408xf32, #tpu.memory_space<vmem>>, vector<16xf32>,
          %add3A_258 = arith.constant 0 : i32
          %add3A_259 = arith.addi %add3A_258, %scan3A_165 : i32
          %get3A_260 = arith.index_cast %add3A_259 : i32 to index
          %get3A_261 = arith.constant 32 : index
          %get3A_262 = tpu.vector_load %arg13[%get3A_260, %get3A_261] {strides = array<i32>} : memref<196x192xf32, #tpu.memory_space<vmem>>, vector<16xf32>,
          %mul3A_263 = arith.mulf %get3A_262, %gather3A : vector<16xf32>
          %add3A_264 = arith.constant 49 : i32
          %add3A_265 = arith.addi %add3A_264, %scan3A_165 : i32
          %get3A_266 = arith.index_cast %add3A_265 : i32 to index
          %get3A_267 = arith.constant 32 : index
          %get3A_268 = tpu.vector_load %arg13[%get3A_266, %get3A_267] {strides = array<i32>} : memref<196x192xf32, #tpu.memory_space<vmem>>, vector<16xf32>,
          %mul3A_269 = arith.mulf %get3A_268, %gather3A_179 : vector<16xf32>
          %add3A_270 = arith.addf %mul3A_263, %mul3A_269 : vector<16xf32>
          %add3A_271 = arith.constant 98 : i32
          %add3A_272 = arith.addi %add3A_271, %scan3A_165 : i32
          %get3A_273 = arith.index_cast %add3A_272 : i32 to index
          %get3A_274 = arith.constant 32 : index
          %get3A_275 = tpu.vector_load %arg13[%get3A_273, %get3A_274] {strides = array<i32>} : memref<196x192xf32, #tpu.memory_space<vmem>>, vector<16xf32>,
          %mul3A_276 = arith.mulf %get3A_275, %gather3A_186 : vector<16xf32>
          %add3A_277 = arith.addf %add3A_270, %mul3A_276 : vector<16xf32>
          %add3A_278 = arith.constant 147 : i32
          %add3A_279 = arith.addi %add3A_278, %scan3A_165 : i32
          %get3A_280 = arith.index_cast %add3A_279 : i32 to index
          %get3A_281 = arith.constant 32 : index
          %get3A_282 = tpu.vector_load %arg13[%get3A_280, %get3A_281] {strides = array<i32>} : memref<196x192xf32, #tpu.memory_space<vmem>>, vector<16xf32>,
          %mul3A_283 = arith.mulf %get3A_282, %gather3A_193 : vector<16xf32>
          %add3A_284 = arith.addf %add3A_277, %mul3A_283 : vector<16xf32>
          %add3A_285 = arith.constant 32 : i32
          %add3A_286 = arith.addi %mul3A_195, %add3A_285 : i32
          %swap3A_287 = arith.index_cast %add3A_286 : i32 to index
          %swap3A_288 = tpu.vector_load %arg15[%swap3A_287] {strides = array<i32>} : memref<9408xf32, #tpu.memory_space<vmem>>, vector<16xf32>,
          tpu.vector_store %arg15[%swap3A_287], %add3A_284 {strides = array<i32>} : memref<9408xf32, #tpu.memory_space<vmem>>, vector<16xf32>,
          %add3A_289 = arith.constant 0 : i32
          %add3A_290 = arith.addi %add3A_289, %scan3A_165 : i32
          %get3A_291 = arith.index_cast %add3A_290 : i32 to index
          %get3A_292 = arith.constant 48 : index
          %get3A_293 = tpu.vector_load %arg13[%get3A_291, %get3A_292] {strides = array<i32>} : memref<196x192xf32, #tpu.memory_space<vmem>>, vector<16xf32>,
          %mul3A_294 = arith.mulf %get3A_293, %gather3A : vector<16xf32>
          %add3A_295 = arith.constant 49 : i32
          %add3A_296 = arith.addi %add3A_295, %scan3A_165 : i32
          %get3A_297 = arith.index_cast %add3A_296 : i32 to index
          %get3A_298 = arith.constant 48 : index
          %get3A_299 = tpu.vector_load %arg13[%get3A_297, %get3A_298] {strides = array<i32>} : memref<196x192xf32, #tpu.memory_space<vmem>>, vector<16xf32>,
          %mul3A_300 = arith.mulf %get3A_299, %gather3A_179 : vector<16xf32>
          %add3A_301 = arith.addf %mul3A_294, %mul3A_300 : vector<16xf32>
          %add3A_302 = arith.constant 98 : i32
          %add3A_303 = arith.addi %add3A_302, %scan3A_165 : i32
          %get3A_304 = arith.index_cast %add3A_303 : i32 to index
          %get3A_305 = arith.constant 48 : index
          %get3A_306 = tpu.vector_load %arg13[%get3A_304, %get3A_305] {strides = array<i32>} : memref<196x192xf32, #tpu.memory_space<vmem>>, vector<16xf32>,
          %mul3A_307 = arith.mulf %get3A_306, %gather3A_186 : vector<16xf32>
          %add3A_308 = arith.addf %add3A_301, %mul3A_307 : vector<16xf32>
          %add3A_309 = arith.constant 147 : i32
          %add3A_310 = arith.addi %add3A_309, %scan3A_165 : i32
          %get3A_311 = arith.index_cast %add3A_310 : i32 to index
          %get3A_312 = arith.constant 48 : index
          %get3A_313 = tpu.vector_load %arg13[%get3A_311, %get3A_312] {strides = array<i32>} : memref<196x192xf32, #tpu.memory_space<vmem>>, vector<16xf32>,
          %mul3A_314 = arith.mulf %get3A_313, %gather3A_193 : vector<16xf32>
          %add3A_315 = arith.addf %add3A_308, %mul3A_314 : vector<16xf32>
          %add3A_316 = arith.constant 48 : i32
          %add3A_317 = arith.addi %mul3A_195, %add3A_316 : i32
          %swap3A_318 = arith.index_cast %add3A_317 : i32 to index
          %swap3A_319 = tpu.vector_load %arg15[%swap3A_318] {strides = array<i32>} : memref<9408xf32, #tpu.memory_space<vmem>>, vector<16xf32>,
          tpu.vector_store %arg15[%swap3A_318], %add3A_315 {strides = array<i32>} : memref<9408xf32, #tpu.memory_space<vmem>>, vector<16xf32>,
          %add3A_320 = arith.constant 0 : i32
          %add3A_321 = arith.addi %add3A_320, %scan3A_165 : i32
          %get3A_322 = arith.index_cast %add3A_321 : i32 to index
          %get3A_323 = arith.constant 64 : index
          %get3A_324 = tpu.vector_load %arg13[%get3A_322, %get3A_323] {strides = array<i32>} : memref<196x192xf32, #tpu.memory_space<vmem>>, vector<16xf32>,
          %mul3A_325 = arith.mulf %get3A_324, %gather3A : vector<16xf32>
          %add3A_326 = arith.constant 49 : i32
          %add3A_327 = arith.addi %add3A_326, %scan3A_165 : i32
          %get3A_328 = arith.index_cast %add3A_327 : i32 to index
          %get3A_329 = arith.constant 64 : index
          %get3A_330 = tpu.vector_load %arg13[%get3A_328, %get3A_329] {strides = array<i32>} : memref<196x192xf32, #tpu.memory_space<vmem>>, vector<16xf32>,
          %mul3A_331 = arith.mulf %get3A_330, %gather3A_179 : vector<16xf32>
          %add3A_332 = arith.addf %mul3A_325, %mul3A_331 : vector<16xf32>
          %add3A_333 = arith.constant 98 : i32
          %add3A_334 = arith.addi %add3A_333, %scan3A_165 : i32
          %get3A_335 = arith.index_cast %add3A_334 : i32 to index
          %get3A_336 = arith.constant 64 : index
          %get3A_337 = tpu.vector_load %arg13[%get3A_335, %get3A_336] {strides = array<i32>} : memref<196x192xf32, #tpu.memory_space<vmem>>, vector<16xf32>,
          %mul3A_338 = arith.mulf %get3A_337, %gather3A_186 : vector<16xf32>
          %add3A_339 = arith.addf %add3A_332, %mul3A_338 : vector<16xf32>
          %add3A_340 = arith.constant 147 : i32
          %add3A_341 = arith.addi %add3A_340, %scan3A_165 : i32
          %get3A_342 = arith.index_cast %add3A_341 : i32 to index
          %get3A_343 = arith.constant 64 : index
          %get3A_344 = tpu.vector_load %arg13[%get3A_342, %get3A_343] {strides = array<i32>} : memref<196x192xf32, #tpu.memory_space<vmem>>, vector<16xf32>,
          %mul3A_345 = arith.mulf %get3A_344, %gather3A_193 : vector<16xf32>
          %add3A_346 = arith.addf %add3A_339, %mul3A_345 : vector<16xf32>
          %add3A_347 = arith.constant 64 : i32
          %add3A_348 = arith.addi %mul3A_195, %add3A_347 : i32
          %swap3A_349 = arith.index_cast %add3A_348 : i32 to index
          %swap3A_350 = tpu.vector_load %arg15[%swap3A_349] {strides = array<i32>} : memref<9408xf32, #tpu.memory_space<vmem>>, vector<16xf32>,
          tpu.vector_store %arg15[%swap3A_349], %add3A_346 {strides = array<i32>} : memref<9408xf32, #tpu.memory_space<vmem>>, vector<16xf32>,
          %add3A_351 = arith.constant 0 : i32
          %add3A_352 = arith.addi %add3A_351, %scan3A_165 : i32
          %get3A_353 = arith.index_cast %add3A_352 : i32 to index
          %get3A_354 = arith.constant 80 : index
          %get3A_355 = tpu.vector_load %arg13[%get3A_353, %get3A_354] {strides = array<i32>} : memref<196x192xf32, #tpu.memory_space<vmem>>, vector<16xf32>,
          %mul3A_356 = arith.mulf %get3A_355, %gather3A : vector<16xf32>
          %add3A_357 = arith.constant 49 : i32
          %add3A_358 = arith.addi %add3A_357, %scan3A_165 : i32
          %get3A_359 = arith.index_cast %add3A_358 : i32 to index
          %get3A_360 = arith.constant 80 : index
          %get3A_361 = tpu.vector_load %arg13[%get3A_359, %get3A_360] {strides = array<i32>} : memref<196x192xf32, #tpu.memory_space<vmem>>, vector<16xf32>,
          %mul3A_362 = arith.mulf %get3A_361, %gather3A_179 : vector<16xf32>
          %add3A_363 = arith.addf %mul3A_356, %mul3A_362 : vector<16xf32>
          %add3A_364 = arith.constant 98 : i32
          %add3A_365 = arith.addi %add3A_364, %scan3A_165 : i32
          %get3A_366 = arith.index_cast %add3A_365 : i32 to index
          %get3A_367 = arith.constant 80 : index
          %get3A_368 = tpu.vector_load %arg13[%get3A_366, %get3A_367] {strides = array<i32>} : memref<196x192xf32, #tpu.memory_space<vmem>>, vector<16xf32>,
          %mul3A_369 = arith.mulf %get3A_368, %gather3A_186 : vector<16xf32>
          %add3A_370 = arith.addf %add3A_363, %mul3A_369 : vector<16xf32>
          %add3A_371 = arith.constant 147 : i32
          %add3A_372 = arith.addi %add3A_371, %scan3A_165 : i32
          %get3A_373 = arith.index_cast %add3A_372 : i32 to index
          %get3A_374 = arith.constant 80 : index
          %get3A_375 = tpu.vector_load %arg13[%get3A_373, %get3A_374] {strides = array<i32>} : memref<196x192xf32, #tpu.memory_space<vmem>>, vector<16xf32>,
          %mul3A_376 = arith.mulf %get3A_375, %gather3A_193 : vector<16xf32>
          %add3A_377 = arith.addf %add3A_370, %mul3A_376 : vector<16xf32>
          %add3A_378 = arith.constant 80 : i32
          %add3A_379 = arith.addi %mul3A_195, %add3A_378 : i32
          %swap3A_380 = arith.index_cast %add3A_379 : i32 to index
          %swap3A_381 = tpu.vector_load %arg15[%swap3A_380] {strides = array<i32>} : memref<9408xf32, #tpu.memory_space<vmem>>, vector<16xf32>,
          tpu.vector_store %arg15[%swap3A_380], %add3A_377 {strides = array<i32>} : memref<9408xf32, #tpu.memory_space<vmem>>, vector<16xf32>,
          %add3A_382 = arith.constant 0 : i32
          %add3A_383 = arith.addi %add3A_382, %scan3A_165 : i32
          %get3A_384 = arith.index_cast %add3A_383 : i32 to index
          %get3A_385 = arith.constant 96 : index
          %get3A_386 = tpu.vector_load %arg13[%get3A_384, %get3A_385] {strides = array<i32>} : memref<196x192xf32, #tpu.memory_space<vmem>>, vector<16xf32>,
          %mul3A_387 = arith.mulf %get3A_386, %gather3A : vector<16xf32>
          %add3A_388 = arith.constant 49 : i32
          %add3A_389 = arith.addi %add3A_388, %scan3A_165 : i32
          %get3A_390 = arith.index_cast %add3A_389 : i32 to index
          %get3A_391 = arith.constant 96 : index
          %get3A_392 = tpu.vector_load %arg13[%get3A_390, %get3A_391] {strides = array<i32>} : memref<196x192xf32, #tpu.memory_space<vmem>>, vector<16xf32>,
          %mul3A_393 = arith.mulf %get3A_392, %gather3A_179 : vector<16xf32>
          %add3A_394 = arith.addf %mul3A_387, %mul3A_393 : vector<16xf32>
          %add3A_395 = arith.constant 98 : i32
          %add3A_396 = arith.addi %add3A_395, %scan3A_165 : i32
          %get3A_397 = arith.index_cast %add3A_396 : i32 to index
          %get3A_398 = arith.constant 96 : index
          %get3A_399 = tpu.vector_load %arg13[%get3A_397, %get3A_398] {strides = array<i32>} : memref<196x192xf32, #tpu.memory_space<vmem>>, vector<16xf32>,
          %mul3A_400 = arith.mulf %get3A_399, %gather3A_186 : vector<16xf32>
          %add3A_401 = arith.addf %add3A_394, %mul3A_400 : vector<16xf32>
          %add3A_402 = arith.constant 147 : i32
          %add3A_403 = arith.addi %add3A_402, %scan3A_165 : i32
          %get3A_404 = arith.index_cast %add3A_403 : i32 to index
          %get3A_405 = arith.constant 96 : index
          %get3A_406 = tpu.vector_load %arg13[%get3A_404, %get3A_405] {strides = array<i32>} : memref<196x192xf32, #tpu.memory_space<vmem>>, vector<16xf32>,
          %mul3A_407 = arith.mulf %get3A_406, %gather3A_193 : vector<16xf32>
          %add3A_408 = arith.addf %add3A_401, %mul3A_407 : vector<16xf32>
          %add3A_409 = arith.constant 96 : i32
          %add3A_410 = arith.addi %mul3A_195, %add3A_409 : i32
          %swap3A_411 = arith.index_cast %add3A_410 : i32 to index
          %swap3A_412 = tpu.vector_load %arg15[%swap3A_411] {strides = array<i32>} : memref<9408xf32, #tpu.memory_space<vmem>>, vector<16xf32>,
          tpu.vector_store %arg15[%swap3A_411], %add3A_408 {strides = array<i32>} : memref<9408xf32, #tpu.memory_space<vmem>>, vector<16xf32>,
          %add3A_413 = arith.constant 0 : i32
          %add3A_414 = arith.addi %add3A_413, %scan3A_165 : i32
          %get3A_415 = arith.index_cast %add3A_414 : i32 to index
          %get3A_416 = arith.constant 112 : index
          %get3A_417 = tpu.vector_load %arg13[%get3A_415, %get3A_416] {strides = array<i32>} : memref<196x192xf32, #tpu.memory_space<vmem>>, vector<16xf32>,
          %mul3A_418 = arith.mulf %get3A_417, %gather3A : vector<16xf32>
          %add3A_419 = arith.constant 49 : i32
          %add3A_420 = arith.addi %add3A_419, %scan3A_165 : i32
          %get3A_421 = arith.index_cast %add3A_420 : i32 to index
          %get3A_422 = arith.constant 112 : index
          %get3A_423 = tpu.vector_load %arg13[%get3A_421, %get3A_422] {strides = array<i32>} : memref<196x192xf32, #tpu.memory_space<vmem>>, vector<16xf32>,
          %mul3A_424 = arith.mulf %get3A_423, %gather3A_179 : vector<16xf32>
          %add3A_425 = arith.addf %mul3A_418, %mul3A_424 : vector<16xf32>
          %add3A_426 = arith.constant 98 : i32
          %add3A_427 = arith.addi %add3A_426, %scan3A_165 : i32
          %get3A_428 = arith.index_cast %add3A_427 : i32 to index
          %get3A_429 = arith.constant 112 : index
          %get3A_430 = tpu.vector_load %arg13[%get3A_428, %get3A_429] {strides = array<i32>} : memref<196x192xf32, #tpu.memory_space<vmem>>, vector<16xf32>,
          %mul3A_431 = arith.mulf %get3A_430, %gather3A_186 : vector<16xf32>
          %add3A_432 = arith.addf %add3A_425, %mul3A_431 : vector<16xf32>
          %add3A_433 = arith.constant 147 : i32
          %add3A_434 = arith.addi %add3A_433, %scan3A_165 : i32
          %get3A_435 = arith.index_cast %add3A_434 : i32 to index
          %get3A_436 = arith.constant 112 : index
          %get3A_437 = tpu.vector_load %arg13[%get3A_435, %get3A_436] {strides = array<i32>} : memref<196x192xf32, #tpu.memory_space<vmem>>, vector<16xf32>,
          %mul3A_438 = arith.mulf %get3A_437, %gather3A_193 : vector<16xf32>
          %add3A_439 = arith.addf %add3A_432, %mul3A_438 : vector<16xf32>
          %add3A_440 = arith.constant 112 : i32
          %add3A_441 = arith.addi %mul3A_195, %add3A_440 : i32
          %swap3A_442 = arith.index_cast %add3A_441 : i32 to index
          %swap3A_443 = tpu.vector_load %arg15[%swap3A_442] {strides = array<i32>} : memref<9408xf32, #tpu.memory_space<vmem>>, vector<16xf32>,
          tpu.vector_store %arg15[%swap3A_442], %add3A_439 {strides = array<i32>} : memref<9408xf32, #tpu.memory_space<vmem>>, vector<16xf32>,
          %add3A_444 = arith.constant 0 : i32
          %add3A_445 = arith.addi %add3A_444, %scan3A_165 : i32
          %get3A_446 = arith.index_cast %add3A_445 : i32 to index
          %get3A_447 = arith.constant 128 : index
          %get3A_448 = tpu.vector_load %arg13[%get3A_446, %get3A_447] {strides = array<i32>} : memref<196x192xf32, #tpu.memory_space<vmem>>, vector<16xf32>,
          %mul3A_449 = arith.mulf %get3A_448, %gather3A : vector<16xf32>
          %add3A_450 = arith.constant 49 : i32
          %add3A_451 = arith.addi %add3A_450, %scan3A_165 : i32
          %get3A_452 = arith.index_cast %add3A_451 : i32 to index
          %get3A_453 = arith.constant 128 : index
          %get3A_454 = tpu.vector_load %arg13[%get3A_452, %get3A_453] {strides = array<i32>} : memref<196x192xf32, #tpu.memory_space<vmem>>, vector<16xf32>,
          %mul3A_455 = arith.mulf %get3A_454, %gather3A_179 : vector<16xf32>
          %add3A_456 = arith.addf %mul3A_449, %mul3A_455 : vector<16xf32>
          %add3A_457 = arith.constant 98 : i32
          %add3A_458 = arith.addi %add3A_457, %scan3A_165 : i32
          %get3A_459 = arith.index_cast %add3A_458 : i32 to index
          %get3A_460 = arith.constant 128 : index
          %get3A_461 = tpu.vector_load %arg13[%get3A_459, %get3A_460] {strides = array<i32>} : memref<196x192xf32, #tpu.memory_space<vmem>>, vector<16xf32>,
          %mul3A_462 = arith.mulf %get3A_461, %gather3A_186 : vector<16xf32>
          %add3A_463 = arith.addf %add3A_456, %mul3A_462 : vector<16xf32>
          %add3A_464 = arith.constant 147 : i32
          %add3A_465 = arith.addi %add3A_464, %scan3A_165 : i32
          %get3A_466 = arith.index_cast %add3A_465 : i32 to index
          %get3A_467 = arith.constant 128 : index
          %get3A_468 = tpu.vector_load %arg13[%get3A_466, %get3A_467] {strides = array<i32>} : memref<196x192xf32, #tpu.memory_space<vmem>>, vector<16xf32>,
          %mul3A_469 = arith.mulf %get3A_468, %gather3A_193 : vector<16xf32>
          %add3A_470 = arith.addf %add3A_463, %mul3A_469 : vector<16xf32>
          %add3A_471 = arith.constant 128 : i32
          %add3A_472 = arith.addi %mul3A_195, %add3A_471 : i32
          %swap3A_473 = arith.index_cast %add3A_472 : i32 to index
          %swap3A_474 = tpu.vector_load %arg15[%swap3A_473] {strides = array<i32>} : memref<9408xf32, #tpu.memory_space<vmem>>, vector<16xf32>,
          tpu.vector_store %arg15[%swap3A_473], %add3A_470 {strides = array<i32>} : memref<9408xf32, #tpu.memory_space<vmem>>, vector<16xf32>,
          %add3A_475 = arith.constant 0 : i32
          %add3A_476 = arith.addi %add3A_475, %scan3A_165 : i32
          %get3A_477 = arith.index_cast %add3A_476 : i32 to index
          %get3A_478 = arith.constant 144 : index
          %get3A_479 = tpu.vector_load %arg13[%get3A_477, %get3A_478] {strides = array<i32>} : memref<196x192xf32, #tpu.memory_space<vmem>>, vector<16xf32>,
          %mul3A_480 = arith.mulf %get3A_479, %gather3A : vector<16xf32>
          %add3A_481 = arith.constant 49 : i32
          %add3A_482 = arith.addi %add3A_481, %scan3A_165 : i32
          %get3A_483 = arith.index_cast %add3A_482 : i32 to index
          %get3A_484 = arith.constant 144 : index
          %get3A_485 = tpu.vector_load %arg13[%get3A_483, %get3A_484] {strides = array<i32>} : memref<196x192xf32, #tpu.memory_space<vmem>>, vector<16xf32>,
          %mul3A_486 = arith.mulf %get3A_485, %gather3A_179 : vector<16xf32>
          %add3A_487 = arith.addf %mul3A_480, %mul3A_486 : vector<16xf32>
          %add3A_488 = arith.constant 98 : i32
          %add3A_489 = arith.addi %add3A_488, %scan3A_165 : i32
          %get3A_490 = arith.index_cast %add3A_489 : i32 to index
          %get3A_491 = arith.constant 144 : index
          %get3A_492 = tpu.vector_load %arg13[%get3A_490, %get3A_491] {strides = array<i32>} : memref<196x192xf32, #tpu.memory_space<vmem>>, vector<16xf32>,
          %mul3A_493 = arith.mulf %get3A_492, %gather3A_186 : vector<16xf32>
          %add3A_494 = arith.addf %add3A_487, %mul3A_493 : vector<16xf32>
          %add3A_495 = arith.constant 147 : i32
          %add3A_496 = arith.addi %add3A_495, %scan3A_165 : i32
          %get3A_497 = arith.index_cast %add3A_496 : i32 to index
          %get3A_498 = arith.constant 144 : index
          %get3A_499 = tpu.vector_load %arg13[%get3A_497, %get3A_498] {strides = array<i32>} : memref<196x192xf32, #tpu.memory_space<vmem>>, vector<16xf32>,
          %mul3A_500 = arith.mulf %get3A_499, %gather3A_193 : vector<16xf32>
          %add3A_501 = arith.addf %add3A_494, %mul3A_500 : vector<16xf32>
          %add3A_502 = arith.constant 144 : i32
          %add3A_503 = arith.addi %mul3A_195, %add3A_502 : i32
          %swap3A_504 = arith.index_cast %add3A_503 : i32 to index
          %swap3A_505 = tpu.vector_load %arg15[%swap3A_504] {strides = array<i32>} : memref<9408xf32, #tpu.memory_space<vmem>>, vector<16xf32>,
          tpu.vector_store %arg15[%swap3A_504], %add3A_501 {strides = array<i32>} : memref<9408xf32, #tpu.memory_space<vmem>>, vector<16xf32>,
          %add3A_506 = arith.constant 0 : i32
          %add3A_507 = arith.addi %add3A_506, %scan3A_165 : i32
          %get3A_508 = arith.index_cast %add3A_507 : i32 to index
          %get3A_509 = arith.constant 160 : index
          %get3A_510 = tpu.vector_load %arg13[%get3A_508, %get3A_509] {strides = array<i32>} : memref<196x192xf32, #tpu.memory_space<vmem>>, vector<16xf32>,
          %mul3A_511 = arith.mulf %get3A_510, %gather3A : vector<16xf32>
          %add3A_512 = arith.constant 49 : i32
          %add3A_513 = arith.addi %add3A_512, %scan3A_165 : i32
          %get3A_514 = arith.index_cast %add3A_513 : i32 to index
          %get3A_515 = arith.constant 160 : index
          %get3A_516 = tpu.vector_load %arg13[%get3A_514, %get3A_515] {strides = array<i32>} : memref<196x192xf32, #tpu.memory_space<vmem>>, vector<16xf32>,
          %mul3A_517 = arith.mulf %get3A_516, %gather3A_179 : vector<16xf32>
          %add3A_518 = arith.addf %mul3A_511, %mul3A_517 : vector<16xf32>
          %add3A_519 = arith.constant 98 : i32
          %add3A_520 = arith.addi %add3A_519, %scan3A_165 : i32
          %get3A_521 = arith.index_cast %add3A_520 : i32 to index
          %get3A_522 = arith.constant 160 : index
          %get3A_523 = tpu.vector_load %arg13[%get3A_521, %get3A_522] {strides = array<i32>} : memref<196x192xf32, #tpu.memory_space<vmem>>, vector<16xf32>,
          %mul3A_524 = arith.mulf %get3A_523, %gather3A_186 : vector<16xf32>
          %add3A_525 = arith.addf %add3A_518, %mul3A_524 : vector<16xf32>
          %add3A_526 = arith.constant 147 : i32
          %add3A_527 = arith.addi %add3A_526, %scan3A_165 : i32
          %get3A_528 = arith.index_cast %add3A_527 : i32 to index
          %get3A_529 = arith.constant 160 : index
          %get3A_530 = tpu.vector_load %arg13[%get3A_528, %get3A_529] {strides = array<i32>} : memref<196x192xf32, #tpu.memory_space<vmem>>, vector<16xf32>,
          %mul3A_531 = arith.mulf %get3A_530, %gather3A_193 : vector<16xf32>
          %add3A_532 = arith.addf %add3A_525, %mul3A_531 : vector<16xf32>
          %add3A_533 = arith.constant 160 : i32
          %add3A_534 = arith.addi %mul3A_195, %add3A_533 : i32
          %swap3A_535 = arith.index_cast %add3A_534 : i32 to index
          %swap3A_536 = tpu.vector_load %arg15[%swap3A_535] {strides = array<i32>} : memref<9408xf32, #tpu.memory_space<vmem>>, vector<16xf32>,
          tpu.vector_store %arg15[%swap3A_535], %add3A_532 {strides = array<i32>} : memref<9408xf32, #tpu.memory_space<vmem>>, vector<16xf32>,
          %add3A_537 = arith.constant 0 : i32
          %add3A_538 = arith.addi %add3A_537, %scan3A_165 : i32
          %get3A_539 = arith.index_cast %add3A_538 : i32 to index
          %get3A_540 = arith.constant 176 : index
          %get3A_541 = tpu.vector_load %arg13[%get3A_539, %get3A_540] {strides = array<i32>} : memref<196x192xf32, #tpu.memory_space<vmem>>, vector<16xf32>,
          %mul3A_542 = arith.mulf %get3A_541, %gather3A : vector<16xf32>
          %add3A_543 = arith.constant 49 : i32
          %add3A_544 = arith.addi %add3A_543, %scan3A_165 : i32
          %get3A_545 = arith.index_cast %add3A_544 : i32 to index
          %get3A_546 = arith.constant 176 : index
          %get3A_547 = tpu.vector_load %arg13[%get3A_545, %get3A_546] {strides = array<i32>} : memref<196x192xf32, #tpu.memory_space<vmem>>, vector<16xf32>,
          %mul3A_548 = arith.mulf %get3A_547, %gather3A_179 : vector<16xf32>
          %add3A_549 = arith.addf %mul3A_542, %mul3A_548 : vector<16xf32>
          %add3A_550 = arith.constant 98 : i32
          %add3A_551 = arith.addi %add3A_550, %scan3A_165 : i32
          %get3A_552 = arith.index_cast %add3A_551 : i32 to index
          %get3A_553 = arith.constant 176 : index
          %get3A_554 = tpu.vector_load %arg13[%get3A_552, %get3A_553] {strides = array<i32>} : memref<196x192xf32, #tpu.memory_space<vmem>>, vector<16xf32>,
          %mul3A_555 = arith.mulf %get3A_554, %gather3A_186 : vector<16xf32>
          %add3A_556 = arith.addf %add3A_549, %mul3A_555 : vector<16xf32>
          %add3A_557 = arith.constant 147 : i32
          %add3A_558 = arith.addi %add3A_557, %scan3A_165 : i32
          %get3A_559 = arith.index_cast %add3A_558 : i32 to index
          %get3A_560 = arith.constant 176 : index
          %get3A_561 = tpu.vector_load %arg13[%get3A_559, %get3A_560] {strides = array<i32>} : memref<196x192xf32, #tpu.memory_space<vmem>>, vector<16xf32>,
          %mul3A_562 = arith.mulf %get3A_561, %gather3A_193 : vector<16xf32>
          %add3A_563 = arith.addf %add3A_556, %mul3A_562 : vector<16xf32>
          %add3A_564 = arith.constant 176 : i32
          %add3A_565 = arith.addi %mul3A_195, %add3A_564 : i32
          %swap3A_566 = arith.index_cast %add3A_565 : i32 to index
          %swap3A_567 = tpu.vector_load %arg15[%swap3A_566] {strides = array<i32>} : memref<9408xf32, #tpu.memory_space<vmem>>, vector<16xf32>,
          tpu.vector_store %arg15[%swap3A_566], %add3A_563 {strides = array<i32>} : memref<9408xf32, #tpu.memory_space<vmem>>, vector<16xf32>,
          %scan3A_568 = arith.constant 0 : i32
          scf.yield %scan3A_568 : i32
        }
        %scan3A_154 = arith.constant 49 : i32
        %add3A_155 = arith.addi %mul3A_2, %add3A_64 : i32
        %dma_start3A = arith.constant 0 : i32
        %dma_start3A_156 = tpu.memref_slice %arg7[%add3A_155, %dma_start3A] : memref<1000x9408xf32, #tpu.memory_space<hbm>> -> memref<1x9408xf32, #tpu.memory_space<hbm>>
        %dma_start3A_157 = tpu.memref_squeeze %dma_start3A_156 : memref<1x9408xf32, #tpu.memory_space<hbm>> -> memref<9408xf32, #tpu.memory_space<hbm>>
        %dma_start3A_158 = arith.constant 0 : i32
        %dma_start3A_159 = tpu.memref_slice %arg7[%add3A_155, %dma_start3A_158] : memref<1000x9408xf32, #tpu.memory_space<hbm>> -> memref<1x9408xf32, #tpu.memory_space<hbm>>
        %dma_start3A_160 = tpu.memref_squeeze %dma_start3A_159 : memref<1x9408xf32, #tpu.memory_space<hbm>> -> memref<9408xf32, #tpu.memory_space<hbm>>
        tpu.enqueue_dma source(%arg15 : memref<9408xf32, #tpu.memory_space<vmem>>) target(%dma_start3A_160 : memref<9408xf32, #tpu.memory_space<hbm>>) target_semaphore(%arg24 : memref<!tpu.dma_semaphore, #tpu.memory_space<semaphore_mem>>)
        %swap3A_161 = arith.constant 1 : i32
        %swap3A_162 = arith.constant 0 : i32
        %swap3A_163 = arith.index_cast %swap3A_162 : i32 to index
        %swap3A_164 = memref.load %arg20[%swap3A_163] : memref<2xi32, #tpu.memory_space<smem>>
        memref.store %swap3A_161, %arg20[%swap3A_163] : memref<2xi32, #tpu.memory_space<smem>>
      } else {
      }
      %get3A_83 = arith.index_cast %add3A_64 : i32 to index
      %get3A_84 = memref.load %arg19[%get3A_83] : memref<32xi32, #tpu.memory_space<smem>>
      %eq3A_85 = arith.constant 1 : i32
      %eq3A_86 = arith.cmpi eq, %get3A_84, %eq3A_85 : i32
      %convert_element_type3A_87 = arith.extui %eq3A_86 : i1 to i32
      %cond3A_88 = arith.constant 0 : i32
      %cond3A_89 = arith.cmpi ne, %convert_element_type3A_87, %cond3A_88 : i32
      scf.if %cond3A_89 {
        %add3A_121 = arith.addi %mul3A_2, %add3A_64 : i32
        %dma_start3A = arith.constant 0 : i32
        %dma_start3A_122 = tpu.memref_slice %arg7[%add3A_121, %dma_start3A] : memref<1000x9408xf32, #tpu.memory_space<hbm>> -> memref<1x9408xf32, #tpu.memory_space<hbm>>
        %dma_start3A_123 = tpu.memref_squeeze %dma_start3A_122 : memref<1x9408xf32, #tpu.memory_space<hbm>> -> memref<9408xf32, #tpu.memory_space<hbm>>
        %dma_start3A_124 = arith.constant 0 : i32
        %dma_start3A_125 = tpu.memref_slice %arg7[%add3A_121, %dma_start3A_124] : memref<1000x9408xf32, #tpu.memory_space<hbm>> -> memref<1x9408xf32, #tpu.memory_space<hbm>>
        %dma_start3A_126 = tpu.memref_squeeze %dma_start3A_125 : memref<1x9408xf32, #tpu.memory_space<hbm>> -> memref<9408xf32, #tpu.memory_space<hbm>>
        tpu.enqueue_dma source(%arg17 : memref<9408xf32, #tpu.memory_space<vmem>>) target(%dma_start3A_126 : memref<9408xf32, #tpu.memory_space<hbm>>) target_semaphore(%arg23 : memref<!tpu.dma_semaphore, #tpu.memory_space<semaphore_mem>>)
      } else {
      }
      %mul3A_90 = arith.constant 2 : i32
      %mul3A_91 = arith.muli %scan3A_59, %mul3A_90 : i32
      %add3A_92 = arith.constant 1 : i32
      %add3A_93 = arith.addi %mul3A_91, %add3A_92 : i32
      %add3A_94 = arith.constant 1 : i32
      %add3A_95 = arith.addi %add3A_93, %add3A_94 : i32
      %lt3A_96 = arith.constant 32 : i32
      %lt3A_97 = arith.cmpi slt, %add3A_95, %lt3A_96 : i32
      %get3A_98 = arith.index_cast %add3A_95 : i32 to index
      %get3A_99 = memref.load %arg18[%get3A_98] : memref<32xi32, #tpu.memory_space<smem>>
      %eq3A_100 = arith.constant 1 : i32
      %eq3A_101 = arith.cmpi eq, %get3A_99, %eq3A_100 : i32
      %and3A_102 = arith.andi %lt3A_97, %eq3A_101 : i1
      %convert_element_type3A_103 = arith.extui %and3A_102 : i1 to i32
      %cond3A_104 = arith.constant 0 : i32
      %cond3A_105 = arith.cmpi ne, %convert_element_type3A_103, %cond3A_104 : i32
      scf.if %cond3A_105 {
        %mul3A_121 = arith.constant 208 : i32
        %mul3A_122 = arith.muli %add3A_95, %mul3A_121 : i32
        %dma_start3A = arith.constant 0 : i32
        %dma_start3A_123 = arith.constant 0 : i32
        %dma_start3A_124 = tpu.memref_slice %arg13[%dma_start3A, %dma_start3A_123] : memref<196x192xf32, #tpu.memory_space<vmem>> -> memref<128x192xf32, #tpu.memory_space<vmem>>
        %dma_start3A_125 = tpu.memref_slice %arg11[%mul3A_122] : memref<6656xi32, #tpu.memory_space<vmem>> -> memref<128xi32, #tpu.memory_space<vmem>>
        %dma_start3A_126 = arith.constant 0 : i32
        %dma_start3A_127 = arith.constant 0 : i32
        %dma_start3A_128 = tpu.memref_slice %arg2[%dma_start3A_126, %dma_start3A_127] : memref<50176x192xf32, #tpu.memory_space<hbm>> -> memref<50176x192xf32, #tpu.memory_space<hbm>>
        tpu.enqueue_indirect_dma source(%dma_start3A_128 : memref<50176x192xf32, #tpu.memory_space<hbm>>) target(%dma_start3A_124 : memref<128x192xf32, #tpu.memory_space<vmem>>) offsets(%dma_start3A_125 : memref<128xi32, #tpu.memory_space<vmem>>) semaphore(%arg21 : memref<!tpu.dma_semaphore, #tpu.memory_space<semaphore_mem>>)
        %add3A_129 = arith.constant 128 : i32
        %add3A_130 = arith.addi %mul3A_122, %add3A_129 : i32
        %dma_start3A_131 = arith.constant 128 : i32
        %dma_start3A_132 = arith.constant 0 : i32
        %dma_start3A_133 = tpu.memref_slice %arg13[%dma_start3A_131, %dma_start3A_132] : memref<196x192xf32, #tpu.memory_space<vmem>> -> memref<68x192xf32, #tpu.memory_space<vmem>>
        %dma_start3A_134 = tpu.memref_slice %arg11[%add3A_130] : memref<6656xi32, #tpu.memory_space<vmem>> -> memref<68xi32, #tpu.memory_space<vmem>>
        %dma_start3A_135 = arith.constant 0 : i32
        %dma_start3A_136 = arith.constant 0 : i32
        %dma_start3A_137 = tpu.memref_slice %arg2[%dma_start3A_135, %dma_start3A_136] : memref<50176x192xf32, #tpu.memory_space<hbm>> -> memref<50176x192xf32, #tpu.memory_space<hbm>>
        tpu.enqueue_indirect_dma source(%dma_start3A_137 : memref<50176x192xf32, #tpu.memory_space<hbm>>) target(%dma_start3A_133 : memref<68x192xf32, #tpu.memory_space<vmem>>) offsets(%dma_start3A_134 : memref<68xi32, #tpu.memory_space<vmem>>) semaphore(%arg21 : memref<!tpu.dma_semaphore, #tpu.memory_space<semaphore_mem>>)
      } else {
      }
      %get3A_106 = arith.index_cast %add3A_93 : i32 to index
      %get3A_107 = memref.load %arg18[%get3A_106] : memref<32xi32, #tpu.memory_space<smem>>
      %eq3A_108 = arith.constant 1 : i32
      %eq3A_109 = arith.cmpi eq, %get3A_107, %eq3A_108 : i32
      %convert_element_type3A_110 = arith.extui %eq3A_109 : i1 to i32
      %cond3A_111 = arith.constant 0 : i32
      %cond3A_112 = arith.cmpi ne, %convert_element_type3A_110, %cond3A_111 : i32
      scf.if %cond3A_112 {
        %mul3A_121 = arith.constant 208 : i32
        %mul3A_122 = arith.muli %add3A_93, %mul3A_121 : i32
        %dma_wait3A = arith.constant 0 : i32
        %dma_wait3A_123 = arith.constant 0 : i32
        %dma_wait3A_124 = tpu.memref_slice %arg14[%dma_wait3A, %dma_wait3A_123] : memref<196x192xf32, #tpu.memory_space<vmem>> -> memref<128x192xf32, #tpu.memory_space<vmem>>
        %dma_wait3A_125 = tpu.memref_slice %arg11[%mul3A_122] : memref<6656xi32, #tpu.memory_space<vmem>> -> memref<128xi32, #tpu.memory_space<vmem>>
        %dma_wait3A_126 = arith.constant 0 : i32
        %dma_wait3A_127 = arith.constant 0 : i32
        %dma_wait3A_128 = tpu.memref_slice %arg2[%dma_wait3A_126, %dma_wait3A_127] : memref<50176x192xf32, #tpu.memory_space<hbm>> -> memref<50176x192xf32, #tpu.memory_space<hbm>>
        tpu.wait_indirect_dma semaphore(%arg22 : memref<!tpu.dma_semaphore, #tpu.memory_space<semaphore_mem>>) src(%dma_wait3A_128 : memref<50176x192xf32, #tpu.memory_space<hbm>>) dst(%dma_wait3A_124 : memref<128x192xf32, #tpu.memory_space<vmem>>)
        %add3A_129 = arith.constant 128 : i32
        %add3A_130 = arith.addi %mul3A_122, %add3A_129 : i32
        %dma_wait3A_131 = arith.constant 128 : i32
        %dma_wait3A_132 = arith.constant 0 : i32
        %dma_wait3A_133 = tpu.memref_slice %arg14[%dma_wait3A_131, %dma_wait3A_132] : memref<196x192xf32, #tpu.memory_space<vmem>> -> memref<68x192xf32, #tpu.memory_space<vmem>>
        %dma_wait3A_134 = tpu.memref_slice %arg11[%add3A_130] : memref<6656xi32, #tpu.memory_space<vmem>> -> memref<68xi32, #tpu.memory_space<vmem>>
        %dma_wait3A_135 = arith.constant 0 : i32
        %dma_wait3A_136 = arith.constant 0 : i32
        %dma_wait3A_137 = tpu.memref_slice %arg2[%dma_wait3A_135, %dma_wait3A_136] : memref<50176x192xf32, #tpu.memory_space<hbm>> -> memref<50176x192xf32, #tpu.memory_space<hbm>>
        tpu.wait_indirect_dma semaphore(%arg22 : memref<!tpu.dma_semaphore, #tpu.memory_space<semaphore_mem>>) src(%dma_wait3A_137 : memref<50176x192xf32, #tpu.memory_space<hbm>>) dst(%dma_wait3A_133 : memref<68x192xf32, #tpu.memory_space<vmem>>)
        %get3A_138 = arith.constant 1 : i32
        %get3A_139 = arith.index_cast %get3A_138 : i32 to index
        %get3A_140 = memref.load %arg20[%get3A_139] : memref<2xi32, #tpu.memory_space<smem>>
        %eq3A_141 = arith.constant 1 : i32
        %eq3A_142 = arith.cmpi eq, %get3A_140, %eq3A_141 : i32
        %convert_element_type3A_143 = arith.extui %eq3A_142 : i1 to i32
        %cond3A_144 = arith.constant 0 : i32
        %cond3A_145 = arith.cmpi ne, %convert_element_type3A_143, %cond3A_144 : i32
        scf.if %cond3A_145 {
          %dma_wait3A_165 = arith.constant 0 : i32
          %dma_wait3A_166 = tpu.memref_slice %arg7[%mul3A_2, %dma_wait3A_165] : memref<1000x9408xf32, #tpu.memory_space<hbm>> -> memref<1x9408xf32, #tpu.memory_space<hbm>>
          %dma_wait3A_167 = tpu.memref_squeeze %dma_wait3A_166 : memref<1x9408xf32, #tpu.memory_space<hbm>> -> memref<9408xf32, #tpu.memory_space<hbm>>
          %dma_wait3A_168 = arith.constant 0 : i32
          %dma_wait3A_169 = tpu.memref_slice %arg7[%mul3A_2, %dma_wait3A_168] : memref<1000x9408xf32, #tpu.memory_space<hbm>> -> memref<1x9408xf32, #tpu.memory_space<hbm>>
          %dma_wait3A_170 = tpu.memref_squeeze %dma_wait3A_169 : memref<1x9408xf32, #tpu.memory_space<hbm>> -> memref<9408xf32, #tpu.memory_space<hbm>>
          tpu.wait_dma2 semaphore(%arg25 : memref<!tpu.dma_semaphore, #tpu.memory_space<semaphore_mem>>) src(%arg16 : memref<9408xf32, #tpu.memory_space<vmem>>) dst(%dma_wait3A_170 : memref<9408xf32, #tpu.memory_space<hbm>>)
        } else {
        }
        %mul3A_146 = arith.constant 256 : i32
        %mul3A_147 = arith.muli %add3A_93, %mul3A_146 : i32
        %scan3A_148 = arith.constant 0 : i32
        %scan3A_149 = arith.constant 0 : i32
        %scan3A_150 = arith.constant 49 : i32
        %scan3A_151 = arith.addi %scan3A_149, %scan3A_150 : i32
        %scan3A_152 = arith.constant 1 : i32
        %scan3A_153 = scf.for %scan3A_165 = %scan3A_149 to %scan3A_151 step %scan3A_152 iter_args(%scan3A_166 = %scan3A_148) -> (i32)  : i32 {
          %add3A_167 = arith.constant 0 : i32
          %add3A_168 = arith.addi %mul3A_147, %add3A_167 : i32
          %add3A_169 = vector.broadcast %add3A_168 : i32 to vector<16xi32>
          %add3A_170 = arith.addi %broadcast_in_dim3A_5, %add3A_169 : vector<16xi32>
          %add3A_171 = vector.broadcast %scan3A_165 : i32 to vector<16xi32>
          %add3A_172 = arith.addi %add3A_170, %add3A_171 : vector<16xi32>
          %gather3A = tpu.vector_load_idx %arg12[%add3A_172] : memref<8192xf32, #tpu.memory_space<vmem>>[vector<16xi32>], vector<16xf32>,
          %add3A_173 = arith.constant 64 : i32
          %add3A_174 = arith.addi %mul3A_147, %add3A_173 : i32
          %add3A_175 = vector.broadcast %add3A_174 : i32 to vector<16xi32>
          %add3A_176 = arith.addi %broadcast_in_dim3A_5, %add3A_175 : vector<16xi32>
          %add3A_177 = vector.broadcast %scan3A_165 : i32 to vector<16xi32>
          %add3A_178 = arith.addi %add3A_176, %add3A_177 : vector<16xi32>
          %gather3A_179 = tpu.vector_load_idx %arg12[%add3A_178] : memref<8192xf32, #tpu.memory_space<vmem>>[vector<16xi32>], vector<16xf32>,
          %add3A_180 = arith.constant 128 : i32
          %add3A_181 = arith.addi %mul3A_147, %add3A_180 : i32
          %add3A_182 = vector.broadcast %add3A_181 : i32 to vector<16xi32>
          %add3A_183 = arith.addi %broadcast_in_dim3A_5, %add3A_182 : vector<16xi32>
          %add3A_184 = vector.broadcast %scan3A_165 : i32 to vector<16xi32>
          %add3A_185 = arith.addi %add3A_183, %add3A_184 : vector<16xi32>
          %gather3A_186 = tpu.vector_load_idx %arg12[%add3A_185] : memref<8192xf32, #tpu.memory_space<vmem>>[vector<16xi32>], vector<16xf32>,
          %add3A_187 = arith.constant 192 : i32
          %add3A_188 = arith.addi %mul3A_147, %add3A_187 : i32
          %add3A_189 = vector.broadcast %add3A_188 : i32 to vector<16xi32>
          %add3A_190 = arith.addi %broadcast_in_dim3A_5, %add3A_189 : vector<16xi32>
          %add3A_191 = vector.broadcast %scan3A_165 : i32 to vector<16xi32>
          %add3A_192 = arith.addi %add3A_190, %add3A_191 : vector<16xi32>
          %gather3A_193 = tpu.vector_load_idx %arg12[%add3A_192] : memref<8192xf32, #tpu.memory_space<vmem>>[vector<16xi32>], vector<16xf32>,
          %mul3A_194 = arith.constant 192 : i32
          %mul3A_195 = arith.muli %scan3A_165, %mul3A_194 : i32
          %add3A_196 = arith.constant 0 : i32
          %add3A_197 = arith.addi %add3A_196, %scan3A_165 : i32
          %get3A_198 = arith.index_cast %add3A_197 : i32 to index
          %get3A_199 = arith.constant 0 : index
          %get3A_200 = tpu.vector_load %arg14[%get3A_198, %get3A_199] {strides = array<i32>} : memref<196x192xf32, #tpu.memory_space<vmem>>, vector<16xf32>,
          %mul3A_201 = arith.mulf %get3A_200, %gather3A : vector<16xf32>
          %add3A_202 = arith.constant 49 : i32
          %add3A_203 = arith.addi %add3A_202, %scan3A_165 : i32
          %get3A_204 = arith.index_cast %add3A_203 : i32 to index
          %get3A_205 = arith.constant 0 : index
          %get3A_206 = tpu.vector_load %arg14[%get3A_204, %get3A_205] {strides = array<i32>} : memref<196x192xf32, #tpu.memory_space<vmem>>, vector<16xf32>,
          %mul3A_207 = arith.mulf %get3A_206, %gather3A_179 : vector<16xf32>
          %add3A_208 = arith.addf %mul3A_201, %mul3A_207 : vector<16xf32>
          %add3A_209 = arith.constant 98 : i32
          %add3A_210 = arith.addi %add3A_209, %scan3A_165 : i32
          %get3A_211 = arith.index_cast %add3A_210 : i32 to index
          %get3A_212 = arith.constant 0 : index
          %get3A_213 = tpu.vector_load %arg14[%get3A_211, %get3A_212] {strides = array<i32>} : memref<196x192xf32, #tpu.memory_space<vmem>>, vector<16xf32>,
          %mul3A_214 = arith.mulf %get3A_213, %gather3A_186 : vector<16xf32>
          %add3A_215 = arith.addf %add3A_208, %mul3A_214 : vector<16xf32>
          %add3A_216 = arith.constant 147 : i32
          %add3A_217 = arith.addi %add3A_216, %scan3A_165 : i32
          %get3A_218 = arith.index_cast %add3A_217 : i32 to index
          %get3A_219 = arith.constant 0 : index
          %get3A_220 = tpu.vector_load %arg14[%get3A_218, %get3A_219] {strides = array<i32>} : memref<196x192xf32, #tpu.memory_space<vmem>>, vector<16xf32>,
          %mul3A_221 = arith.mulf %get3A_220, %gather3A_193 : vector<16xf32>
          %add3A_222 = arith.addf %add3A_215, %mul3A_221 : vector<16xf32>
          %add3A_223 = arith.constant 0 : i32
          %add3A_224 = arith.addi %mul3A_195, %add3A_223 : i32
          %swap3A_225 = arith.index_cast %add3A_224 : i32 to index
          %swap3A_226 = tpu.vector_load %arg16[%swap3A_225] {strides = array<i32>} : memref<9408xf32, #tpu.memory_space<vmem>>, vector<16xf32>,
          tpu.vector_store %arg16[%swap3A_225], %add3A_222 {strides = array<i32>} : memref<9408xf32, #tpu.memory_space<vmem>>, vector<16xf32>,
          %add3A_227 = arith.constant 0 : i32
          %add3A_228 = arith.addi %add3A_227, %scan3A_165 : i32
          %get3A_229 = arith.index_cast %add3A_228 : i32 to index
          %get3A_230 = arith.constant 16 : index
          %get3A_231 = tpu.vector_load %arg14[%get3A_229, %get3A_230] {strides = array<i32>} : memref<196x192xf32, #tpu.memory_space<vmem>>, vector<16xf32>,
          %mul3A_232 = arith.mulf %get3A_231, %gather3A : vector<16xf32>
          %add3A_233 = arith.constant 49 : i32
          %add3A_234 = arith.addi %add3A_233, %scan3A_165 : i32
          %get3A_235 = arith.index_cast %add3A_234 : i32 to index
          %get3A_236 = arith.constant 16 : index
          %get3A_237 = tpu.vector_load %arg14[%get3A_235, %get3A_236] {strides = array<i32>} : memref<196x192xf32, #tpu.memory_space<vmem>>, vector<16xf32>,
          %mul3A_238 = arith.mulf %get3A_237, %gather3A_179 : vector<16xf32>
          %add3A_239 = arith.addf %mul3A_232, %mul3A_238 : vector<16xf32>
          %add3A_240 = arith.constant 98 : i32
          %add3A_241 = arith.addi %add3A_240, %scan3A_165 : i32
          %get3A_242 = arith.index_cast %add3A_241 : i32 to index
          %get3A_243 = arith.constant 16 : index
          %get3A_244 = tpu.vector_load %arg14[%get3A_242, %get3A_243] {strides = array<i32>} : memref<196x192xf32, #tpu.memory_space<vmem>>, vector<16xf32>,
          %mul3A_245 = arith.mulf %get3A_244, %gather3A_186 : vector<16xf32>
          %add3A_246 = arith.addf %add3A_239, %mul3A_245 : vector<16xf32>
          %add3A_247 = arith.constant 147 : i32
          %add3A_248 = arith.addi %add3A_247, %scan3A_165 : i32
          %get3A_249 = arith.index_cast %add3A_248 : i32 to index
          %get3A_250 = arith.constant 16 : index
          %get3A_251 = tpu.vector_load %arg14[%get3A_249, %get3A_250] {strides = array<i32>} : memref<196x192xf32, #tpu.memory_space<vmem>>, vector<16xf32>,
          %mul3A_252 = arith.mulf %get3A_251, %gather3A_193 : vector<16xf32>
          %add3A_253 = arith.addf %add3A_246, %mul3A_252 : vector<16xf32>
          %add3A_254 = arith.constant 16 : i32
          %add3A_255 = arith.addi %mul3A_195, %add3A_254 : i32
          %swap3A_256 = arith.index_cast %add3A_255 : i32 to index
          %swap3A_257 = tpu.vector_load %arg16[%swap3A_256] {strides = array<i32>} : memref<9408xf32, #tpu.memory_space<vmem>>, vector<16xf32>,
          tpu.vector_store %arg16[%swap3A_256], %add3A_253 {strides = array<i32>} : memref<9408xf32, #tpu.memory_space<vmem>>, vector<16xf32>,
          %add3A_258 = arith.constant 0 : i32
          %add3A_259 = arith.addi %add3A_258, %scan3A_165 : i32
          %get3A_260 = arith.index_cast %add3A_259 : i32 to index
          %get3A_261 = arith.constant 32 : index
          %get3A_262 = tpu.vector_load %arg14[%get3A_260, %get3A_261] {strides = array<i32>} : memref<196x192xf32, #tpu.memory_space<vmem>>, vector<16xf32>,
          %mul3A_263 = arith.mulf %get3A_262, %gather3A : vector<16xf32>
          %add3A_264 = arith.constant 49 : i32
          %add3A_265 = arith.addi %add3A_264, %scan3A_165 : i32
          %get3A_266 = arith.index_cast %add3A_265 : i32 to index
          %get3A_267 = arith.constant 32 : index
          %get3A_268 = tpu.vector_load %arg14[%get3A_266, %get3A_267] {strides = array<i32>} : memref<196x192xf32, #tpu.memory_space<vmem>>, vector<16xf32>,
          %mul3A_269 = arith.mulf %get3A_268, %gather3A_179 : vector<16xf32>
          %add3A_270 = arith.addf %mul3A_263, %mul3A_269 : vector<16xf32>
          %add3A_271 = arith.constant 98 : i32
          %add3A_272 = arith.addi %add3A_271, %scan3A_165 : i32
          %get3A_273 = arith.index_cast %add3A_272 : i32 to index
          %get3A_274 = arith.constant 32 : index
          %get3A_275 = tpu.vector_load %arg14[%get3A_273, %get3A_274] {strides = array<i32>} : memref<196x192xf32, #tpu.memory_space<vmem>>, vector<16xf32>,
          %mul3A_276 = arith.mulf %get3A_275, %gather3A_186 : vector<16xf32>
          %add3A_277 = arith.addf %add3A_270, %mul3A_276 : vector<16xf32>
          %add3A_278 = arith.constant 147 : i32
          %add3A_279 = arith.addi %add3A_278, %scan3A_165 : i32
          %get3A_280 = arith.index_cast %add3A_279 : i32 to index
          %get3A_281 = arith.constant 32 : index
          %get3A_282 = tpu.vector_load %arg14[%get3A_280, %get3A_281] {strides = array<i32>} : memref<196x192xf32, #tpu.memory_space<vmem>>, vector<16xf32>,
          %mul3A_283 = arith.mulf %get3A_282, %gather3A_193 : vector<16xf32>
          %add3A_284 = arith.addf %add3A_277, %mul3A_283 : vector<16xf32>
          %add3A_285 = arith.constant 32 : i32
          %add3A_286 = arith.addi %mul3A_195, %add3A_285 : i32
          %swap3A_287 = arith.index_cast %add3A_286 : i32 to index
          %swap3A_288 = tpu.vector_load %arg16[%swap3A_287] {strides = array<i32>} : memref<9408xf32, #tpu.memory_space<vmem>>, vector<16xf32>,
          tpu.vector_store %arg16[%swap3A_287], %add3A_284 {strides = array<i32>} : memref<9408xf32, #tpu.memory_space<vmem>>, vector<16xf32>,
          %add3A_289 = arith.constant 0 : i32
          %add3A_290 = arith.addi %add3A_289, %scan3A_165 : i32
          %get3A_291 = arith.index_cast %add3A_290 : i32 to index
          %get3A_292 = arith.constant 48 : index
          %get3A_293 = tpu.vector_load %arg14[%get3A_291, %get3A_292] {strides = array<i32>} : memref<196x192xf32, #tpu.memory_space<vmem>>, vector<16xf32>,
          %mul3A_294 = arith.mulf %get3A_293, %gather3A : vector<16xf32>
          %add3A_295 = arith.constant 49 : i32
          %add3A_296 = arith.addi %add3A_295, %scan3A_165 : i32
          %get3A_297 = arith.index_cast %add3A_296 : i32 to index
          %get3A_298 = arith.constant 48 : index
          %get3A_299 = tpu.vector_load %arg14[%get3A_297, %get3A_298] {strides = array<i32>} : memref<196x192xf32, #tpu.memory_space<vmem>>, vector<16xf32>,
          %mul3A_300 = arith.mulf %get3A_299, %gather3A_179 : vector<16xf32>
          %add3A_301 = arith.addf %mul3A_294, %mul3A_300 : vector<16xf32>
          %add3A_302 = arith.constant 98 : i32
          %add3A_303 = arith.addi %add3A_302, %scan3A_165 : i32
          %get3A_304 = arith.index_cast %add3A_303 : i32 to index
          %get3A_305 = arith.constant 48 : index
          %get3A_306 = tpu.vector_load %arg14[%get3A_304, %get3A_305] {strides = array<i32>} : memref<196x192xf32, #tpu.memory_space<vmem>>, vector<16xf32>,
          %mul3A_307 = arith.mulf %get3A_306, %gather3A_186 : vector<16xf32>
          %add3A_308 = arith.addf %add3A_301, %mul3A_307 : vector<16xf32>
          %add3A_309 = arith.constant 147 : i32
          %add3A_310 = arith.addi %add3A_309, %scan3A_165 : i32
          %get3A_311 = arith.index_cast %add3A_310 : i32 to index
          %get3A_312 = arith.constant 48 : index
          %get3A_313 = tpu.vector_load %arg14[%get3A_311, %get3A_312] {strides = array<i32>} : memref<196x192xf32, #tpu.memory_space<vmem>>, vector<16xf32>,
          %mul3A_314 = arith.mulf %get3A_313, %gather3A_193 : vector<16xf32>
          %add3A_315 = arith.addf %add3A_308, %mul3A_314 : vector<16xf32>
          %add3A_316 = arith.constant 48 : i32
          %add3A_317 = arith.addi %mul3A_195, %add3A_316 : i32
          %swap3A_318 = arith.index_cast %add3A_317 : i32 to index
          %swap3A_319 = tpu.vector_load %arg16[%swap3A_318] {strides = array<i32>} : memref<9408xf32, #tpu.memory_space<vmem>>, vector<16xf32>,
          tpu.vector_store %arg16[%swap3A_318], %add3A_315 {strides = array<i32>} : memref<9408xf32, #tpu.memory_space<vmem>>, vector<16xf32>,
          %add3A_320 = arith.constant 0 : i32
          %add3A_321 = arith.addi %add3A_320, %scan3A_165 : i32
          %get3A_322 = arith.index_cast %add3A_321 : i32 to index
          %get3A_323 = arith.constant 64 : index
          %get3A_324 = tpu.vector_load %arg14[%get3A_322, %get3A_323] {strides = array<i32>} : memref<196x192xf32, #tpu.memory_space<vmem>>, vector<16xf32>,
          %mul3A_325 = arith.mulf %get3A_324, %gather3A : vector<16xf32>
          %add3A_326 = arith.constant 49 : i32
          %add3A_327 = arith.addi %add3A_326, %scan3A_165 : i32
          %get3A_328 = arith.index_cast %add3A_327 : i32 to index
          %get3A_329 = arith.constant 64 : index
          %get3A_330 = tpu.vector_load %arg14[%get3A_328, %get3A_329] {strides = array<i32>} : memref<196x192xf32, #tpu.memory_space<vmem>>, vector<16xf32>,
          %mul3A_331 = arith.mulf %get3A_330, %gather3A_179 : vector<16xf32>
          %add3A_332 = arith.addf %mul3A_325, %mul3A_331 : vector<16xf32>
          %add3A_333 = arith.constant 98 : i32
          %add3A_334 = arith.addi %add3A_333, %scan3A_165 : i32
          %get3A_335 = arith.index_cast %add3A_334 : i32 to index
          %get3A_336 = arith.constant 64 : index
          %get3A_337 = tpu.vector_load %arg14[%get3A_335, %get3A_336] {strides = array<i32>} : memref<196x192xf32, #tpu.memory_space<vmem>>, vector<16xf32>,
          %mul3A_338 = arith.mulf %get3A_337, %gather3A_186 : vector<16xf32>
          %add3A_339 = arith.addf %add3A_332, %mul3A_338 : vector<16xf32>
          %add3A_340 = arith.constant 147 : i32
          %add3A_341 = arith.addi %add3A_340, %scan3A_165 : i32
          %get3A_342 = arith.index_cast %add3A_341 : i32 to index
          %get3A_343 = arith.constant 64 : index
          %get3A_344 = tpu.vector_load %arg14[%get3A_342, %get3A_343] {strides = array<i32>} : memref<196x192xf32, #tpu.memory_space<vmem>>, vector<16xf32>,
          %mul3A_345 = arith.mulf %get3A_344, %gather3A_193 : vector<16xf32>
          %add3A_346 = arith.addf %add3A_339, %mul3A_345 : vector<16xf32>
          %add3A_347 = arith.constant 64 : i32
          %add3A_348 = arith.addi %mul3A_195, %add3A_347 : i32
          %swap3A_349 = arith.index_cast %add3A_348 : i32 to index
          %swap3A_350 = tpu.vector_load %arg16[%swap3A_349] {strides = array<i32>} : memref<9408xf32, #tpu.memory_space<vmem>>, vector<16xf32>,
          tpu.vector_store %arg16[%swap3A_349], %add3A_346 {strides = array<i32>} : memref<9408xf32, #tpu.memory_space<vmem>>, vector<16xf32>,
          %add3A_351 = arith.constant 0 : i32
          %add3A_352 = arith.addi %add3A_351, %scan3A_165 : i32
          %get3A_353 = arith.index_cast %add3A_352 : i32 to index
          %get3A_354 = arith.constant 80 : index
          %get3A_355 = tpu.vector_load %arg14[%get3A_353, %get3A_354] {strides = array<i32>} : memref<196x192xf32, #tpu.memory_space<vmem>>, vector<16xf32>,
          %mul3A_356 = arith.mulf %get3A_355, %gather3A : vector<16xf32>
          %add3A_357 = arith.constant 49 : i32
          %add3A_358 = arith.addi %add3A_357, %scan3A_165 : i32
          %get3A_359 = arith.index_cast %add3A_358 : i32 to index
          %get3A_360 = arith.constant 80 : index
          %get3A_361 = tpu.vector_load %arg14[%get3A_359, %get3A_360] {strides = array<i32>} : memref<196x192xf32, #tpu.memory_space<vmem>>, vector<16xf32>,
          %mul3A_362 = arith.mulf %get3A_361, %gather3A_179 : vector<16xf32>
          %add3A_363 = arith.addf %mul3A_356, %mul3A_362 : vector<16xf32>
          %add3A_364 = arith.constant 98 : i32
          %add3A_365 = arith.addi %add3A_364, %scan3A_165 : i32
          %get3A_366 = arith.index_cast %add3A_365 : i32 to index
          %get3A_367 = arith.constant 80 : index
          %get3A_368 = tpu.vector_load %arg14[%get3A_366, %get3A_367] {strides = array<i32>} : memref<196x192xf32, #tpu.memory_space<vmem>>, vector<16xf32>,
          %mul3A_369 = arith.mulf %get3A_368, %gather3A_186 : vector<16xf32>
          %add3A_370 = arith.addf %add3A_363, %mul3A_369 : vector<16xf32>
          %add3A_371 = arith.constant 147 : i32
          %add3A_372 = arith.addi %add3A_371, %scan3A_165 : i32
          %get3A_373 = arith.index_cast %add3A_372 : i32 to index
          %get3A_374 = arith.constant 80 : index
          %get3A_375 = tpu.vector_load %arg14[%get3A_373, %get3A_374] {strides = array<i32>} : memref<196x192xf32, #tpu.memory_space<vmem>>, vector<16xf32>,
          %mul3A_376 = arith.mulf %get3A_375, %gather3A_193 : vector<16xf32>
          %add3A_377 = arith.addf %add3A_370, %mul3A_376 : vector<16xf32>
          %add3A_378 = arith.constant 80 : i32
          %add3A_379 = arith.addi %mul3A_195, %add3A_378 : i32
          %swap3A_380 = arith.index_cast %add3A_379 : i32 to index
          %swap3A_381 = tpu.vector_load %arg16[%swap3A_380] {strides = array<i32>} : memref<9408xf32, #tpu.memory_space<vmem>>, vector<16xf32>,
          tpu.vector_store %arg16[%swap3A_380], %add3A_377 {strides = array<i32>} : memref<9408xf32, #tpu.memory_space<vmem>>, vector<16xf32>,
          %add3A_382 = arith.constant 0 : i32
          %add3A_383 = arith.addi %add3A_382, %scan3A_165 : i32
          %get3A_384 = arith.index_cast %add3A_383 : i32 to index
          %get3A_385 = arith.constant 96 : index
          %get3A_386 = tpu.vector_load %arg14[%get3A_384, %get3A_385] {strides = array<i32>} : memref<196x192xf32, #tpu.memory_space<vmem>>, vector<16xf32>,
          %mul3A_387 = arith.mulf %get3A_386, %gather3A : vector<16xf32>
          %add3A_388 = arith.constant 49 : i32
          %add3A_389 = arith.addi %add3A_388, %scan3A_165 : i32
          %get3A_390 = arith.index_cast %add3A_389 : i32 to index
          %get3A_391 = arith.constant 96 : index
          %get3A_392 = tpu.vector_load %arg14[%get3A_390, %get3A_391] {strides = array<i32>} : memref<196x192xf32, #tpu.memory_space<vmem>>, vector<16xf32>,
          %mul3A_393 = arith.mulf %get3A_392, %gather3A_179 : vector<16xf32>
          %add3A_394 = arith.addf %mul3A_387, %mul3A_393 : vector<16xf32>
          %add3A_395 = arith.constant 98 : i32
          %add3A_396 = arith.addi %add3A_395, %scan3A_165 : i32
          %get3A_397 = arith.index_cast %add3A_396 : i32 to index
          %get3A_398 = arith.constant 96 : index
          %get3A_399 = tpu.vector_load %arg14[%get3A_397, %get3A_398] {strides = array<i32>} : memref<196x192xf32, #tpu.memory_space<vmem>>, vector<16xf32>,
          %mul3A_400 = arith.mulf %get3A_399, %gather3A_186 : vector<16xf32>
          %add3A_401 = arith.addf %add3A_394, %mul3A_400 : vector<16xf32>
          %add3A_402 = arith.constant 147 : i32
          %add3A_403 = arith.addi %add3A_402, %scan3A_165 : i32
          %get3A_404 = arith.index_cast %add3A_403 : i32 to index
          %get3A_405 = arith.constant 96 : index
          %get3A_406 = tpu.vector_load %arg14[%get3A_404, %get3A_405] {strides = array<i32>} : memref<196x192xf32, #tpu.memory_space<vmem>>, vector<16xf32>,
          %mul3A_407 = arith.mulf %get3A_406, %gather3A_193 : vector<16xf32>
          %add3A_408 = arith.addf %add3A_401, %mul3A_407 : vector<16xf32>
          %add3A_409 = arith.constant 96 : i32
          %add3A_410 = arith.addi %mul3A_195, %add3A_409 : i32
          %swap3A_411 = arith.index_cast %add3A_410 : i32 to index
          %swap3A_412 = tpu.vector_load %arg16[%swap3A_411] {strides = array<i32>} : memref<9408xf32, #tpu.memory_space<vmem>>, vector<16xf32>,
          tpu.vector_store %arg16[%swap3A_411], %add3A_408 {strides = array<i32>} : memref<9408xf32, #tpu.memory_space<vmem>>, vector<16xf32>,
          %add3A_413 = arith.constant 0 : i32
          %add3A_414 = arith.addi %add3A_413, %scan3A_165 : i32
          %get3A_415 = arith.index_cast %add3A_414 : i32 to index
          %get3A_416 = arith.constant 112 : index
          %get3A_417 = tpu.vector_load %arg14[%get3A_415, %get3A_416] {strides = array<i32>} : memref<196x192xf32, #tpu.memory_space<vmem>>, vector<16xf32>,
          %mul3A_418 = arith.mulf %get3A_417, %gather3A : vector<16xf32>
          %add3A_419 = arith.constant 49 : i32
          %add3A_420 = arith.addi %add3A_419, %scan3A_165 : i32
          %get3A_421 = arith.index_cast %add3A_420 : i32 to index
          %get3A_422 = arith.constant 112 : index
          %get3A_423 = tpu.vector_load %arg14[%get3A_421, %get3A_422] {strides = array<i32>} : memref<196x192xf32, #tpu.memory_space<vmem>>, vector<16xf32>,
          %mul3A_424 = arith.mulf %get3A_423, %gather3A_179 : vector<16xf32>
          %add3A_425 = arith.addf %mul3A_418, %mul3A_424 : vector<16xf32>
          %add3A_426 = arith.constant 98 : i32
          %add3A_427 = arith.addi %add3A_426, %scan3A_165 : i32
          %get3A_428 = arith.index_cast %add3A_427 : i32 to index
          %get3A_429 = arith.constant 112 : index
          %get3A_430 = tpu.vector_load %arg14[%get3A_428, %get3A_429] {strides = array<i32>} : memref<196x192xf32, #tpu.memory_space<vmem>>, vector<16xf32>,
          %mul3A_431 = arith.mulf %get3A_430, %gather3A_186 : vector<16xf32>
          %add3A_432 = arith.addf %add3A_425, %mul3A_431 : vector<16xf32>
          %add3A_433 = arith.constant 147 : i32
          %add3A_434 = arith.addi %add3A_433, %scan3A_165 : i32
          %get3A_435 = arith.index_cast %add3A_434 : i32 to index
          %get3A_436 = arith.constant 112 : index
          %get3A_437 = tpu.vector_load %arg14[%get3A_435, %get3A_436] {strides = array<i32>} : memref<196x192xf32, #tpu.memory_space<vmem>>, vector<16xf32>,
          %mul3A_438 = arith.mulf %get3A_437, %gather3A_193 : vector<16xf32>
          %add3A_439 = arith.addf %add3A_432, %mul3A_438 : vector<16xf32>
          %add3A_440 = arith.constant 112 : i32
          %add3A_441 = arith.addi %mul3A_195, %add3A_440 : i32
          %swap3A_442 = arith.index_cast %add3A_441 : i32 to index
          %swap3A_443 = tpu.vector_load %arg16[%swap3A_442] {strides = array<i32>} : memref<9408xf32, #tpu.memory_space<vmem>>, vector<16xf32>,
          tpu.vector_store %arg16[%swap3A_442], %add3A_439 {strides = array<i32>} : memref<9408xf32, #tpu.memory_space<vmem>>, vector<16xf32>,
          %add3A_444 = arith.constant 0 : i32
          %add3A_445 = arith.addi %add3A_444, %scan3A_165 : i32
          %get3A_446 = arith.index_cast %add3A_445 : i32 to index
          %get3A_447 = arith.constant 128 : index
          %get3A_448 = tpu.vector_load %arg14[%get3A_446, %get3A_447] {strides = array<i32>} : memref<196x192xf32, #tpu.memory_space<vmem>>, vector<16xf32>,
          %mul3A_449 = arith.mulf %get3A_448, %gather3A : vector<16xf32>
          %add3A_450 = arith.constant 49 : i32
          %add3A_451 = arith.addi %add3A_450, %scan3A_165 : i32
          %get3A_452 = arith.index_cast %add3A_451 : i32 to index
          %get3A_453 = arith.constant 128 : index
          %get3A_454 = tpu.vector_load %arg14[%get3A_452, %get3A_453] {strides = array<i32>} : memref<196x192xf32, #tpu.memory_space<vmem>>, vector<16xf32>,
          %mul3A_455 = arith.mulf %get3A_454, %gather3A_179 : vector<16xf32>
          %add3A_456 = arith.addf %mul3A_449, %mul3A_455 : vector<16xf32>
          %add3A_457 = arith.constant 98 : i32
          %add3A_458 = arith.addi %add3A_457, %scan3A_165 : i32
          %get3A_459 = arith.index_cast %add3A_458 : i32 to index
          %get3A_460 = arith.constant 128 : index
          %get3A_461 = tpu.vector_load %arg14[%get3A_459, %get3A_460] {strides = array<i32>} : memref<196x192xf32, #tpu.memory_space<vmem>>, vector<16xf32>,
          %mul3A_462 = arith.mulf %get3A_461, %gather3A_186 : vector<16xf32>
          %add3A_463 = arith.addf %add3A_456, %mul3A_462 : vector<16xf32>
          %add3A_464 = arith.constant 147 : i32
          %add3A_465 = arith.addi %add3A_464, %scan3A_165 : i32
          %get3A_466 = arith.index_cast %add3A_465 : i32 to index
          %get3A_467 = arith.constant 128 : index
          %get3A_468 = tpu.vector_load %arg14[%get3A_466, %get3A_467] {strides = array<i32>} : memref<196x192xf32, #tpu.memory_space<vmem>>, vector<16xf32>,
          %mul3A_469 = arith.mulf %get3A_468, %gather3A_193 : vector<16xf32>
          %add3A_470 = arith.addf %add3A_463, %mul3A_469 : vector<16xf32>
          %add3A_471 = arith.constant 128 : i32
          %add3A_472 = arith.addi %mul3A_195, %add3A_471 : i32
          %swap3A_473 = arith.index_cast %add3A_472 : i32 to index
          %swap3A_474 = tpu.vector_load %arg16[%swap3A_473] {strides = array<i32>} : memref<9408xf32, #tpu.memory_space<vmem>>, vector<16xf32>,
          tpu.vector_store %arg16[%swap3A_473], %add3A_470 {strides = array<i32>} : memref<9408xf32, #tpu.memory_space<vmem>>, vector<16xf32>,
          %add3A_475 = arith.constant 0 : i32
          %add3A_476 = arith.addi %add3A_475, %scan3A_165 : i32
          %get3A_477 = arith.index_cast %add3A_476 : i32 to index
          %get3A_478 = arith.constant 144 : index
          %get3A_479 = tpu.vector_load %arg14[%get3A_477, %get3A_478] {strides = array<i32>} : memref<196x192xf32, #tpu.memory_space<vmem>>, vector<16xf32>,
          %mul3A_480 = arith.mulf %get3A_479, %gather3A : vector<16xf32>
          %add3A_481 = arith.constant 49 : i32
          %add3A_482 = arith.addi %add3A_481, %scan3A_165 : i32
          %get3A_483 = arith.index_cast %add3A_482 : i32 to index
          %get3A_484 = arith.constant 144 : index
          %get3A_485 = tpu.vector_load %arg14[%get3A_483, %get3A_484] {strides = array<i32>} : memref<196x192xf32, #tpu.memory_space<vmem>>, vector<16xf32>,
          %mul3A_486 = arith.mulf %get3A_485, %gather3A_179 : vector<16xf32>
          %add3A_487 = arith.addf %mul3A_480, %mul3A_486 : vector<16xf32>
          %add3A_488 = arith.constant 98 : i32
          %add3A_489 = arith.addi %add3A_488, %scan3A_165 : i32
          %get3A_490 = arith.index_cast %add3A_489 : i32 to index
          %get3A_491 = arith.constant 144 : index
          %get3A_492 = tpu.vector_load %arg14[%get3A_490, %get3A_491] {strides = array<i32>} : memref<196x192xf32, #tpu.memory_space<vmem>>, vector<16xf32>,
          %mul3A_493 = arith.mulf %get3A_492, %gather3A_186 : vector<16xf32>
          %add3A_494 = arith.addf %add3A_487, %mul3A_493 : vector<16xf32>
          %add3A_495 = arith.constant 147 : i32
          %add3A_496 = arith.addi %add3A_495, %scan3A_165 : i32
          %get3A_497 = arith.index_cast %add3A_496 : i32 to index
          %get3A_498 = arith.constant 144 : index
          %get3A_499 = tpu.vector_load %arg14[%get3A_497, %get3A_498] {strides = array<i32>} : memref<196x192xf32, #tpu.memory_space<vmem>>, vector<16xf32>,
          %mul3A_500 = arith.mulf %get3A_499, %gather3A_193 : vector<16xf32>
          %add3A_501 = arith.addf %add3A_494, %mul3A_500 : vector<16xf32>
          %add3A_502 = arith.constant 144 : i32
          %add3A_503 = arith.addi %mul3A_195, %add3A_502 : i32
          %swap3A_504 = arith.index_cast %add3A_503 : i32 to index
          %swap3A_505 = tpu.vector_load %arg16[%swap3A_504] {strides = array<i32>} : memref<9408xf32, #tpu.memory_space<vmem>>, vector<16xf32>,
          tpu.vector_store %arg16[%swap3A_504], %add3A_501 {strides = array<i32>} : memref<9408xf32, #tpu.memory_space<vmem>>, vector<16xf32>,
          %add3A_506 = arith.constant 0 : i32
          %add3A_507 = arith.addi %add3A_506, %scan3A_165 : i32
          %get3A_508 = arith.index_cast %add3A_507 : i32 to index
          %get3A_509 = arith.constant 160 : index
          %get3A_510 = tpu.vector_load %arg14[%get3A_508, %get3A_509] {strides = array<i32>} : memref<196x192xf32, #tpu.memory_space<vmem>>, vector<16xf32>,
          %mul3A_511 = arith.mulf %get3A_510, %gather3A : vector<16xf32>
          %add3A_512 = arith.constant 49 : i32
          %add3A_513 = arith.addi %add3A_512, %scan3A_165 : i32
          %get3A_514 = arith.index_cast %add3A_513 : i32 to index
          %get3A_515 = arith.constant 160 : index
          %get3A_516 = tpu.vector_load %arg14[%get3A_514, %get3A_515] {strides = array<i32>} : memref<196x192xf32, #tpu.memory_space<vmem>>, vector<16xf32>,
          %mul3A_517 = arith.mulf %get3A_516, %gather3A_179 : vector<16xf32>
          %add3A_518 = arith.addf %mul3A_511, %mul3A_517 : vector<16xf32>
          %add3A_519 = arith.constant 98 : i32
          %add3A_520 = arith.addi %add3A_519, %scan3A_165 : i32
          %get3A_521 = arith.index_cast %add3A_520 : i32 to index
          %get3A_522 = arith.constant 160 : index
          %get3A_523 = tpu.vector_load %arg14[%get3A_521, %get3A_522] {strides = array<i32>} : memref<196x192xf32, #tpu.memory_space<vmem>>, vector<16xf32>,
          %mul3A_524 = arith.mulf %get3A_523, %gather3A_186 : vector<16xf32>
          %add3A_525 = arith.addf %add3A_518, %mul3A_524 : vector<16xf32>
          %add3A_526 = arith.constant 147 : i32
          %add3A_527 = arith.addi %add3A_526, %scan3A_165 : i32
          %get3A_528 = arith.index_cast %add3A_527 : i32 to index
          %get3A_529 = arith.constant 160 : index
          %get3A_530 = tpu.vector_load %arg14[%get3A_528, %get3A_529] {strides = array<i32>} : memref<196x192xf32, #tpu.memory_space<vmem>>, vector<16xf32>,
          %mul3A_531 = arith.mulf %get3A_530, %gather3A_193 : vector<16xf32>
          %add3A_532 = arith.addf %add3A_525, %mul3A_531 : vector<16xf32>
          %add3A_533 = arith.constant 160 : i32
          %add3A_534 = arith.addi %mul3A_195, %add3A_533 : i32
          %swap3A_535 = arith.index_cast %add3A_534 : i32 to index
          %swap3A_536 = tpu.vector_load %arg16[%swap3A_535] {strides = array<i32>} : memref<9408xf32, #tpu.memory_space<vmem>>, vector<16xf32>,
          tpu.vector_store %arg16[%swap3A_535], %add3A_532 {strides = array<i32>} : memref<9408xf32, #tpu.memory_space<vmem>>, vector<16xf32>,
          %add3A_537 = arith.constant 0 : i32
          %add3A_538 = arith.addi %add3A_537, %scan3A_165 : i32
          %get3A_539 = arith.index_cast %add3A_538 : i32 to index
          %get3A_540 = arith.constant 176 : index
          %get3A_541 = tpu.vector_load %arg14[%get3A_539, %get3A_540] {strides = array<i32>} : memref<196x192xf32, #tpu.memory_space<vmem>>, vector<16xf32>,
          %mul3A_542 = arith.mulf %get3A_541, %gather3A : vector<16xf32>
          %add3A_543 = arith.constant 49 : i32
          %add3A_544 = arith.addi %add3A_543, %scan3A_165 : i32
          %get3A_545 = arith.index_cast %add3A_544 : i32 to index
          %get3A_546 = arith.constant 176 : index
          %get3A_547 = tpu.vector_load %arg14[%get3A_545, %get3A_546] {strides = array<i32>} : memref<196x192xf32, #tpu.memory_space<vmem>>, vector<16xf32>,
          %mul3A_548 = arith.mulf %get3A_547, %gather3A_179 : vector<16xf32>
          %add3A_549 = arith.addf %mul3A_542, %mul3A_548 : vector<16xf32>
          %add3A_550 = arith.constant 98 : i32
          %add3A_551 = arith.addi %add3A_550, %scan3A_165 : i32
          %get3A_552 = arith.index_cast %add3A_551 : i32 to index
          %get3A_553 = arith.constant 176 : index
          %get3A_554 = tpu.vector_load %arg14[%get3A_552, %get3A_553] {strides = array<i32>} : memref<196x192xf32, #tpu.memory_space<vmem>>, vector<16xf32>,
          %mul3A_555 = arith.mulf %get3A_554, %gather3A_186 : vector<16xf32>
          %add3A_556 = arith.addf %add3A_549, %mul3A_555 : vector<16xf32>
          %add3A_557 = arith.constant 147 : i32
          %add3A_558 = arith.addi %add3A_557, %scan3A_165 : i32
          %get3A_559 = arith.index_cast %add3A_558 : i32 to index
          %get3A_560 = arith.constant 176 : index
          %get3A_561 = tpu.vector_load %arg14[%get3A_559, %get3A_560] {strides = array<i32>} : memref<196x192xf32, #tpu.memory_space<vmem>>, vector<16xf32>,
          %mul3A_562 = arith.mulf %get3A_561, %gather3A_193 : vector<16xf32>
          %add3A_563 = arith.addf %add3A_556, %mul3A_562 : vector<16xf32>
          %add3A_564 = arith.constant 176 : i32
          %add3A_565 = arith.addi %mul3A_195, %add3A_564 : i32
          %swap3A_566 = arith.index_cast %add3A_565 : i32 to index
          %swap3A_567 = tpu.vector_load %arg16[%swap3A_566] {strides = array<i32>} : memref<9408xf32, #tpu.memory_space<vmem>>, vector<16xf32>,
          tpu.vector_store %arg16[%swap3A_566], %add3A_563 {strides = array<i32>} : memref<9408xf32, #tpu.memory_space<vmem>>, vector<16xf32>,
          %scan3A_568 = arith.constant 0 : i32
          scf.yield %scan3A_568 : i32
        }
        %scan3A_154 = arith.constant 49 : i32
        %add3A_155 = arith.addi %mul3A_2, %add3A_93 : i32
        %dma_start3A = arith.constant 0 : i32
        %dma_start3A_156 = tpu.memref_slice %arg7[%add3A_155, %dma_start3A] : memref<1000x9408xf32, #tpu.memory_space<hbm>> -> memref<1x9408xf32, #tpu.memory_space<hbm>>
        %dma_start3A_157 = tpu.memref_squeeze %dma_start3A_156 : memref<1x9408xf32, #tpu.memory_space<hbm>> -> memref<9408xf32, #tpu.memory_space<hbm>>
        %dma_start3A_158 = arith.constant 0 : i32
        %dma_start3A_159 = tpu.memref_slice %arg7[%add3A_155, %dma_start3A_158] : memref<1000x9408xf32, #tpu.memory_space<hbm>> -> memref<1x9408xf32, #tpu.memory_space<hbm>>
        %dma_start3A_160 = tpu.memref_squeeze %dma_start3A_159 : memref<1x9408xf32, #tpu.memory_space<hbm>> -> memref<9408xf32, #tpu.memory_space<hbm>>
        tpu.enqueue_dma source(%arg16 : memref<9408xf32, #tpu.memory_space<vmem>>) target(%dma_start3A_160 : memref<9408xf32, #tpu.memory_space<hbm>>) target_semaphore(%arg25 : memref<!tpu.dma_semaphore, #tpu.memory_space<semaphore_mem>>)
        %swap3A_161 = arith.constant 1 : i32
        %swap3A_162 = arith.constant 1 : i32
        %swap3A_163 = arith.index_cast %swap3A_162 : i32 to index
        %swap3A_164 = memref.load %arg20[%swap3A_163] : memref<2xi32, #tpu.memory_space<smem>>
        memref.store %swap3A_161, %arg20[%swap3A_163] : memref<2xi32, #tpu.memory_space<smem>>
      } else {
      }
      %get3A_113 = arith.index_cast %add3A_93 : i32 to index
      %get3A_114 = memref.load %arg19[%get3A_113] : memref<32xi32, #tpu.memory_space<smem>>
      %eq3A_115 = arith.constant 1 : i32
      %eq3A_116 = arith.cmpi eq, %get3A_114, %eq3A_115 : i32
      %convert_element_type3A_117 = arith.extui %eq3A_116 : i1 to i32
      %cond3A_118 = arith.constant 0 : i32
      %cond3A_119 = arith.cmpi ne, %convert_element_type3A_117, %cond3A_118 : i32
      scf.if %cond3A_119 {
        %add3A_121 = arith.addi %mul3A_2, %add3A_93 : i32
        %dma_start3A = arith.constant 0 : i32
        %dma_start3A_122 = tpu.memref_slice %arg7[%add3A_121, %dma_start3A] : memref<1000x9408xf32, #tpu.memory_space<hbm>> -> memref<1x9408xf32, #tpu.memory_space<hbm>>
        %dma_start3A_123 = tpu.memref_squeeze %dma_start3A_122 : memref<1x9408xf32, #tpu.memory_space<hbm>> -> memref<9408xf32, #tpu.memory_space<hbm>>
        %dma_start3A_124 = arith.constant 0 : i32
        %dma_start3A_125 = tpu.memref_slice %arg7[%add3A_121, %dma_start3A_124] : memref<1000x9408xf32, #tpu.memory_space<hbm>> -> memref<1x9408xf32, #tpu.memory_space<hbm>>
        %dma_start3A_126 = tpu.memref_squeeze %dma_start3A_125 : memref<1x9408xf32, #tpu.memory_space<hbm>> -> memref<9408xf32, #tpu.memory_space<hbm>>
        tpu.enqueue_dma source(%arg17 : memref<9408xf32, #tpu.memory_space<vmem>>) target(%dma_start3A_126 : memref<9408xf32, #tpu.memory_space<hbm>>) target_semaphore(%arg23 : memref<!tpu.dma_semaphore, #tpu.memory_space<semaphore_mem>>)
      } else {
      }
      %scan3A_120 = arith.constant 0 : i32
      scf.yield %scan3A_120 : i32
    }
    %scan3A_31 = arith.constant 16 : i32
    %get3A_32 = arith.constant 0 : i32
    %get3A_33 = arith.index_cast %get3A_32 : i32 to index
    %get3A_34 = memref.load %arg20[%get3A_33] : memref<2xi32, #tpu.memory_space<smem>>
    %eq3A_35 = arith.constant 1 : i32
    %eq3A_36 = arith.cmpi eq, %get3A_34, %eq3A_35 : i32
    %convert_element_type3A_37 = arith.extui %eq3A_36 : i1 to i32
    %cond3A_38 = arith.constant 0 : i32
    %cond3A_39 = arith.cmpi ne, %convert_element_type3A_37, %cond3A_38 : i32
    scf.if %cond3A_39 {
      %dma_wait3A = arith.constant 0 : i32
      %dma_wait3A_59 = tpu.memref_slice %arg7[%mul3A_2, %dma_wait3A] : memref<1000x9408xf32, #tpu.memory_space<hbm>> -> memref<1x9408xf32, #tpu.memory_space<hbm>>
      %dma_wait3A_60 = tpu.memref_squeeze %dma_wait3A_59 : memref<1x9408xf32, #tpu.memory_space<hbm>> -> memref<9408xf32, #tpu.memory_space<hbm>>
      %dma_wait3A_61 = arith.constant 0 : i32
      %dma_wait3A_62 = tpu.memref_slice %arg7[%mul3A_2, %dma_wait3A_61] : memref<1000x9408xf32, #tpu.memory_space<hbm>> -> memref<1x9408xf32, #tpu.memory_space<hbm>>
      %dma_wait3A_63 = tpu.memref_squeeze %dma_wait3A_62 : memref<1x9408xf32, #tpu.memory_space<hbm>> -> memref<9408xf32, #tpu.memory_space<hbm>>
      tpu.wait_dma2 semaphore(%arg24 : memref<!tpu.dma_semaphore, #tpu.memory_space<semaphore_mem>>) src(%arg15 : memref<9408xf32, #tpu.memory_space<vmem>>) dst(%dma_wait3A_63 : memref<9408xf32, #tpu.memory_space<hbm>>)
    } else {
    }
    %get3A_40 = arith.constant 1 : i32
    %get3A_41 = arith.index_cast %get3A_40 : i32 to index
    %get3A_42 = memref.load %arg20[%get3A_41] : memref<2xi32, #tpu.memory_space<smem>>
    %eq3A_43 = arith.constant 1 : i32
    %eq3A_44 = arith.cmpi eq, %get3A_42, %eq3A_43 : i32
    %convert_element_type3A_45 = arith.extui %eq3A_44 : i1 to i32
    %cond3A_46 = arith.constant 0 : i32
    %cond3A_47 = arith.cmpi ne, %convert_element_type3A_45, %cond3A_46 : i32
    scf.if %cond3A_47 {
      %dma_wait3A = arith.constant 0 : i32
      %dma_wait3A_59 = tpu.memref_slice %arg7[%mul3A_2, %dma_wait3A] : memref<1000x9408xf32, #tpu.memory_space<hbm>> -> memref<1x9408xf32, #tpu.memory_space<hbm>>
      %dma_wait3A_60 = tpu.memref_squeeze %dma_wait3A_59 : memref<1x9408xf32, #tpu.memory_space<hbm>> -> memref<9408xf32, #tpu.memory_space<hbm>>
      %dma_wait3A_61 = arith.constant 0 : i32
      %dma_wait3A_62 = tpu.memref_slice %arg7[%mul3A_2, %dma_wait3A_61] : memref<1000x9408xf32, #tpu.memory_space<hbm>> -> memref<1x9408xf32, #tpu.memory_space<hbm>>
      %dma_wait3A_63 = tpu.memref_squeeze %dma_wait3A_62 : memref<1x9408xf32, #tpu.memory_space<hbm>> -> memref<9408xf32, #tpu.memory_space<hbm>>
      tpu.wait_dma2 semaphore(%arg25 : memref<!tpu.dma_semaphore, #tpu.memory_space<semaphore_mem>>) src(%arg16 : memref<9408xf32, #tpu.memory_space<vmem>>) dst(%dma_wait3A_63 : memref<9408xf32, #tpu.memory_space<hbm>>)
    } else {
    }
    %while3A = arith.constant 0 : i32
    %while3A_48 = arith.constant 0 : i32
    %while3A_49 = arith.subi %scan3A_12, %while3A : i32
    %while3A_50 = arith.addi %while3A, %while3A_49 : i32
    %while3A_51 = arith.constant 1 : i32
    %while3A_52 = arith.divsi %while3A_49, %while3A_51 : i32
    %while3A_53 = arith.muli %while3A_52, %while3A_51 : i32
    %while3A_54 = arith.addi %while3A, %while3A_53 : i32
    %while3A_55 = arith.constant 1 : i32
    %while3A_56 = scf.for %while3A_59 = %while3A to %while3A_54 step %while3A_55 iter_args(%while3A_60 = %while3A_48) -> (i32)  : i32 {
      tpu.wait_dma2 semaphore(%arg23 : memref<!tpu.dma_semaphore, #tpu.memory_space<semaphore_mem>>) src(%arg6 : memref<9408xf32, #tpu.memory_space<hbm>>) dst(%arg17 : memref<9408xf32, #tpu.memory_space<vmem>>)
      %while3A_61 = arith.constant 0 : i32
      scf.yield %while3A_61 : i32
    }
    %while3A_57 = arith.constant 1 : i32
    %while3A_58 = scf.for %while3A_59 = %while3A_54 to %while3A_50 step %while3A_57 iter_args(%while3A_60 = %while3A_56) -> (i32)  : i32 {
      tpu.wait_dma2 semaphore(%arg23 : memref<!tpu.dma_semaphore, #tpu.memory_space<semaphore_mem>>) src(%arg6 : memref<9408xf32, #tpu.memory_space<hbm>>) dst(%arg17 : memref<9408xf32, #tpu.memory_space<vmem>>)
      %while3A_61 = arith.constant 0 : i32
      scf.yield %while3A_61 : i32
    }
    return
  }
}

</mosaic_0001>

<sc_bundles>
// kernel: kernel.3.cloned.1.call-start
scs
__scs_entry_jumppad:
0x0: {  	(pc) =	sbr.rel $0x88, $3  }
0x1: {  	(tag) =	ssettag $0x0;
	lr =	simm.s32 $0x1  }
0x2: {  	[smem:$0x3F9F] =	sst lr;
	_ =	strace $0xD0000000  }
0x3: {  	_ = 	snop  }
0x4: {  	_ = 	snop  }
0x5: {  	_ = 	snop  }
0x6: {  	_ = 	snop  }
0x7: {  	_ = 	snop  }
__scs_overlays_trampoline_lowered:
0x8: {  	[smem:$0x3FAE] =	sst s0  }
0x9: {  	[smem:$0x3FAF] =	sst s1  }
0xa: {  	[smem:$0x3FB0] =	sst s2  }
0xb: {  	[smem:$0x3FB1] =	sst s3  }
0xc: {  	[smem:$0x3FB2] =	sst s4  }
0xd: {  	[smem:$0x3FB3] =	sst s5  }
0xe: {  	[smem:$0x3FB4] =	sst s6  }
0xf: {  	[smem:$0x3FB5] =	sst s7  }
0x10: {  	[smem:$0x3FB6] =	sst s8  }
0x11: {  	[smem:$0x3FB7] =	sst s9;
	s0 =	simm.s32 @!p0 $0x0  }
0x12: {  	s1 =	sld [smem:$0x3F9D];
	s0 =	simm.s32 @p0 $0x1  }
0x13: {  	[smem:$0x3FB8] =	sst s0;
	s0 =	simm.s32 @!p1 $0x0  }
0x14: {  	s2 =	sld [smem:$0x3F9C];
	s0 =	simm.s32 @p1 $0x1  }
0x15: {  	[smem:$0x3FB9] =	sst s0;
	s0 =	simm.s32 @!p2 $0x0  }
0x16: {  	s3 =	sld [smem:$0x3FDB];
	s0 =	simm.s32 @p2 $0x1  }
0x17: {  	s4 =	simm.s32 $0x1BF5;
	[smem:$0x3FBB] =	sst s0  }
0x18: {  	s0 =	sld [smem:$0x3F9E];
	_ =	swait.ge [sflag:s4], $0x0  }
0x19: {  	s7 =	sld [smem:$0x3F9F]  }
0x1a: {  	s8 =	sadd.s32 $0xFFFFE003, lr  }
0x1b: {  	s9 =	sadd.s32 $0xFFFFFEF7, lr;
	s5 =	simm.s32 $0xFFFFFFFF;
	p2 =	slt.u32 s8, $0xFFFFF086  }
0x1c: {  	p1 =	slt.u32 s9, $0xF7A;
	s5 =	simm.s32 @!p2 $0x0  }
0x1d: {  	s5 =	simm.s32 @p1 $0x1;
	p0 =	seq.s32 s7, s2  }
0x1e: {  	s7 =	smul.u32 @!p0 $0xF7A, s2;
	p2 =	seq.s32 @!p0 s5, $0x0  }
0x1f: {  	s9 =	smul.u32 $0xF7A, s1;
	s8 =	simm.s32 @!p0 $0x1BF5;
	p2 =	por !p2, p0  }
0x20: {  	[sflag:s8] =	ssyncset.s32 @!p0 $0xFFFFF086;
	s6 =	sadd.s32 @!p0 s3, s7;
	s7 =	simm.s32 @!p0 $0x108  }
0x21: {  	s3 =	sadd.s32 s3, s9;
	s6 =	sadd.s32 @!p0 $0x88, s6;
	s7 =	simm.s32 @p2 $0x1082  }
0x22: {  	[simem:s7], [sflag:s8] =	dma.local @!p0 [hbm:s6], $0xF7A  }
0x23: {  	s9 =	sor.u32 $0xD0000000, s2;
	s6 =	simm.s32 $0x108;
	_ =	swait.ge @!p0 [sflag:s8], $0x0  }
0x24: {  	s3 =	sadd.s32 $0x88, s3;
	s6 =	simm.s32 @!p1 $0x1082;
	[sflag:s4] =	ssyncset.s32 $0xFFFFF086  }
0x25: {  	[simem:s6], [sflag:s4] =	dma.local [hbm:s3], $0xF7A  }
0x26: {  	[smem:$0x3F9F] =	sst s1;
	(tag) =	ssettag s2;
	_ =	strace s9  }
0x27: {  	s1 =	sld [smem:$0x3FAF]  }
0x28: {  	s2 =	sld [smem:$0x3FB0]  }
0x29: {  	s4 =	sld [smem:$0x3FB2]  }
0x2a: {  	p0 =	seq.s32 s5, $0x0;
	s5 =	sld [smem:$0x3FB3]  }
0x2b: {  	s6 =	sld [smem:$0x3FB4]  }
0x2c: {  	s7 =	sld [smem:$0x3FB5]  }
0x2d: {  	s3 =	simm.s32 $0x108;
	s8 =	sld [smem:$0x3FB6]  }
0x2e: {  	s3 =	simm.s32 @!p0 $0x1082;
	s9 =	sld [smem:$0x3FB7]  }
0x2f: {  	lr =	sadd.s32 s0, s3;
	s0 =	sld [smem:$0x3FAE]  }
0x30: {  	s3 =	sld [smem:$0x3FB1]  }
0x31: {  	[smem:$0x3FBA] =	sst s10  }
0x32: {  	s10 =	sld [smem:$0x3FB8];
	_ =	sdelay $0x3  }
0x33: {  	p0 =	seq.s32 s10, $0x1;
	s10 =	sld [smem:$0x3FBA];
	_ =	sdelay $0x3  }
0x34: {  	[smem:$0x3FBA] =	sst s10  }
0x35: {  	s10 =	sld [smem:$0x3FB9];
	_ =	sdelay $0x3  }
0x36: {  	p1 =	seq.s32 s10, $0x1;
	s10 =	sld [smem:$0x3FBA];
	_ =	sdelay $0x3  }
0x37: {  	[smem:$0x3FBA] =	sst s10  }
0x38: {  	s10 =	sld [smem:$0x3FBB]  }
0x39: {  	_ = 	snop;
	(pc) =	sbr.ind lr, $3  }
0x3a: {  	_ = 	snop  }
0x3b: {  	_ = 	snop  }
0x3c: {  	p2 =	seq.s32 s10, $0x1;
	s10 =	sld [smem:$0x3FBA]  }
0x3d: {  	_ =	shalt  }
0x3e: {  	_ =	shalt  }
0x3f: {  	_ =	shalt  }
0x40: {  	_ =	shalt  }
0x41: {  	_ =	shalt  }
0x42: {  	_ =	shalt  }
0x43: {  	_ =	shalt  }
0x44: {  	_ =	shalt  }
0x45: {  	_ =	shalt  }
0x46: {  	_ =	shalt  }
0x47: {  	_ =	shalt  }
0x48: {  	_ =	shalt  }
0x49: {  	_ =	shalt  }
0x4a: {  	_ =	shalt  }
0x4b: {  	_ =	shalt  }
0x4c: {  	_ =	shalt  }
0x4d: {  	_ =	shalt  }
0x4e: {  	_ =	shalt  }
0x4f: {  	_ =	shalt  }
0x50: {  	_ =	shalt  }
0x51: {  	_ =	shalt  }
0x52: {  	_ =	shalt  }
0x53: {  	_ =	shalt  }
0x54: {  	_ =	shalt  }
0x55: {  	_ =	shalt  }
0x56: {  	_ =	shalt  }
0x57: {  	_ =	shalt  }
0x58: {  	_ =	shalt  }
0x59: {  	_ =	shalt  }
0x5a: {  	_ =	shalt  }
0x5b: {  	_ =	shalt  }
0x5c: {  	_ =	shalt  }
0x5d: {  	_ =	shalt  }
0x5e: {  	_ =	shalt  }
0x5f: {  	_ =	shalt  }
0x60: {  	_ =	shalt  }
0x61: {  	_ =	shalt  }
0x62: {  	_ =	shalt  }
0x63: {  	_ =	shalt  }
0x64: {  	_ =	shalt  }
0x65: {  	_ =	shalt  }
0x66: {  	_ =	shalt  }
0x67: {  	_ =	shalt  }
0x68: {  	_ =	shalt  }
0x69: {  	_ =	shalt  }
0x6a: {  	_ =	shalt  }
0x6b: {  	_ =	shalt  }
0x6c: {  	_ =	shalt  }
0x6d: {  	_ =	shalt  }
0x6e: {  	_ =	shalt  }
0x6f: {  	_ =	shalt  }
0x70: {  	_ =	shalt  }
0x71: {  	_ =	shalt  }
0x72: {  	_ =	shalt  }
0x73: {  	_ =	shalt  }
0x74: {  	_ =	shalt  }
0x75: {  	_ =	shalt  }
0x76: {  	_ =	shalt  }
0x77: {  	_ =	shalt  }
0x78: {  	_ =	shalt  }
0x79: {  	_ =	shalt  }
0x7a: {  	_ =	shalt  }
0x7b: {  	_ =	shalt  }
0x7c: {  	_ =	shalt  }
0x7d: {  	_ =	shalt  }
0x7e: {  	_ =	shalt  }
0x7f: {  	_ =	shalt  }
0x80: {  	_ =	shalt  }
0x81: {  	_ =	shalt  }
0x82: {  	_ =	shalt  }
0x83: {  	_ =	shalt  }
0x84: {  	_ =	shalt  }
0x85: {  	_ =	shalt  }
0x86: {  	_ =	shalt  }
0x87: {  	_ =	shalt  }
.Lfunc_end0:
.L_simem_size_0:
called_computation.2_lowered:
.L_overlay_start_0:
0x88: {  	s2 =	sld [smem:$0x3FD9]  }
0x89: {  	s3 =	sld [smem:$0x3FFE];
	_ =	sdelay $0x1  }
0x8a: {  	s1 =	srdreg.scid  }
0x8b: {  	s0 =	sand.u32 $0x1, s1  }
0x8c: {  	s17 =	sshll.u32 s0, $0xA;
	s2 =	sadd.s32 s3, s2  }
0x8d: {  	s2 =	sadd.s32 s2, s17  }
0x8e: {  	[smem:$0x3FC6] =	sst s2  }
0x8f: {  	_ = 	snop  }
0x90: {  	s2 =	sld [smem:$0x3FD0];
	(tm) =	ssettm $0x1  }
0x91: {  	s18 =	sld [smem:$0x3FFB];
	_ =	sdelay $0x3  }
0x92: {  	_ =	strace s18  }
0x93: {  	s3 =	sld [smem:$0x3FFC];
	_ =	sdelay $0x3  }
0x94: {  	_ =	strace s3  }
0x95: {  	s3 =	sld [smem:$0x3FFD];
	_ =	sdelay $0x3  }
0x96: {  	_ =	strace s3  }
0x97: {  	_ =	strace $0x8FFFFFFF  }
0x98: {  	s19 =	sld [smem:$0x3FDB];
	_ =	sdelay $0x1  }
0x99: {  	s4 =	simm.s32 $_scs_section_size  }
0x9a: {  	s5 =	simm.s32 $_size__tile_overlayer_lowered;
	s6 =	simm.s32 $_tile_overlayer_lowered  }
0x9b: {  	s22 =	simm.s32 $0x1BFF;
	s21 =	sshll.u32 s6, $0x1;
	s3 =	sadd.s32 s4, s19  }
0x9c: {  	s7 =	simm.s32 $0x0;
	s20 =	sshll.u32 s5, $0x1;
	s5 =	sadd.s32 s21, s3  }
0x9d: {  	[timem:s7], [sflag:s22] =	dma.local [hbm:s5], s20  }
0x9e: {  	_ =	swait.ge [sflag:s22], s20  }
0x9f: {  	s4 =	ssub.s32 $0x0, s20;
	[sflag:s22] =	ssyncset.done $0x0  }
0xa0: {  	[sflag:s22] =	ssyncadd.s32 s4;
	_ =	sdelay $0x1  }
0xa1: {  	s23 =	simm.s32 $0x1B8B  }
0xa2: {  	_ =	swait.ge [sflag:s23], $0x1  }
0xa3: {  	[sflag:s23] =	ssyncset.done $0x0  }
0xa4: {  	s25 =	simm.s32 $0x1B8E;
	s24 =	sld [smem:$0x3FFE];
	[sflag:s23] =	ssyncadd.s32 $0xFFFFFFFF  }
0xa5: {  	s26 =	simm.s32 $execute0_lowered;
	[smem:$0x3FD2] =	sst s25  }
0xa6: {  	s5 =	sshll.u32 s26, $0x1;
	_ =	strace $0x80000049;
	[dreg:$0x1] =	wrdreg $0xFFFFFFFF  }
0xa7: {  	s28 =	simm.s32 $_size_execute0_lowered;
	s3 =	sadd.s32 s3, s5;
	[dreg:$0x0] =	wrdreg $0x0  }
0xa8: {  	s5 =	sshll.u32 s28, $0x1;
	[dreg:$0x2] =	wrdreg s3  }
0xa9: {  	[dreg:$0x3] =	wrdreg s5  }
0xaa: {  	[dreg:$0x4] =	wrdreg $0xC0  }
0xab: {  	_ =	task [dreg:s7], $0x5FFFF  }
0xac: {  	[dreg:$0x1] =	wrdreg $0xFFFFFFFF  }
0xad: {  	[dreg:$0x0] =	wrdreg $0x60  }
0xae: {  	[dreg:$0x2] =	wrdreg s2  }
0xaf: {  	[dreg:$0x3] =	wrdreg s24  }
0xb0: {  	[dreg:$0x4] =	wrdreg $0x9  }
0xb1: {  	_ =	task.clear_ibuf [dreg:s7], $0x5FFFF;
	_ =	strace $0x90000049  }
0xb2: {  	s29 =	simm.s32 $0x9;
	_ =	strace $0x8000004B  }
0xb3: {  	_ =	swait.ge [sflag:s29], $0x1  }
0xb4: {  	[sflag:s29] =	ssyncadd.s32 $0xFFFFFFFF  }
0xb5: {  	_ =	strace $0x9000004B  }
0xb6: {  	_ =	sfence  }
0xb7: {  	s30 =	sld [smem:$0x0];
	_ =	sdelay $0x2  }
0xb8: {  	s31 =	sshll.u32 s1, $0xD;
	s1 =	sshrl.u32 s1, $0x2  }
0xb9: {  	s3 =	sand.u32 $0x4000, s31;
	s1 =	sadd.s32 s1, s30  }
0xba: {  	s0 =	sor.u32 s3, s0;
	s1 =	sshll.u32 s1, $0x11  }
0xbb: {  	s0 =	sor.u32 s1, s0  }
0xbc: {  	s0 =	sadd.s32 $0x8F2B, s0  }
0xbd: {  	[sflag:s0] =	ssyncadd.remote.s32 $0x1  }
0xbe: {  	_ =	sfence.sel $0xFFFF  }
0xbf: {  	[dreg:$0x0] =	wrdreg $0xFFFFFFFF;
	(pc) =	sbr.abs _section_cstart, $3  }
0xc0: {  	[dreg:$0x1] =	wrdreg $0xFFFFFFFF  }
0xc1: {  	_ =	task.clear_ibuf [dreg:s7], $0x2FFFF;
	_ =	strace $0x9FFFFFFF  }
0xc2: {  	(tm) =	ssettm $0x7FFFFFFF  }
0xc3: {  	_ =	shalt  }
tec
execute0_lowered:
.L_overlay_start_1:
0x0: {  	(tag) =	ssettag $0x1  }
0x1: {  	s1 =	rddreg [dreg:$0x0]  }
0x2: {  	s0 =	rddreg [dreg:$0x1];
	s3 =	simm.s32 $0x0  }
0x3: {  	[smem:$0x7FF] =	sst s3  }
0x4: {  	s2 =	srdreg.scid;
	s4 =	stileid.u32;
	v0 =	vimm.f32 $7.000000000e+00;
	_ =	strace $0x8000004A  }
0x5: {  	s12 =	simm.s32 $0x6;
	s16 =	simm.s32 $0x100;
	s17 =	simm.s32 $0x1;
	(erf) = vrcp.f32 v0  }
0x6: {  	s18 =	simm.s32 $0x1B00;
	s19 =	simm.s32 $0x16100;
	s20 =	simm.s32 $0x2  }
0x7: {  	s21 =	simm.s32 $0x185C0;
	s22 =	simm.s32 $0x3;
	s23 =	simm.s32 $0x0  }
0x8: {  	s2 =	sand.u32 $0x1, s2;
	s4 =	sshll.u32 s4, $0x1;
	s6 =	sadd.s32 $0x189200, s0  }
0x9: {  	s26 =	sadd.s32 $0x189000, s0;
	s28 =	sadd.s32 $0xE00, s0;
	s7 =	sadd.s32 $0x1400, s0  }
.Ltmp0:
0xa: {  	s4 =	sor.u32 s2, s4;
	[dreg:$0x3] =	wrdreg s6;
	(pc) =	sbr.rel .LBB2_1-.Ltmp0, $4  }
0xb: {  	s2 =	ssub.s32 $0x2, s2;
	[dreg:$0x4] =	wrdreg s26;
	s5 =	sshll.u32 s4, $0x4  }
0xc: {  	[dreg:$0x5] =	wrdreg s28;
	s29 =	sshrl.u32 s2, $0x1;
	s5 =	sadd.s32 s5, s0  }
0xd: {  	s8 =	sshll.u32 s4, $0x5;
	s30 =	ssub.s32 s2, s29;
	s31 =	sadd.s32 $0x188E00, s5  }
0xe: {  	v1 =	vimm.s32 $0x0;
	v2 =	vlaneseq.u32;
	s10 =	sxor.u32 $0x3E8, s8;
	s11 =	smax.u32 s30, $0x1;
	[dreg:$0x6] =	wrdreg s31;
	v0 =	vpop (erf)  }
.LBB2_16:
0xf: {  	[sflag:s22] =	ssyncadd.s32 $0xFFFFDB40  }
.LBB2_17:
0x10: {  	s23 =	sadd.s32 $0x1, s23  }
0x11: {  	p0 =	sne.s32 s23, s11  }
.Ltmp1:
0x12: {  	_ = 	snop;
	(pc) =	sbr.rel @!p0 .LBB2_18-.Ltmp1, $1  }
0x13: {  	_ =	sdelay $0x3  }
.LBB2_1:
0x14: {  	s0 =	rddreg [dreg:$0x6]  }
0x15: {  	[tilespmem:s3], [sflag:$0x6] =	stream.linear.gather [hbm4b:s0+s3], $0x80, $0x38;
	[tilespmem:$0x1CF40] =	vst v63  }
0x16: {  	_ =	swait.ge [sflag:s12], $0x80  }
0x17: {  	[sflag:s12] =	ssyncset.done $0x0  }
0x18: {  	s2 =	simm.s32 $0x80;
	s26 =	rddreg [dreg:$0x3];
	[sflag:s12] =	ssyncadd.s32 $0xFFFFFF80  }
0x19: {  	[tilespmem:s2], [sflag:$0x6] =	stream.linear.gather [hbm4b:s26+s3], $0x40, $0x38;
	[tilespmem:$0x1CF40] =	vst v63  }
0x1a: {  	_ =	swait.ge [sflag:s12], $0x40  }
0x1b: {  	[sflag:s12] =	ssyncset.done $0x0  }
0x1c: {  	s5 =	simm.s32 $0xC0;
	s4 =	rddreg [dreg:$0x4];
	[sflag:s12] =	ssyncadd.s32 $0xFFFFFFC0  }
0x1d: {  	[tilespmem:s5], [sflag:$0x6] =	stream.linear.gather [hbm4b:s4+s3], $0x40, $0x38;
	[tilespmem:$0x1CF40] =	vst v63  }
0x1e: {  	_ =	swait.ge [sflag:s12], $0x40  }
0x1f: {  	v3 =	vmov s3;
	[sflag:s12] =	ssyncset.done $0x0  }
0x20: {  	s9 =	simm.s32 $0x1AA80;
	v4 =	vor.u32 $0x1, v3;
	s6 =	rddreg [dreg:$0x5];
	[sflag:s12] =	ssyncadd.s32 $0xFFFFFFC0  }
0x21: {  	v5 =	vor.u32 $0x3, v3;
	[tilespmem:s9], [sflag:$0x6] =	stream.linear.gather [hbm4b:s6+s3], $0x24C0, $0x38;
	[tilespmem:$0x1CF40] =	vst v63  }
0x22: {  	v6 =	vor.u32 $0x2, v3;
	_ =	swait.ge [sflag:s12], $0x24C0  }
0x23: {  	[sflag:s12] =	ssyncset.done $0x0  }
0x24: {  	[sflag:s12] =	ssyncadd.s32 $0xFFFFDB40  }
0x25: {  	v4 =	vld.idx.msk [tilespmem:v4+s3+$0x0], $0xffff  }
0x26: {  	v5 =	vld.idx.msk [tilespmem:v5+s3+$0x0], $0xffff  }
0x27: {  	v6 =	vld.idx.msk [tilespmem:v6+s3+$0x0], $0xffff  }
0x28: {  	v7 =	vld.idx.msk [tilespmem:v3+s3+$0x0], $0xffff;
	_ =	sdelay $0x3  }
0x29: {  	v3 =	vmul.f32 $2.240000000e+02, v4;
	v5 =	vmul.f32 $2.240000000e+02, v5  }
0x2a: {  	v8 =	vld [tilespmem:$0x80];
	v6 =	vmul.f32 $2.240000000e+02, v6;
	v4 =	vmul.f32 $2.240000000e+02, v7  }
0x2b: {  	v7 =	vld [tilespmem:$0xC0]  }
0x2c: {  	v5 =	vsub.f32 v5, v3;
	v6 =	vsub.f32 v6, v4;
	_ =	sdelay $0x1  }
0x2d: {  	v5 =	vmul.f32 v5, v0;
	v6 =	vmul.f32 v6, v0;
	_ =	sdelay $0x1  }
0x2e: {  	v8 =	vmul.f32 v5, v8;
	v7 =	vmul.f32 v7, v6;
	_ =	sdelay $0x1  }
0x2f: {  	v8 =	vadd.f32 v8, v3;
	v7 =	vadd.f32 v7, v4;
	_ =	sdelay $0x1  }
0x30: {  	v8 =	vmax.f32 v8, $0.0e+00;
	v7 =	vmax.f32 v7, $0.0e+00  }
0x31: {  	v8 =	vmin.f32 v8, $2.230000000e+02;
	v7 =	vmin.f32 v7, $2.230000000e+02  }
0x32: {  	v9 =	vtrunc.f32 v8;
	v10 =	vtrunc.f32 v7  }
0x33: {  	v9 =	vcvt.f32.s32 v9;
	v10 =	vcvt.f32.s32 v10  }
0x34: {  	s13 =	simm.s32 $0x0  }
0x35: {  	s14 =	simm.s32 $0x31;
	s15 =	simm.s32 $0x62;
	v14 =	vor.u32 s13, v2;
	v11 =	vcvt.s32.f32 v9;
	v12 =	vcvt.s32.f32 v10  }
0x36: {  	v39 =	vadd.s32 s14, v2;
	v19 =	vadd.s32 s15, v2;
	vm0 =	vgt.f32 v5, $0.0e+00  }
0x37: {  	s24 =	simm.s32 $0x93;
	vm1 =	vgt.f32 v6, $0.0e+00;
	v8 =	vsub.f32 v8, v11;
	v7 =	vsub.f32 v7, v12  }
0x38: {  	v21 =	vadd.s32 s24, v2;
	vm0 =	vmand vm1, vm0;
	v38 =	vmul.u32 $0xE0, v9  }
0x39: {  	v9 =	vadd.s32 $0x1, v9;
	v15 =	vsub.f32 $1.000000000e+00, v7;
	v16 =	vsub.f32 $1.000000000e+00, v8  }
0x3a: {  	v13 =	vsel vm0, $0x1, v1;
	v17 =	vadd.s32 $0x1, v10;
	vm8 =	vlt.s32 v9, $0xDF  }
0x3b: {  	vm9 =	vlt.s32 v17, $0xDF;
	v18 =	vadd.s32 v10, v38;
	v20 =	vmul.f32 v15, v16  }
0x3c: {  	s28 =	simm.s32 $0x1B80;
	v11 =	vor.u32 $0x80000000, v13;
	v9 =	vnsel vm8, $0xDF, v9;
	v17 =	vnsel vm9, $0xDF, v17;
	[tilespmem:v14+s16+$0x0] =	vst.idx.msk $0xffff, v18  }
0x3d: {  	v9 =	vmul.u32 $0xE0, v9;
	v12 =	vadd.s32 v38, v17;
	v40 =	vmul.f32 v16, v7;
	[tilespmem:s28+$0xFFFFFF80] =	vst v20  }
0x3e: {  	(xrf0) =	vmax.scan.msk.u32 $0xffff, v11;
	[tilespmem:v39+s16+$0x0] =	vst.idx.msk $0xffff, v12  }
0x3f: {  	v10 =	vadd.s32 v10, v9;
	v11 =	vmul.f32 v15, v8;
	[tilespmem:s28+$0xFFFFFFC0] =	vst v40  }
0x40: {  	v7 =	vmul.f32 v7, v8;
	[tilespmem:v19+s16+$0x0] =	vst.idx.msk $0xffff, v10  }
0x41: {  	v8 =	vadd.s32 v17, v9;
	[tilespmem:s28+$0x0] =	vst v11  }
0x42: {  	[tilespmem:v21+s16+$0x0] =	vst.idx.msk $0xffff, v8  }
0x43: {  	[tilespmem:s28+$0x40] =	vst v7  }
0x44: {  	v7, _, _ =	vpop (xrf0);
	v8 =	vld [tilespmem:$0x90]  }
0x45: {  	(v2sf) =	vpush v7, $0xF;
	v7 =	vld [tilespmem:$0xD0];
	_ =	sdelay $0x4  }
0x46: {  	v8 =	vmul.f32 v8, v5;
	v7 =	vmul.f32 v7, v6;
	_ =	sdelay $0x1  }
0x47: {  	v8 =	vadd.f32 v8, v3;
	v7 =	vadd.f32 v7, v4;
	_ =	sdelay $0x1  }
0x48: {  	v8 =	vmax.f32 v8, $0.0e+00;
	v7 =	vmax.f32 v7, $0.0e+00  }
0x49: {  	v8 =	vmin.f32 v8, $2.230000000e+02;
	v7 =	vmin.f32 v7, $2.230000000e+02  }
0x4a: {  	v9 =	vtrunc.f32 v8;
	v10 =	vtrunc.f32 v7  }
0x4b: {  	v9 =	vcvt.f32.s32 v9;
	v10 =	vcvt.f32.s32 v10;
	_ =	sdelay $0x1  }
0x4c: {  	v11 =	vcvt.s32.f32 v9;
	v41 =	vcvt.s32.f32 v10  }
0x4d: {  	s26 =	simm.s32 $0x10  }
0x4e: {  	s5 =	simm.s32 $0x41;
	v8 =	vsub.f32 v8, v11;
	v11 =	vor.u32 s26, v2;
	v7 =	vsub.f32 v7, v41  }
0x4f: {  	v44 =	vadd.s32 s5, v2;
	v42 =	vadd.s32 $0x1, v9;
	s25 =	spop (v2sf)  }
0x50: {  	p0 =	sgt.u32 s10, $0x0;
	s6 =	simm.s32 $0x72;
	v9 =	vmul.u32 $0xE0, v9;
	s4 =	sxor.u32 $0x80000000, s25;
	v45 =	vsub.f32 $1.000000000e+00, v7;
	v46 =	vsub.f32 $1.000000000e+00, v8  }
0x51: {  	s5 =	simm.s32 $0x0;
	v47 =	vadd.s32 s6, v2;
	v43 =	vadd.s32 $0x1, v10;
	vm10 =	vlt.s32 v42, $0xDF;
	s0 =	ssub.s32 $0x1, s4;
	s4 =	simm.s32 @!p0 $0x0  }
0x52: {  	s9 =	simm.s32 $0xA3;
	vm11 =	vlt.s32 v43, $0xDF;
	v48 =	vadd.s32 v10, v9;
	s0 =	simm.s32 @!p0 $0x0;
	[smem:s5] =	sst s4;
	v49 =	vmul.f32 v45, v46  }
0x53: {  	v50 =	vadd.s32 s9, v2;
	v13 =	vnsel vm10, $0xDF, v42;
	v12 =	vnsel vm11, $0xDF, v43;
	[smem:$0x20] =	sst s0;
	[tilespmem:v11+s16+$0x0] =	vst.idx.msk $0xffff, v48  }
0x54: {  	v13 =	vmul.u32 $0xE0, v13;
	v9 =	vadd.s32 v9, v12;
	v11 =	vmul.f32 v46, v7;
	[tilespmem:s28+$0xFFFFFF90] =	vst v49  }
0x55: {  	[tilespmem:v44+s16+$0x0] =	vst.idx.msk $0xffff, v9  }
0x56: {  	v9 =	vadd.s32 v10, v13;
	v10 =	vmul.f32 v45, v8;
	[tilespmem:s28+$0xFFFFFFD0] =	vst v11  }
0x57: {  	[tilespmem:v47+s16+$0x0] =	vst.idx.msk $0xffff, v9  }
0x58: {  	v7 =	vmul.f32 v7, v8;
	v9 =	vadd.s32 v12, v13;
	[tilespmem:s28+$0x10] =	vst v10  }
0x59: {  	[tilespmem:v50+s16+$0x0] =	vst.idx.msk $0xffff, v9  }
0x5a: {  	[tilespmem:s28+$0x50] =	vst v7  }
0x5b: {  	v7 =	vld [tilespmem:$0xA0]  }
0x5c: {  	v8 =	vld [tilespmem:$0xE0];
	_ =	sdelay $0x4  }
0x5d: {  	v7 =	vmul.f32 v7, v5;
	v8 =	vmul.f32 v8, v6;
	_ =	sdelay $0x1  }
0x5e: {  	v7 =	vadd.f32 v7, v3;
	v8 =	vadd.f32 v8, v4;
	_ =	sdelay $0x1  }
0x5f: {  	v7 =	vmax.f32 v7, $0.0e+00;
	v8 =	vmax.f32 v8, $0.0e+00  }
0x60: {  	v7 =	vmin.f32 v7, $2.230000000e+02;
	v8 =	vmin.f32 v8, $2.230000000e+02  }
0x61: {  	v9 =	vtrunc.f32 v7;
	v10 =	vtrunc.f32 v8  }
0x62: {  	v9 =	vcvt.f32.s32 v9;
	v10 =	vcvt.f32.s32 v10;
	_ =	sdelay $0x1  }
0x63: {  	v11 =	vcvt.s32.f32 v9;
	v51 =	vcvt.s32.f32 v10  }
0x64: {  	s13 =	simm.s32 $0x20  }
0x65: {  	s14 =	simm.s32 $0x51;
	v52 =	vor.u32 s13, v2;
	v7 =	vsub.f32 v7, v11;
	v8 =	vsub.f32 v8, v51  }
0x66: {  	v56 =	vadd.s32 s14, v2;
	v53 =	vadd.s32 $0x1, v10;
	v11 =	vadd.s32 $0x1, v9  }
0x67: {  	s15 =	simm.s32 $0x82;
	v9 =	vmul.u32 $0xE0, v9;
	v54 =	vsub.f32 $1.000000000e+00, v7;
	v55 =	vsub.f32 $1.000000000e+00, v8  }
0x68: {  	v59 =	vadd.s32 s15, v2;
	vm13 =	vlt.s32 v53, $0xDF  }
0x69: {  	s24 =	simm.s32 $0xB3;
	vm12 =	vlt.s32 v11, $0xDF;
	v57 =	vadd.s32 v10, v9;
	v58 =	vmul.f32 v55, v54  }
0x6a: {  	v61 =	vadd.s32 s24, v2;
	v12 =	vnsel vm13, $0xDF, v53;
	v11 =	vnsel vm12, $0xDF, v11;
	[tilespmem:v52+s16+$0x0] =	vst.idx.msk $0xffff, v57  }
0x6b: {  	v9 =	vadd.s32 v9, v12;
	v11 =	vmul.u32 $0xE0, v11;
	v60 =	vmul.f32 v54, v8;
	[tilespmem:s28+$0xFFFFFFA0] =	vst v58  }
0x6c: {  	[tilespmem:v56+s16+$0x0] =	vst.idx.msk $0xffff, v9  }
0x6d: {  	v9 =	vadd.s32 v10, v11;
	v10 =	vmul.f32 v55, v7;
	[tilespmem:s28+$0xFFFFFFE0] =	vst v60  }
0x6e: {  	[tilespmem:v59+s16+$0x0] =	vst.idx.msk $0xffff, v9  }
0x6f: {  	v7 =	vmul.f32 v8, v7;
	v8 =	vadd.s32 v12, v11;
	[tilespmem:s28+$0x20] =	vst v10  }
0x70: {  	[tilespmem:v61+s16+$0x0] =	vst.idx.msk $0xffff, v8  }
0x71: {  	[tilespmem:s28+$0x60] =	vst v7  }
0x72: {  	v7 =	vld [tilespmem:$0xB0]  }
0x73: {  	v8 =	vld [tilespmem:$0xF0];
	_ =	sdelay $0x3  }
0x74: {  	v5 =	vmul.f32 v7, v5  }
0x75: {  	v6 =	vmul.f32 v8, v6  }
0x76: {  	v3 =	vadd.f32 v5, v3  }
0x77: {  	v4 =	vadd.f32 v6, v4  }
0x78: {  	v3 =	vmax.f32 v3, $0.0e+00  }
0x79: {  	v4 =	vmax.f32 v4, $0.0e+00;
	v3 =	vmin.f32 v3, $2.230000000e+02  }
0x7a: {  	v4 =	vmin.f32 v4, $2.230000000e+02;
	v5 =	vtrunc.f32 v3  }
0x7b: {  	v6 =	vtrunc.f32 v4;
	v5 =	vcvt.f32.s32 v5  }
0x7c: {  	s25 =	simm.s32 $0x30;
	v7 =	vcvt.f32.s32 v6  }
0x7d: {  	v8 =	vor.u32 s25, v2;
	v6 =	vcvt.s32.f32 v5;
	v9 =	vadd.s32 $0x1, v5  }
0x7e: {  	v5 =	vmul.u32 $0xE0, v5;
	v10 =	vcvt.s32.f32 v7;
	v11 =	vadd.s32 $0x1, v7  }
0x7f: {  	vm14 =	vlt.s32 v9, $0xDF;
	vm15 =	vlt.s32 v11, $0xDF;
	v3 =	vsub.f32 v3, v6  }
0x80: {  	s26 =	simm.s32 $0x61;
	v6 =	vsub.f32 v4, v10;
	v4 =	vnsel vm14, $0xDF, v9;
	v62 =	vnsel vm15, $0xDF, v11  }
0x81: {  	s29 =	simm.s32 $0xC3;
	v9 =	vadd.s32 v7, v5;
	v10 =	vadd.s32 s26, v2;
	v63 =	vmul.u32 $0xE0, v4  }
0x82: {  	s31 =	simm.s32 $0x193;
	s30 =	simm.s32 $0x1B80;
	s2 =	simm.s32 $0x0;
	v4 =	vadd.s32 v5, v62;
	[tilespmem:v8+s16+$0x0] =	vst.idx.msk $0x1, v9;
	v8 =	vsub.f32 $1.000000000e+00, v6;
	v11 =	vsub.f32 $1.000000000e+00, v3  }
0x83: {  	s4 =	simm.s32 $0x92;
	s24 =	sadd.s32 $0x0, s0;
	s0 =	simm.s32 $0x0;
	v5 =	vmul.f32 v6, v3;
	v9 =	vadd.s32 v7, v63;
	v7 =	vadd.s32 v62, v63  }
.LBB2_2:
0x84: {  	s25 =	smov.u32 s24  }
0x85: {  	v12 =	vmul.f32 v8, v11;
	v13 =	vadd.s32 s4, v2;
	s0 =	sadd.s32 $0x1, s0;
	s2 =	sadd.s32 $0x4, s2;
	s28 =	sadd.s32 $0x100, s28  }
0x86: {  	p0 =	sne.s32 s31, $0x19F3;
	v6 =	vmul.f32 v11, v6;
	v11 =	vadd.s32 s29, v2;
	s29 =	smov.u32 s31;
	s31 =	sadd.s32 $0xD0, s31;
	v14 =	vmov s2  }
0x87: {  	v15 =	vor.u32 $0x1, v14;
	v16 =	vor.u32 $0x2, v14;
	v17 =	vor.u32 $0x3, v14;
	[tilespmem:s30+$0xFFFFFFB0] =	vst v12  }
0x88: {  	[tilespmem:v10+s16+$0x0] =	vst.idx.msk $0x1, v4  }
0x89: {  	v3 =	vmul.f32 v8, v3;
	[tilespmem:s30+$0xFFFFFFF0] =	vst v6  }
0x8a: {  	[tilespmem:v13+s16+$0x0] =	vst.idx.msk $0x1, v9  }
0x8b: {  	[tilespmem:s30+$0x30] =	vst v3  }
0x8c: {  	[tilespmem:v11+s16+$0x0] =	vst.idx.msk $0x1, v7  }
0x8d: {  	[tilespmem:s30+$0x70] =	vst v5;
	s30 =	smov.u32 s28  }
0x8e: {  	v3 =	vld.idx.msk [tilespmem:v15+s3+$0x0], $0xffff  }
0x8f: {  	v4 =	vld.idx.msk [tilespmem:v17+s3+$0x0], $0xffff  }
0x90: {  	v5 =	vld.idx.msk [tilespmem:v16+s3+$0x0], $0xffff  }
0x91: {  	v6 =	vld.idx.msk [tilespmem:v14+s3+$0x0], $0xffff;
	_ =	sdelay $0x2  }
0x92: {  	v7 =	vld [tilespmem:$0x80]  }
0x93: {  	v3 =	vmul.f32 $2.240000000e+02, v3;
	v8 =	vmul.f32 $2.240000000e+02, v4;
	v9 =	vld [tilespmem:$0xC0]  }
0x94: {  	v5 =	vmul.f32 $2.240000000e+02, v5  }
0x95: {  	v4 =	vmul.f32 $2.240000000e+02, v6;
	v6 =	vsub.f32 v8, v3;
	_ =	sdelay $0x1  }
0x96: {  	v5 =	vsub.f32 v5, v4;
	_ =	sdelay $0x1  }
0x97: {  	v6 =	vmul.f32 v6, v0;
	v5 =	vmul.f32 v5, v0;
	_ =	sdelay $0x1  }
0x98: {  	vm0 =	vgt.f32 v6, $0.0e+00;
	v7 =	vmul.f32 v6, v7;
	v8 =	vmul.f32 v9, v5  }
0x99: {  	vm1 =	vgt.f32 v5, $0.0e+00  }
0x9a: {  	v7 =	vadd.f32 v7, v3;
	vm0 =	vmand vm1, vm0;
	v8 =	vadd.f32 v8, v4  }
0x9b: {  	v9 =	vsel vm0, $0x1, v1  }
0x9c: {  	v7 =	vmax.f32 v7, $0.0e+00;
	v9 =	vor.u32 $0x80000000, v9;
	v8 =	vmax.f32 v8, $0.0e+00  }
0x9d: {  	v7 =	vmin.f32 v7, $2.230000000e+02;
	v8 =	vmin.f32 v8, $2.230000000e+02;
	(xrf0) =	vmax.scan.msk.u32 $0xffff, v9  }
0x9e: {  	v9 =	vtrunc.f32 v7;
	v10 =	vtrunc.f32 v8  }
0x9f: {  	s4 =	sadd.s32 $0xFFFFFF3D, s29;
	v9 =	vcvt.f32.s32 v9;
	v10 =	vcvt.f32.s32 v10  }
0xa0: {  	v11 =	vor.u32 s4, v2  }
0xa1: {  	s4 =	sadd.s32 $0xFFFFFF6E, s29;
	v12 =	vcvt.s32.f32 v9;
	v17 =	vcvt.s32.f32 v10;
	v14 =	vmul.u32 $0xE0, v9  }
0xa2: {  	v16 =	vadd.s32 s4, v2;
	v9 =	vadd.s32 $0x1, v9;
	v15 =	vadd.s32 $0x1, v10  }
0xa3: {  	s4 =	sadd.s32 $0xFFFFFF9F, s29;
	v7 =	vsub.f32 v7, v12;
	v8 =	vsub.f32 v8, v17;
	v12 =	vadd.s32 v10, v14;
	v13, _, _ =	vpop (xrf0)  }
0xa4: {  	vm0 =	vlt.s32 v9, $0xDF;
	vm1 =	vlt.s32 v15, $0xDF;
	v17 =	vadd.s32 s4, v2  }
0xa5: {  	v9 =	vnsel vm0, $0xDF, v9;
	s4 =	sadd.s32 $0xFFFFFFD0, s29;
	v18 =	vsub.f32 $1.000000000e+00, v8;
	v19 =	vsub.f32 $1.000000000e+00, v7  }
0xa6: {  	v15 =	vnsel vm1, $0xDF, v15;
	v21 =	vadd.s32 s4, v2;
	v20 =	vmul.f32 v8, v7  }
0xa7: {  	v22 =	vmul.f32 v18, v19;
	v8 =	vmul.f32 v19, v8;
	(v2sf) =	vpush v13, $0xF  }
0xa8: {  	v7 =	vmul.f32 v18, v7;
	[tilespmem:v11+s16+$0x0] =	vst.idx.msk $0xffff, v12  }
0xa9: {  	v9 =	vmul.u32 $0xE0, v9;
	v11 =	vadd.s32 v14, v15;
	[tilespmem:s28+$0xFFFFFF80] =	vst v22  }
0xaa: {  	[tilespmem:v16+s16+$0x0] =	vst.idx.msk $0xffff, v11  }
0xab: {  	v10 =	vadd.s32 v10, v9;
	v9 =	vadd.s32 v15, v9;
	[tilespmem:s28+$0xFFFFFFC0] =	vst v8  }
0xac: {  	[tilespmem:v17+s16+$0x0] =	vst.idx.msk $0xffff, v10  }
0xad: {  	[tilespmem:s28+$0x0] =	vst v7  }
0xae: {  	[tilespmem:v21+s16+$0x0] =	vst.idx.msk $0xffff, v9  }
0xaf: {  	[tilespmem:s28+$0x40] =	vst v20  }
0xb0: {  	v7 =	vld [tilespmem:$0x90]  }
0xb1: {  	v8 =	vld [tilespmem:$0xD0];
	_ =	sdelay $0x3  }
0xb2: {  	v7 =	vmul.f32 v7, v6  }
0xb3: {  	v8 =	vmul.f32 v8, v5;
	s4 =	spop (v2sf)  }
0xb4: {  	p1 =	slt.u32 s0, s10;
	s4 =	sxor.u32 $0x80000000, s4;
	v7 =	vadd.f32 v7, v3  }
0xb5: {  	s5 =	sshra.s32 s2, $0x2;
	s26 =	ssub.s32 $0x1, s4;
	s4 =	simm.s32 @!p1 $0x0;
	v8 =	vadd.f32 v8, v4  }
0xb6: {  	s26 =	simm.s32 @!p1 $0x0;
	[smem:s5] =	sst s4;
	v7 =	vmax.f32 v7, $0.0e+00  }
0xb7: {  	[smem:s5+$0x20] =	sst s26;
	v7 =	vmin.f32 v7, $2.230000000e+02;
	v8 =	vmax.f32 v8, $0.0e+00;
	s24 =	sadd.s32 s24, s26  }
0xb8: {  	v8 =	vmin.f32 v8, $2.230000000e+02;
	v9 =	vtrunc.f32 v7  }
0xb9: {  	v9 =	vcvt.f32.s32 v9;
	v10 =	vtrunc.f32 v8  }
0xba: {  	s4 =	sadd.s32 $0xFFFFFF4D, s29;
	v10 =	vcvt.f32.s32 v10  }
0xbb: {  	v11 =	vcvt.s32.f32 v9;
	v12 =	vadd.s32 $0x1, v9  }
0xbc: {  	s5 =	sadd.s32 $0xFFFFFF7E, s29;
	v13 =	vcvt.s32.f32 v10;
	vm0 =	vlt.s32 v12, $0xDF;
	v14 =	vadd.s32 $0x1, v10  }
0xbd: {  	v7 =	vsub.f32 v7, v11;
	vm1 =	vlt.s32 v14, $0xDF;
	v11 =	vor.u32 s4, v2  }
0xbe: {  	v12 =	vnsel vm0, $0xDF, v12;
	s4 =	sadd.s32 $0xFFFFFFAF, s29;
	v8 =	vsub.f32 v8, v13;
	v13 =	vnsel vm1, $0xDF, v14  }
0xbf: {  	v12 =	vmul.u32 $0xE0, v12;
	v14 =	vadd.s32 s5, v2;
	v15 =	vadd.s32 s4, v2  }
0xc0: {  	v9 =	vmul.u32 $0xE0, v9;
	v17 =	vsub.f32 $1.000000000e+00, v7;
	v16 =	vsub.f32 $1.000000000e+00, v8  }
0xc1: {  	v18 =	vadd.s32 v10, v12;
	v12 =	vadd.s32 v13, v12;
	v19 =	vmul.f32 v8, v7  }
0xc2: {  	v10 =	vadd.s32 v10, v9;
	v8 =	vmul.f32 v17, v8;
	v20 =	vmul.f32 v16, v17  }
0xc3: {  	s4 =	sadd.s32 $0xFFFFFFE0, s29;
	v7 =	vmul.f32 v16, v7;
	[tilespmem:v11+s16+$0x0] =	vst.idx.msk $0xffff, v10  }
0xc4: {  	v9 =	vadd.s32 v9, v13;
	v10 =	vadd.s32 s4, v2;
	[tilespmem:s28+$0xFFFFFF90] =	vst v20  }
0xc5: {  	[tilespmem:v14+s16+$0x0] =	vst.idx.msk $0xffff, v9  }
0xc6: {  	[tilespmem:s28+$0xFFFFFFD0] =	vst v8  }
0xc7: {  	[tilespmem:v15+s16+$0x0] =	vst.idx.msk $0xffff, v18  }
0xc8: {  	[tilespmem:s28+$0x10] =	vst v7  }
0xc9: {  	[tilespmem:v10+s16+$0x0] =	vst.idx.msk $0xffff, v12  }
0xca: {  	[tilespmem:s28+$0x50] =	vst v19  }
0xcb: {  	v7 =	vld [tilespmem:$0xA0]  }
0xcc: {  	v8 =	vld [tilespmem:$0xE0];
	_ =	sdelay $0x3  }
0xcd: {  	v7 =	vmul.f32 v7, v6  }
0xce: {  	v8 =	vmul.f32 v8, v5  }
0xcf: {  	v7 =	vadd.f32 v7, v3  }
0xd0: {  	v8 =	vadd.f32 v8, v4  }
0xd1: {  	v7 =	vmax.f32 v7, $0.0e+00  }
0xd2: {  	v7 =	vmin.f32 v7, $2.230000000e+02;
	v8 =	vmax.f32 v8, $0.0e+00  }
0xd3: {  	s4 =	sadd.s32 $0xFFFFFF5D, s29;
	v8 =	vmin.f32 v8, $2.230000000e+02;
	v9 =	vtrunc.f32 v7  }
0xd4: {  	v11 =	vor.u32 s4, v2;
	v9 =	vcvt.f32.s32 v9;
	v10 =	vtrunc.f32 v8  }
0xd5: {  	v10 =	vcvt.f32.s32 v10  }
0xd6: {  	v12 =	vcvt.s32.f32 v9;
	v13 =	vadd.s32 $0x1, v9;
	v9 =	vmul.u32 $0xE0, v9  }
0xd7: {  	v14 =	vcvt.s32.f32 v10;
	vm0 =	vlt.s32 v13, $0xDF;
	v15 =	vadd.s32 $0x1, v10  }
0xd8: {  	v7 =	vsub.f32 v7, v12;
	vm1 =	vlt.s32 v15, $0xDF;
	v12 =	vadd.s32 v10, v9  }
0xd9: {  	v13 =	vnsel vm0, $0xDF, v13;
	v8 =	vsub.f32 v8, v14;
	v14 =	vnsel vm1, $0xDF, v15;
	[tilespmem:v11+s16+$0x0] =	vst.idx.msk $0xffff, v12  }
0xda: {  	s4 =	sadd.s32 $0xFFFFFF8E, s29;
	v12 =	vmul.u32 $0xE0, v13;
	v11 =	vsub.f32 $1.000000000e+00, v7;
	v9 =	vadd.s32 v9, v14  }
0xdb: {  	v16 =	vadd.s32 s4, v2;
	v13 =	vsub.f32 $1.000000000e+00, v8;
	v15 =	vmul.f32 v8, v7  }
0xdc: {  	s4 =	sadd.s32 $0xFFFFFFBF, s29;
	v10 =	vadd.s32 v10, v12;
	v12 =	vadd.s32 v14, v12;
	v8 =	vmul.f32 v11, v8  }
0xdd: {  	v11 =	vmul.f32 v13, v11;
	v7 =	vmul.f32 v13, v7;
	v13 =	vadd.s32 s4, v2  }
0xde: {  	s4 =	sadd.s32 $0xFFFFFFF0, s29  }
0xdf: {  	[tilespmem:s28+$0xFFFFFFA0] =	vst v11;
	v11 =	vadd.s32 s4, v2  }
0xe0: {  	[tilespmem:v16+s16+$0x0] =	vst.idx.msk $0xffff, v9  }
0xe1: {  	[tilespmem:s28+$0xFFFFFFE0] =	vst v8  }
0xe2: {  	[tilespmem:v13+s16+$0x0] =	vst.idx.msk $0xffff, v10  }
0xe3: {  	[tilespmem:s28+$0x20] =	vst v7  }
0xe4: {  	[tilespmem:v11+s16+$0x0] =	vst.idx.msk $0xffff, v12  }
0xe5: {  	[tilespmem:s28+$0x60] =	vst v15  }
0xe6: {  	v7 =	vld [tilespmem:$0xB0]  }
0xe7: {  	v8 =	vld [tilespmem:$0xF0];
	_ =	sdelay $0x3  }
0xe8: {  	v6 =	vmul.f32 v7, v6  }
0xe9: {  	v5 =	vmul.f32 v8, v5  }
0xea: {  	v3 =	vadd.f32 v6, v3  }
0xeb: {  	v4 =	vadd.f32 v5, v4  }
0xec: {  	v3 =	vmax.f32 v3, $0.0e+00  }
0xed: {  	v3 =	vmin.f32 v3, $2.230000000e+02;
	v4 =	vmax.f32 v4, $0.0e+00  }
0xee: {  	s4 =	sadd.s32 $0xFFFFFF6D, s29;
	v4 =	vmin.f32 v4, $2.230000000e+02;
	v5 =	vtrunc.f32 v3  }
0xef: {  	v7 =	vor.u32 s4, v2;
	v5 =	vcvt.f32.s32 v5;
	v6 =	vtrunc.f32 v4  }
0xf0: {  	v9 =	vcvt.f32.s32 v6  }
0xf1: {  	v6 =	vcvt.s32.f32 v5;
	v8 =	vadd.s32 $0x1, v5;
	v5 =	vmul.u32 $0xE0, v5  }
0xf2: {  	v10 =	vcvt.s32.f32 v9;
	vm0 =	vlt.s32 v8, $0xDF;
	v11 =	vadd.s32 $0x1, v9  }
.Ltmp2:
0xf3: {  	v3 =	vsub.f32 v3, v6;
	vm1 =	vlt.s32 v11, $0xDF;
	v12 =	vadd.s32 v9, v5;
	(pc) =	sbr.rel @p0 .LBB2_2-.Ltmp2, $4  }
0xf4: {  	v6 =	vsub.f32 v4, v10;
	v4 =	vnsel vm0, $0xDF, v8;
	v13 =	vnsel vm1, $0xDF, v11;
	[tilespmem:v7+s16+$0x0] =	vst.idx.msk $0x1, v12  }
0xf5: {  	s4 =	sadd.s32 $0xFFFFFF9E, s29;
	v7 =	vmul.u32 $0xE0, v4;
	v4 =	vadd.s32 v5, v13  }
0xf6: {  	v10 =	vadd.s32 s4, v2;
	v11 =	vsub.f32 $1.000000000e+00, v3;
	v8 =	vsub.f32 $1.000000000e+00, v6  }
0xf7: {  	s4 =	sadd.s32 $0xFFFFFFCF, s29;
	v5 =	vmul.f32 v6, v3;
	v9 =	vadd.s32 v9, v7;
	v7 =	vadd.s32 v13, v7  }
0xf8: {  	_ = 	snop  }
0xf9: {  	v12 =	vmul.f32 v8, v11;
	v13 =	vadd.s32 s4, v2;
	_ =	sdelay $0x1  }
0xfa: {  	v6 =	vmul.f32 v11, v6;
	v63 =	vadd.s32 s29, v2;
	[smem:$0x40] =	sst s3;
	[tilespmem:s30+$0xFFFFFFB0] =	vst v12  }
0xfb: {  	[smem:$0x41] =	sst s3;
	[tilespmem:v10+s16+$0x0] =	vst.idx.msk $0x1, v4  }
0xfc: {  	v3 =	vmul.f32 v8, v3;
	s0 =	sld [smem:$0x0];
	[tilespmem:s30+$0xFFFFFFF0] =	vst v6  }
0xfd: {  	[tilespmem:v13+s16+$0x0] =	vst.idx.msk $0x1, v9  }
0xfe: {  	[tilespmem:s30+$0x30] =	vst v3  }
.Ltmp3:
0xff: {  	s28 =	simm.s32 $0x0;
	p0 =	sne.s32 s0, $0x1;
	[tilespmem:v63+s16+$0x0] =	vst.idx.msk $0x1, v7;
	(pc) =	sbr.rel .LBB2_4-.Ltmp3, $4  }
0x100: {  	s0 =	simm.s32 @!p0 $0x80;
	s2 =	simm.s32 @!p0 $0x100;
	s4 =	simm.s32 @!p0 $0x3B00;
	[tilespmem:s30+$0x70] =	vst v5  }
0x101: {  	[tilespmem:s4], [sflag:$0x1] =	stream.indirect.gather @!p0 [hbm4b:s1+s0], $0xC0, s2, s0, $0xb8;
	[tilespmem:$0x1CF40] =	vst v63  }
0x102: {  	s0 =	simm.s32 @!p0 $0x44;
	s2 =	simm.s32 @!p0 $0x180;
	s4 =	simm.s32 @!p0 $0x9B00  }
0x103: {  	[tilespmem:s4], [sflag:$0x1] =	stream.indirect.gather @!p0 [hbm4b:s1+s0], $0xC0, s2, s0, $0xb8;
	[tilespmem:$0x1CF40] =	vst v63  }
.LBB2_12:
0x104: {  	s0 =	sld [smem:s29+$0x20];
	_ =	sdelay $0x2  }
0x105: {  	p0 =	sne.s32 s0, $0x1  }
0x106: {  	s0 =	sadd.s32 @!p0 s8, s29  }
0x107: {  	s0 =	smul.u32 @!p0 $0x498, s0  }
0x108: {  	s28 =	sadd.s32 $0x1, s28  }
0x109: {  	s2 =	simm.s32 @!p0 $0x0;
	s4 =	simm.s32 @!p0 $0x1AA80;
	s0 =	sadd.s32 @!p0 s7, s0  }
0x10a: {  	[hbm4b:s0+s2] =	stream.linear.scatter @!p0 [tilespmem:s4], [sflag:$0x3], $0x24C0, $0x38;
	[tilespmem:$0x1CF40] =	vst v63  }
0x10b: {  	p0 =	sne.s32 s28, $0x10  }
.Ltmp4:
0x10c: {  	_ = 	snop;
	(pc) =	sbr.rel @!p0 .LBB2_13-.Ltmp4, $1  }
0x10d: {  	_ =	sdelay $0x3  }
.LBB2_4:
0x10e: {  	s29 =	sshllo.u32 s28, $0x1  }
0x10f: {  	s0 =	sld [smem:s29+$0x0];
	_ =	sdelay $0x2  }
0x110: {  	p0 =	sne.s32 s0, $0x1  }
0x111: {  	s0 =	smul.u32 @!p0 $0x340, s29  }
0x112: {  	s30 =	sshll.u32 s28, $0x1  }
0x113: {  	s31 =	sld [smem:s30+$0x0];
	s0 =	sshra.s32 @!p0 s0, $0x2  }
0x114: {  	s4 =	simm.s32 @!p0 $0x80;
	s5 =	simm.s32 @!p0 $0xCE00;
	s2 =	sadd.s32 @!p0 $0x100, s0  }
0x115: {  	[tilespmem:s5], [sflag:$0x2] =	stream.indirect.gather @!p0 [hbm4b:s1+s4], $0xC0, s2, s4, $0xb8;
	[tilespmem:$0x1CF40] =	vst v63  }
0x116: {  	s0 =	sadd.s32 @!p0 $0x180, s0;
	s4 =	simm.s32 @!p0 $0x44;
	s5 =	simm.s32 @!p0 $0x12E00  }
0x117: {  	[tilespmem:s5], [sflag:$0x2] =	stream.indirect.gather @!p0 [hbm4b:s1+s4], $0xC0, s0, s4, $0xb8;
	[tilespmem:$0x1CF40] =	vst v63  }
0x118: {  	p0 =	sne.s32 s31, $0x1  }
.Ltmp5:
0x119: {  	_ = 	snop;
	(pc) =	sbr.rel @p0 .LBB2_8-.Ltmp5, $1  }
0x11a: {  	_ =	sdelay $0x3  }
0x11b: {  	_ =	swait.ge [sflag:s17], $0x6000  }
0x11c: {  	[sflag:s17] =	ssyncset.done $0x0  }
0x11d: {  	[sflag:s17] =	ssyncadd.s32 $0xFFFFA000  }
0x11e: {  	_ =	swait.ge [sflag:s17], $0x3300  }
0x11f: {  	[sflag:s17] =	ssyncset.done $0x0  }
0x120: {  	[sflag:s17] =	ssyncadd.s32 $0xFFFFCD00  }
0x121: {  	s0 =	sld [smem:$0x40];
	_ =	sdelay $0x2  }
0x122: {  	p0 =	sne.s32 s0, $0x1  }
0x123: {  	s0 =	simm.s32 @!p0 $0x4  }
0x124: {  	_ =	swait.ge @!p0 [sflag:s0], $0x24C0  }
0x125: {  	[sflag:s0] =	ssyncset.done @!p0 $0x0  }
0x126: {  	[sflag:s0] =	ssyncadd.s32 @!p0 $0xFFFFDB40;
	s0 =	simm.s32 $0x0  }
0x127: {  	v8 =	vld [tilespmem:s0+$0xA9E0]  }
0x128: {  	v10 =	vld [tilespmem:s0+$0x3B90]  }
0x129: {  	v6 =	vld [tilespmem:s0+$0x6050]  }
0x12a: {  	v11 =	vld [tilespmem:s0+$0x3B80]  }
0x12b: {  	v12 =	vld [tilespmem:s0+$0x6040]  }
0x12c: {  	v13 =	vld [tilespmem:s0+$0xA990]  }
0x12d: {  	v14 =	vld [tilespmem:s0+$0xA9D0]  }
0x12e: {  	v17 =	vld [tilespmem:s0+$0x6030]  }
0x12f: {  	v15 =	vld [tilespmem:s0+$0x6020]  }
0x130: {  	v16 =	vld [tilespmem:s0+$0x3B60]  }
0x131: {  	v18 =	vld [tilespmem:s0+$0x3B70]  }
0x132: {  	v19 =	vld [tilespmem:s0+$0x3B50]  }
0x133: {  	v20 =	vld [tilespmem:s0+$0x3B30]  }
0x134: {  	v23 =	vld [tilespmem:s0+$0x5FE0]  }
0x135: {  	v21 =	vld [tilespmem:s0+$0x8510]  }
0x136: {  	v25 =	vld [tilespmem:s0+$0x6010]  }
0x137: {  	v24 =	vld [tilespmem:s0+$0x6000]  }
0x138: {  	s2 =	sshll.u32 s28, $0x9;
	v22 =	vld [tilespmem:s0+$0x3B20]  }
0x139: {  	s31 =	sor.u32 $0x40, s2;
	s4 =	sadd.s32 $0x0, s2;
	v26 =	vld [tilespmem:s0+$0x3B10]  }
0x13a: {  	s13 =	sor.u32 $0x80, s2;
	v3 =	vmov s4;
	s6 =	sadd.s32 $0x0, s31;
	v28 =	vld [tilespmem:s0+$0x5FC0]  }
0x13b: {  	s14 =	sor.u32 $0xC0, s2;
	s9 =	sadd.s32 $0x0, s13;
	v4 =	vmov s6;
	v27 =	vld [tilespmem:s0+$0x8530]  }
0x13c: {  	s15 =	sadd.s32 $0x0, s14;
	v5 =	vmov s9;
	v30 =	vld [tilespmem:s0+$0x5FF0]  }
0x13d: {  	v29 =	vmov s15;
	v31 =	vld [tilespmem:s0+$0x3B40]  }
0x13e: {  	v32 =	vld [tilespmem:s0+$0x5FD0]  }
0x13f: {  	v7 =	vld.idx.msk [tilespmem:v3+s18+$0x0], $0xffff  }
0x140: {  	v9 =	vld.idx.msk [tilespmem:v4+s18+$0x0], $0xffff  }
0x141: {  	v4 =	vld.idx.msk [tilespmem:v5+s18+$0x0], $0xffff  }
0x142: {  	v3 =	vld.idx.msk [tilespmem:v29+s18+$0x0], $0xffff  }
0x143: {  	v5 =	vld [tilespmem:s0+$0x8480]  }
0x144: {  	v29 =	vld [tilespmem:s0+$0x84A0];
	v34 =	vmul.f32 v22, v7;
	v35 =	vmul.f32 v11, v7  }
0x145: {  	v37 =	vld [tilespmem:s0+$0x84C0];
	v36 =	vmul.f32 v12, v9;
	v38 =	vmul.f32 v6, v9  }
0x146: {  	v39 =	vld [tilespmem:s0+$0x84E0];
	v11 =	vmul.f32 v19, v7;
	v21 =	vmul.f32 v21, v4  }
0x147: {  	v41 =	vld [tilespmem:s0+$0x8500];
	v6 =	vmul.f32 v13, v3;
	v15 =	vmul.f32 v15, v9  }
0x148: {  	v51 =	vld [tilespmem:s0+$0xA9C0];
	v31 =	vmul.f32 v31, v7;
	v8 =	vmul.f32 v8, v3  }
0x149: {  	v22 =	vld [tilespmem:s0+$0x84B0];
	v42 =	vmul.f32 v10, v7;
	v43 =	vmul.f32 v14, v3  }
0x14a: {  	v58 =	vld [tilespmem:s0+$0xA960];
	v13 =	vmul.f32 v27, v4;
	v10 =	vmul.f32 v37, v4  }
0x14b: {  	v54 =	vld [tilespmem:s0+$0xA980];
	v16 =	vmul.f32 v16, v7;
	v52 =	vmul.f32 v29, v4  }
0x14c: {  	v19 =	vld [tilespmem:s0+$0x84D0];
	v39 =	vmul.f32 v39, v4;
	v26 =	vmul.f32 v26, v7  }
0x14d: {  	v61 =	vld [tilespmem:s0+$0xA950];
	v55 =	vmul.f32 v41, v4;
	v57 =	vmul.f32 v24, v9  }
0x14e: {  	v33 =	vld [tilespmem:s0+$0x8490];
	v18 =	vmul.f32 v18, v7;
	v12 =	vmul.f32 v22, v4;
	v22 =	vadd.f32 v38, v42  }
0x14f: {  	v27 =	vld [tilespmem:s0+$0xA9B0];
	v59 =	vmul.f32 v51, v3;
	v63 =	vmul.f32 v58, v3;
	v29 =	vadd.f32 v36, v35  }
0x150: {  	v40 =	vld [tilespmem:s0+$0x84F0];
	v60 =	vadd.f32 v15, v16;
	v16 =	vmul.f32 v23, v9;
	v21 =	vadd.f32 v21, v22  }
0x151: {  	v53 =	vld [tilespmem:s0+$0x3BA0];
	v29 =	vadd.f32 v55, v29;
	v14 =	vmul.f32 v19, v4;
	v19 =	vmul.f32 v32, v9  }
0x152: {  	v44 =	vld [tilespmem:s0+$0xA970];
	v15 =	vmul.f32 v54, v3;
	v35 =	vmul.f32 v61, v3;
	v21 =	vadd.f32 v43, v21  }
0x153: {  	v56 =	vld [tilespmem:s0+$0x8520];
	v23 =	vadd.f32 v59, v29;
	v29 =	vadd.f32 v19, v26;
	v19 =	vmul.f32 v30, v9  }
0x154: {  	v24 =	vld [tilespmem:s0+$0x3BB0];
	[tilespmem:s0+$0x16190] =	vst v21;
	v21 =	vmul.f32 v27, v3;
	v27 =	vmul.f32 v20, v7  }
0x155: {  	v32 =	vmul.f32 v33, v4;
	v30 =	vld [tilespmem:s0+$0x6060];
	v20 =	vmul.f32 v25, v9;
	v25 =	vadd.f32 v16, v34  }
0x156: {  	v33 =	vmul.f32 v53, v7;
	v26 =	vmul.f32 v17, v9;
	[tilespmem:s0+$0x16180] =	vst v23;
	v23 =	vld [tilespmem:s0+$0xA940];
	v17 =	vadd.f32 v19, v27  }
0x157: {  	v22 =	vmul.f32 v40, v4;
	v19 =	vadd.f32 v57, v31;
	v31 =	vld [tilespmem:s0+$0x6070];
	v62 =	vadd.f32 v52, v25  }
0x158: {  	v36 =	vadd.f32 v26, v18;
	v18 =	vadd.f32 v39, v60;
	v26 =	vmul.f32 v56, v4;
	v27 =	vld [tilespmem:s0+$0x3B00]  }
0x159: {  	s4 =	simm.s32 $0x300;
	s15 =	simm.s32 $0x1;
	v16 =	vmul.f32 v44, v3;
	v25 =	vmul.f32 v28, v9;
	v28 =	vld [tilespmem:s0+$0xA9F0];
	v34 =	vadd.f32 v63, v62  }
.LBB2_6:
0x15a: {  	s6 =	smov.u32 s4  }
0x15b: {  	s9 =	sadd.s32 s2, s15;
	s5 =	sshra.s32 s4, $0x2;
	v29 =	vadd.f32 v32, v29;
	v32 =	vld [tilespmem:s0+$0xA9A0];
	v22 =	vadd.f32 v22, v36;
	v30 =	vmul.f32 v30, v9;
	s6 =	sadd.s32 $0x300, s4  }
0x15c: {  	p0 =	sne.s32 s4, $0x9000;
	v24 =	vmul.f32 v24, v7;
	v36 =	vmov s9;
	s9 =	sadd.s32 s31, s15;
	v9 =	vmul.f32 v31, v9;
	v37 =	vld [tilespmem:s5+$0xA9E0];
	[tilespmem:s0+$0x16120] =	vst v34  }
0x15d: {  	s4 =	sadd.s32 s13, s15;
	v31 =	vmov s9;
	v29 =	vadd.f32 v35, v29;
	v21 =	vadd.f32 v21, v22;
	v34 =	vld [tilespmem:s5+$0x3B90]  }
0x15e: {  	v22 =	vmov s4;
	s4 =	sadd.s32 s14, s15;
	v30 =	vadd.f32 v30, v33;
	v9 =	vadd.f32 v9, v24;
	v35 =	vld [tilespmem:s5+$0x6050]  }
0x15f: {  	v12 =	vadd.f32 v12, v17;
	v7 =	vmul.f32 v27, v7;
	v24 =	vmov s4;
	v33 =	vld [tilespmem:s5+$0x3B80];
	[tilespmem:s0+$0x16110] =	vst v29  }
0x160: {  	v11 =	vadd.f32 v20, v11;
	v9 =	vadd.f32 v13, v9;
	v13 =	vmul.f32 v28, v3;
	v27 =	vld [tilespmem:s5+$0x6040];
	[tilespmem:s0+$0x16170] =	vst v21  }
0x161: {  	v4 =	vmul.f32 v5, v4;
	v7 =	vadd.f32 v25, v7;
	v5 =	vadd.f32 v26, v30;
	v20 =	vld [tilespmem:s5+$0xA990]  }
0x162: {  	v11 =	vadd.f32 v14, v11;
	v14 =	vmul.f32 v32, v3;
	v9 =	vadd.f32 v13, v9;
	v21 =	vld [tilespmem:s5+$0xA9D0]  }
0x163: {  	v3 =	vmul.f32 v23, v3;
	v4 =	vadd.f32 v4, v7;
	v5 =	vadd.f32 v8, v5;
	v17 =	vld [tilespmem:s5+$0x6030]  }
0x164: {  	v6 =	vadd.f32 v6, v11;
	v7 =	vadd.f32 v10, v19;
	v8 =	vld [tilespmem:s5+$0x6020];
	[tilespmem:s0+$0x161B0] =	vst v9  }
0x165: {  	v3 =	vadd.f32 v3, v4;
	v4 =	vadd.f32 v14, v18;
	v19 =	vld [tilespmem:s5+$0x3B60];
	[tilespmem:s0+$0x161A0] =	vst v5  }
0x166: {  	v7 =	vadd.f32 v15, v7;
	v5 =	vadd.f32 v16, v12;
	v18 =	vld [tilespmem:s5+$0x3B70];
	[tilespmem:s0+$0x16150] =	vst v6  }
0x167: {  	v6 =	vld [tilespmem:s5+$0x3B50];
	[tilespmem:s0+$0x16100] =	vst v3  }
0x168: {  	v15 =	vld [tilespmem:s5+$0x3B30];
	[tilespmem:s0+$0x16140] =	vst v7  }
0x169: {  	v16 =	vld [tilespmem:s5+$0x5FE0];
	[tilespmem:s0+$0x16130] =	vst v5  }
0x16a: {  	v10 =	vld [tilespmem:s5+$0x8510];
	[tilespmem:s0+$0x16160] =	vst v4;
	s0 =	smov.u32 s5  }
0x16b: {  	v23 =	vld [tilespmem:s0+$0x6010]  }
0x16c: {  	v25 =	vld [tilespmem:s0+$0x6000]  }
0x16d: {  	v11 =	vld [tilespmem:s0+$0x3B20]  }
0x16e: {  	v26 =	vld [tilespmem:s0+$0x3B10]  }
0x16f: {  	v28 =	vld [tilespmem:s0+$0x5FC0]  }
0x170: {  	v12 =	vld [tilespmem:s0+$0x8530]  }
0x171: {  	v30 =	vld [tilespmem:s0+$0x5FF0]  }
0x172: {  	v13 =	vld [tilespmem:s0+$0x3B40]  }
0x173: {  	v29 =	vld [tilespmem:s0+$0x5FD0]  }
0x174: {  	v7 =	vld.idx.msk [tilespmem:v36+s18+$0x0], $0xffff  }
0x175: {  	v9 =	vld.idx.msk [tilespmem:v31+s18+$0x0], $0xffff  }
0x176: {  	v4 =	vld.idx.msk [tilespmem:v22+s18+$0x0], $0xffff  }
0x177: {  	v3 =	vld.idx.msk [tilespmem:v24+s18+$0x0], $0xffff  }
0x178: {  	v5 =	vld [tilespmem:s0+$0x8480]  }
0x179: {  	v31 =	vld [tilespmem:s0+$0x8490]  }
0x17a: {  	v32 =	vmul.f32 v11, v7;
	v24 =	vmul.f32 v33, v7;
	v14 =	vld [tilespmem:s0+$0x84A0]  }
0x17b: {  	v27 =	vmul.f32 v27, v9;
	v33 =	vmul.f32 v35, v9;
	v22 =	vld [tilespmem:s0+$0x84B0]  }
0x17c: {  	v11 =	vmul.f32 v6, v7;
	v36 =	vmul.f32 v10, v4;
	v35 =	vld [tilespmem:s0+$0x84C0]  }
0x17d: {  	v6 =	vmul.f32 v20, v3;
	v20 =	vmul.f32 v8, v9;
	v38 =	vld [tilespmem:s0+$0x84D0]  }
0x17e: {  	v39 =	vmul.f32 v13, v7;
	v8 =	vmul.f32 v37, v3;
	v40 =	vld [tilespmem:s0+$0x84E0]  }
0x17f: {  	v13 =	vmul.f32 v12, v4;
	v41 =	vmul.f32 v21, v3;
	v37 =	vld [tilespmem:s0+$0x84F0]  }
0x180: {  	v12 =	vmul.f32 v22, v4;
	v21 =	vld [tilespmem:s0+$0x8500];
	v22 =	vmul.f32 v34, v7  }
0x181: {  	v19 =	vmul.f32 v19, v7;
	v10 =	vmul.f32 v35, v4;
	v34 =	vld [tilespmem:s0+$0xA9B0]  }
0x182: {  	v35 =	vmul.f32 v14, v4;
	v14 =	vmul.f32 v38, v4;
	v38 =	vld [tilespmem:s0+$0xA9C0];
	v33 =	vadd.f32 v33, v22  }
0x183: {  	v29 =	vmul.f32 v29, v9;
	v42 =	vadd.f32 v20, v19;
	v40 =	vmul.f32 v40, v4;
	v43 =	vld [tilespmem:s0+$0x3BA0]  }
0x184: {  	v19 =	vmul.f32 v26, v7;
	v26 =	vld [tilespmem:s0+$0xA980];
	v22 =	vmul.f32 v37, v4;
	v20 =	vadd.f32 v36, v33  }
0x185: {  	v25 =	vmul.f32 v25, v9;
	v24 =	vadd.f32 v27, v24;
	v33 =	vld [tilespmem:s0+$0xA970];
	v27 =	vmul.f32 v21, v4  }
0x186: {  	v18 =	vmul.f32 v18, v7;
	v21 =	vmul.f32 v34, v3;
	v34 =	vadd.f32 v41, v20;
	v37 =	vld [tilespmem:s0+$0x8520]  }
0x187: {  	v41 =	vmul.f32 v15, v7;
	v36 =	vld [tilespmem:s0+$0xA960];
	v27 =	vadd.f32 v27, v24;
	v38 =	vmul.f32 v38, v3  }
0x188: {  	v16 =	vmul.f32 v16, v9;
	v29 =	vadd.f32 v29, v19;
	v20 =	vmul.f32 v23, v9;
	[tilespmem:s0+$0x16190] =	vst v34;
	v24 =	vld [tilespmem:s0+$0x3BB0]  }
0x189: {  	v19 =	vmul.f32 v30, v9;
	v34 =	vld [tilespmem:s0+$0xA950];
	v15 =	vmul.f32 v26, v3;
	v23 =	vadd.f32 v38, v27  }
.Ltmp6:
0x18a: {  	v26 =	vadd.f32 v16, v32;
	v16 =	vmul.f32 v33, v3;
	v33 =	vmul.f32 v17, v9;
	v30 =	vld [tilespmem:s0+$0x6060];
	(pc) =	sbr.rel @p0 .LBB2_6-.Ltmp6, $4  }
0x18b: {  	v32 =	vmul.f32 v31, v4;
	v17 =	vadd.f32 v19, v41;
	v19 =	vadd.f32 v25, v39;
	[tilespmem:s0+$0x16180] =	vst v23;
	v31 =	vld [tilespmem:s0+$0x6070]  }
0x18c: {  	v38 =	vadd.f32 v35, v26;
	v27 =	vld [tilespmem:s0+$0x3B00];
	v39 =	vmul.f32 v36, v3;
	v36 =	vadd.f32 v33, v18  }
0x18d: {  	v25 =	vmul.f32 v28, v9;
	v26 =	vmul.f32 v37, v4;
	v18 =	vadd.f32 v40, v42;
	v28 =	vld [tilespmem:s0+$0xA9F0]  }
0x18e: {  	s15 =	sadd.s32 $0x1, s15;
	s4 =	smov.u32 s6;
	v33 =	vmul.f32 v43, v7;
	v23 =	vld [tilespmem:s0+$0xA940];
	v35 =	vmul.f32 v34, v3;
	v34 =	vadd.f32 v39, v38  }
0x18f: {  	v29 =	vadd.f32 v32, v29;
	v22 =	vadd.f32 v22, v36  }
0x190: {  	v52 =	vmul.f32 v30, v9;
	v11 =	vadd.f32 v20, v11;
	v60 =	vadd.f32 v10, v19  }
0x191: {  	v24 =	vmul.f32 v24, v7;
	v61 =	vadd.f32 v12, v17;
	v29 =	vadd.f32 v35, v29  }
0x192: {  	v54 =	vld [tilespmem:s0+$0xA9A0];
	v31 =	vmul.f32 v31, v9;
	v21 =	vadd.f32 v21, v22;
	v9 =	vadd.f32 v52, v33  }
0x193: {  	[tilespmem:s0+$0x16120] =	vst v34;
	v53 =	vmul.f32 v27, v7;
	v57 =	vadd.f32 v14, v11;
	v62 =	vadd.f32 v15, v60  }
0x194: {  	v63 =	vadd.f32 v16, v61;
	v24 =	vadd.f32 v31, v24;
	[tilespmem:s0+$0x16110] =	vst v29  }
0x195: {  	v4 =	vmul.f32 v5, v4;
	v7 =	vadd.f32 v25, v53;
	v56 =	vadd.f32 v26, v9;
	[tilespmem:s0+$0x16170] =	vst v21  }
0x196: {  	v55 =	vmul.f32 v28, v3;
	v6 =	vadd.f32 v6, v57;
	[tilespmem:s0+$0x16140] =	vst v62;
	v13 =	vadd.f32 v13, v24  }
0x197: {  	v59 =	vmul.f32 v23, v3;
	[tilespmem:s0+$0x16130] =	vst v63;
	v3 =	vmul.f32 v54, v3;
	v5 =	vadd.f32 v8, v56  }
0x198: {  	v4 =	vadd.f32 v4, v7;
	[tilespmem:s0+$0x16150] =	vst v6;
	v58 =	vadd.f32 v55, v13  }
0x199: {  	s2 =	sadd.s32 s8, s30;
	v3 =	vadd.f32 v3, v18;
	[tilespmem:s0+$0x161A0] =	vst v5  }
0x19a: {  	s2 =	smul.u32 $0x498, s2;
	v4 =	vadd.f32 v59, v4;
	[tilespmem:s0+$0x161B0] =	vst v58  }
0x19b: {  	[tilespmem:s0+$0x16160] =	vst v3  }
0x19c: {  	[smem:$0x40] =	sst s17;
	s31 =	sadd.s32 s7, s2;
	[tilespmem:s0+$0x16100] =	vst v4  }
0x19d: {  	[hbm4b:s31+s3] =	stream.linear.scatter [tilespmem:s19], [sflag:$0x4], $0x24C0, $0x38;
	[tilespmem:$0x1CF40] =	vst v63  }
.LBB2_8:
0x19e: {  	s0 =	sld [smem:s30+$0x20];
	_ =	sdelay $0x2  }
0x19f: {  	p1 =	sne.s32 s0, $0x1;
	s0 =	sld [smem:s30+$0x2]  }
0x1a0: {  	s2 =	sadd.s32 @!p1 s8, s30  }
0x1a1: {  	p0 =	seq.s32 s28, $0xF;
	s2 =	smul.u32 @!p1 $0x498, s2  }
0x1a2: {  	p2 =	sne.s32 @!p0 s0, $0x1  }
0x1a3: {  	p0 =	por p2, p0;
	s0 =	sadd.s32 @!p1 s7, s2;
	s2 =	sadd.s32 $0x2, s30  }
0x1a4: {  	s4 =	simm.s32 @!p1 $0x0;
	s5 =	simm.s32 @!p1 $0x1AA80;
	s2 =	smul.u32 @!p0 $0x340, s2  }
0x1a5: {  	[hbm4b:s0+s4] =	stream.linear.scatter @!p1 [tilespmem:s5], [sflag:$0x3], $0x24C0, $0x38;
	[tilespmem:$0x1CF40] =	vst v63  }
0x1a6: {  	s31 =	sld [smem:s29+$0x0];
	s0 =	sshra.s32 @!p0 s2, $0x2  }
0x1a7: {  	s4 =	simm.s32 @!p0 $0x80;
	s5 =	simm.s32 @!p0 $0x3B00;
	s2 =	sadd.s32 @!p0 $0x100, s0  }
0x1a8: {  	[tilespmem:s5], [sflag:$0x1] =	stream.indirect.gather @!p0 [hbm4b:s1+s4], $0xC0, s2, s4, $0xb8;
	[tilespmem:$0x1CF40] =	vst v63  }
0x1a9: {  	s0 =	sadd.s32 @!p0 $0x180, s0;
	s4 =	simm.s32 @!p0 $0x44;
	s5 =	simm.s32 @!p0 $0x9B00  }
0x1aa: {  	[tilespmem:s5], [sflag:$0x1] =	stream.indirect.gather @!p0 [hbm4b:s1+s4], $0xC0, s0, s4, $0xb8;
	[tilespmem:$0x1CF40] =	vst v63  }
0x1ab: {  	p0 =	sne.s32 s31, $0x1  }
.Ltmp7:
0x1ac: {  	_ = 	snop;
	(pc) =	sbr.rel @p0 .LBB2_12-.Ltmp7, $1  }
0x1ad: {  	_ =	sdelay $0x3  }
0x1ae: {  	_ =	swait.ge [sflag:s20], $0x6000  }
0x1af: {  	[sflag:s20] =	ssyncset.done $0x0  }
0x1b0: {  	[sflag:s20] =	ssyncadd.s32 $0xFFFFA000  }
0x1b1: {  	_ =	swait.ge [sflag:s20], $0x3300  }
0x1b2: {  	[sflag:s20] =	ssyncset.done $0x0  }
0x1b3: {  	[sflag:s20] =	ssyncadd.s32 $0xFFFFCD00  }
0x1b4: {  	s0 =	sld [smem:$0x41];
	_ =	sdelay $0x2  }
0x1b5: {  	p0 =	sne.s32 s0, $0x1  }
0x1b6: {  	s0 =	simm.s32 @!p0 $0x5  }
0x1b7: {  	_ =	swait.ge @!p0 [sflag:s0], $0x24C0  }
0x1b8: {  	[sflag:s0] =	ssyncset.done @!p0 $0x0  }
0x1b9: {  	[sflag:s0] =	ssyncadd.s32 @!p0 $0xFFFFDB40;
	s0 =	simm.s32 $0x0  }
0x1ba: {  	v8 =	vld [tilespmem:s0+$0x13CE0]  }
0x1bb: {  	v10 =	vld [tilespmem:s0+$0xCE90]  }
0x1bc: {  	v6 =	vld [tilespmem:s0+$0xF350]  }
0x1bd: {  	v11 =	vld [tilespmem:s0+$0xCE80]  }
0x1be: {  	v12 =	vld [tilespmem:s0+$0xF340]  }
0x1bf: {  	v13 =	vld [tilespmem:s0+$0x13C90]  }
0x1c0: {  	v14 =	vld [tilespmem:s0+$0x13CD0]  }
0x1c1: {  	v17 =	vld [tilespmem:s0+$0xF330]  }
0x1c2: {  	v15 =	vld [tilespmem:s0+$0xF320]  }
0x1c3: {  	v16 =	vld [tilespmem:s0+$0xCE60]  }
0x1c4: {  	v18 =	vld [tilespmem:s0+$0xCE70]  }
0x1c5: {  	v19 =	vld [tilespmem:s0+$0xCE50]  }
0x1c6: {  	v20 =	vld [tilespmem:s0+$0xCE30]  }
0x1c7: {  	v23 =	vld [tilespmem:s0+$0xF2E0]  }
0x1c8: {  	v21 =	vld [tilespmem:s0+$0x11810]  }
0x1c9: {  	v25 =	vld [tilespmem:s0+$0xF310]  }
0x1ca: {  	v24 =	vld [tilespmem:s0+$0xF300]  }
0x1cb: {  	s2 =	sshll.u32 s29, $0x8;
	v22 =	vld [tilespmem:s0+$0xCE20]  }
0x1cc: {  	s30 =	sor.u32 $0x40, s2;
	s4 =	sadd.s32 $0x0, s2;
	v26 =	vld [tilespmem:s0+$0xCE10]  }
0x1cd: {  	s13 =	sor.u32 $0x80, s2;
	v3 =	vmov s4;
	s9 =	sadd.s32 $0x0, s30;
	v28 =	vld [tilespmem:s0+$0xF2C0]  }
0x1ce: {  	s14 =	sor.u32 $0xC0, s2;
	s15 =	sadd.s32 $0x0, s13;
	v4 =	vmov s9;
	v27 =	vld [tilespmem:s0+$0x11830]  }
0x1cf: {  	s31 =	sadd.s32 $0x0, s14;
	v5 =	vmov s15;
	v30 =	vld [tilespmem:s0+$0xF2F0]  }
0x1d0: {  	v29 =	vmov s31;
	v31 =	vld [tilespmem:s0+$0xCE40]  }
0x1d1: {  	v32 =	vld [tilespmem:s0+$0xF2D0]  }
0x1d2: {  	v7 =	vld.idx.msk [tilespmem:v3+s18+$0x0], $0xffff  }
0x1d3: {  	v9 =	vld.idx.msk [tilespmem:v4+s18+$0x0], $0xffff  }
0x1d4: {  	v4 =	vld.idx.msk [tilespmem:v5+s18+$0x0], $0xffff  }
0x1d5: {  	v3 =	vld.idx.msk [tilespmem:v29+s18+$0x0], $0xffff  }
0x1d6: {  	v5 =	vld [tilespmem:s0+$0x11780]  }
0x1d7: {  	v29 =	vld [tilespmem:s0+$0x117A0];
	v34 =	vmul.f32 v22, v7;
	v35 =	vmul.f32 v11, v7  }
0x1d8: {  	v37 =	vld [tilespmem:s0+$0x117C0];
	v36 =	vmul.f32 v12, v9;
	v38 =	vmul.f32 v6, v9  }
0x1d9: {  	v39 =	vld [tilespmem:s0+$0x117E0];
	v11 =	vmul.f32 v19, v7;
	v21 =	vmul.f32 v21, v4  }
0x1da: {  	v41 =	vld [tilespmem:s0+$0x11800];
	v6 =	vmul.f32 v13, v3;
	v15 =	vmul.f32 v15, v9  }
0x1db: {  	v51 =	vld [tilespmem:s0+$0x13CC0];
	v31 =	vmul.f32 v31, v7;
	v8 =	vmul.f32 v8, v3  }
0x1dc: {  	v22 =	vld [tilespmem:s0+$0x117B0];
	v42 =	vmul.f32 v10, v7;
	v43 =	vmul.f32 v14, v3  }
0x1dd: {  	v58 =	vld [tilespmem:s0+$0x13C60];
	v13 =	vmul.f32 v27, v4;
	v10 =	vmul.f32 v37, v4  }
0x1de: {  	v54 =	vld [tilespmem:s0+$0x13C80];
	v16 =	vmul.f32 v16, v7;
	v52 =	vmul.f32 v29, v4  }
0x1df: {  	v19 =	vld [tilespmem:s0+$0x117D0];
	v39 =	vmul.f32 v39, v4;
	v26 =	vmul.f32 v26, v7  }
0x1e0: {  	v61 =	vld [tilespmem:s0+$0x13C50];
	v55 =	vmul.f32 v41, v4;
	v57 =	vmul.f32 v24, v9  }
0x1e1: {  	v33 =	vld [tilespmem:s0+$0x11790];
	v18 =	vmul.f32 v18, v7;
	v12 =	vmul.f32 v22, v4;
	v22 =	vadd.f32 v38, v42  }
0x1e2: {  	v27 =	vld [tilespmem:s0+$0x13CB0];
	v59 =	vmul.f32 v51, v3;
	v63 =	vmul.f32 v58, v3;
	v29 =	vadd.f32 v36, v35  }
0x1e3: {  	v40 =	vld [tilespmem:s0+$0x117F0];
	v60 =	vadd.f32 v15, v16;
	v16 =	vmul.f32 v23, v9;
	v21 =	vadd.f32 v21, v22  }
0x1e4: {  	v53 =	vld [tilespmem:s0+$0xCEA0];
	v29 =	vadd.f32 v55, v29;
	v14 =	vmul.f32 v19, v4;
	v19 =	vmul.f32 v32, v9  }
0x1e5: {  	v44 =	vld [tilespmem:s0+$0x13C70];
	v15 =	vmul.f32 v54, v3;
	v35 =	vmul.f32 v61, v3;
	v21 =	vadd.f32 v43, v21  }
0x1e6: {  	v56 =	vld [tilespmem:s0+$0x11820];
	v23 =	vadd.f32 v59, v29;
	v29 =	vadd.f32 v19, v26;
	v19 =	vmul.f32 v30, v9  }
0x1e7: {  	v24 =	vld [tilespmem:s0+$0xCEB0];
	[tilespmem:s0+$0x18650] =	vst v21;
	v21 =	vmul.f32 v27, v3;
	v27 =	vmul.f32 v20, v7  }
0x1e8: {  	v32 =	vmul.f32 v33, v4;
	v30 =	vld [tilespmem:s0+$0xF360];
	v20 =	vmul.f32 v25, v9;
	v25 =	vadd.f32 v16, v34  }
0x1e9: {  	v33 =	vmul.f32 v53, v7;
	v26 =	vmul.f32 v17, v9;
	[tilespmem:s0+$0x18640] =	vst v23;
	v23 =	vld [tilespmem:s0+$0x13C40];
	v17 =	vadd.f32 v19, v27  }
0x1ea: {  	v22 =	vmul.f32 v40, v4;
	v19 =	vadd.f32 v57, v31;
	v31 =	vld [tilespmem:s0+$0xF370];
	v62 =	vadd.f32 v52, v25  }
0x1eb: {  	v36 =	vadd.f32 v26, v18;
	v18 =	vadd.f32 v39, v60;
	v26 =	vmul.f32 v56, v4;
	v27 =	vld [tilespmem:s0+$0xCE00]  }
0x1ec: {  	s6 =	simm.s32 $0x300;
	s15 =	simm.s32 $0x1;
	v16 =	vmul.f32 v44, v3;
	v25 =	vmul.f32 v28, v9;
	v28 =	vld [tilespmem:s0+$0x13CF0];
	v34 =	vadd.f32 v63, v62  }
.LBB2_10:
0x1ed: {  	s4 =	smov.u32 s6  }
0x1ee: {  	s9 =	sadd.s32 s2, s15;
	s5 =	sshra.s32 s6, $0x2;
	v29 =	vadd.f32 v32, v29;
	v32 =	vld [tilespmem:s0+$0x13CA0];
	v22 =	vadd.f32 v22, v36;
	v30 =	vmul.f32 v30, v9;
	s4 =	sadd.s32 $0x300, s6  }
0x1ef: {  	p0 =	sne.s32 s6, $0x9000;
	v24 =	vmul.f32 v24, v7;
	v36 =	vmov s9;
	s9 =	sadd.s32 s30, s15;
	v9 =	vmul.f32 v31, v9;
	v37 =	vld [tilespmem:s5+$0x13CE0];
	[tilespmem:s0+$0x185E0] =	vst v34  }
0x1f0: {  	s6 =	sadd.s32 s13, s15;
	v31 =	vmov s9;
	v29 =	vadd.f32 v35, v29;
	v21 =	vadd.f32 v21, v22;
	v34 =	vld [tilespmem:s5+$0xCE90]  }
0x1f1: {  	v22 =	vmov s6;
	s6 =	sadd.s32 s14, s15;
	v30 =	vadd.f32 v30, v33;
	v9 =	vadd.f32 v9, v24;
	v35 =	vld [tilespmem:s5+$0xF350]  }
0x1f2: {  	v12 =	vadd.f32 v12, v17;
	v7 =	vmul.f32 v27, v7;
	v24 =	vmov s6;
	v33 =	vld [tilespmem:s5+$0xCE80];
	[tilespmem:s0+$0x185D0] =	vst v29  }
0x1f3: {  	v11 =	vadd.f32 v20, v11;
	v9 =	vadd.f32 v13, v9;
	v13 =	vmul.f32 v28, v3;
	v27 =	vld [tilespmem:s5+$0xF340];
	[tilespmem:s0+$0x18630] =	vst v21  }
0x1f4: {  	v4 =	vmul.f32 v5, v4;
	v7 =	vadd.f32 v25, v7;
	v5 =	vadd.f32 v26, v30;
	v20 =	vld [tilespmem:s5+$0x13C90]  }
0x1f5: {  	v11 =	vadd.f32 v14, v11;
	v14 =	vmul.f32 v32, v3;
	v9 =	vadd.f32 v13, v9;
	v21 =	vld [tilespmem:s5+$0x13CD0]  }
0x1f6: {  	v3 =	vmul.f32 v23, v3;
	v4 =	vadd.f32 v4, v7;
	v5 =	vadd.f32 v8, v5;
	v17 =	vld [tilespmem:s5+$0xF330]  }
0x1f7: {  	v6 =	vadd.f32 v6, v11;
	v7 =	vadd.f32 v10, v19;
	v8 =	vld [tilespmem:s5+$0xF320];
	[tilespmem:s0+$0x18670] =	vst v9  }
0x1f8: {  	v3 =	vadd.f32 v3, v4;
	v4 =	vadd.f32 v14, v18;
	v19 =	vld [tilespmem:s5+$0xCE60];
	[tilespmem:s0+$0x18660] =	vst v5  }
0x1f9: {  	v7 =	vadd.f32 v15, v7;
	v5 =	vadd.f32 v16, v12;
	v18 =	vld [tilespmem:s5+$0xCE70];
	[tilespmem:s0+$0x18610] =	vst v6  }
0x1fa: {  	v6 =	vld [tilespmem:s5+$0xCE50];
	[tilespmem:s0+$0x185C0] =	vst v3  }
0x1fb: {  	v15 =	vld [tilespmem:s5+$0xCE30];
	[tilespmem:s0+$0x18600] =	vst v7  }
0x1fc: {  	v16 =	vld [tilespmem:s5+$0xF2E0];
	[tilespmem:s0+$0x185F0] =	vst v5  }
0x1fd: {  	v10 =	vld [tilespmem:s5+$0x11810];
	[tilespmem:s0+$0x18620] =	vst v4;
	s0 =	smov.u32 s5  }
0x1fe: {  	v23 =	vld [tilespmem:s0+$0xF310]  }
0x1ff: {  	v25 =	vld [tilespmem:s0+$0xF300]  }
0x200: {  	v11 =	vld [tilespmem:s0+$0xCE20]  }
0x201: {  	v26 =	vld [tilespmem:s0+$0xCE10]  }
0x202: {  	v28 =	vld [tilespmem:s0+$0xF2C0]  }
0x203: {  	v12 =	vld [tilespmem:s0+$0x11830]  }
0x204: {  	v30 =	vld [tilespmem:s0+$0xF2F0]  }
0x205: {  	v13 =	vld [tilespmem:s0+$0xCE40]  }
0x206: {  	v29 =	vld [tilespmem:s0+$0xF2D0]  }
0x207: {  	v7 =	vld.idx.msk [tilespmem:v36+s18+$0x0], $0xffff  }
0x208: {  	v9 =	vld.idx.msk [tilespmem:v31+s18+$0x0], $0xffff  }
0x209: {  	v4 =	vld.idx.msk [tilespmem:v22+s18+$0x0], $0xffff  }
0x20a: {  	v3 =	vld.idx.msk [tilespmem:v24+s18+$0x0], $0xffff  }
0x20b: {  	v5 =	vld [tilespmem:s0+$0x11780]  }
0x20c: {  	v31 =	vld [tilespmem:s0+$0x11790]  }
0x20d: {  	v32 =	vmul.f32 v11, v7;
	v24 =	vmul.f32 v33, v7;
	v14 =	vld [tilespmem:s0+$0x117A0]  }
0x20e: {  	v27 =	vmul.f32 v27, v9;
	v33 =	vmul.f32 v35, v9;
	v22 =	vld [tilespmem:s0+$0x117B0]  }
0x20f: {  	v11 =	vmul.f32 v6, v7;
	v36 =	vmul.f32 v10, v4;
	v35 =	vld [tilespmem:s0+$0x117C0]  }
0x210: {  	v6 =	vmul.f32 v20, v3;
	v20 =	vmul.f32 v8, v9;
	v38 =	vld [tilespmem:s0+$0x117D0]  }
0x211: {  	v39 =	vmul.f32 v13, v7;
	v8 =	vmul.f32 v37, v3;
	v40 =	vld [tilespmem:s0+$0x117E0]  }
0x212: {  	v13 =	vmul.f32 v12, v4;
	v41 =	vmul.f32 v21, v3;
	v37 =	vld [tilespmem:s0+$0x117F0]  }
0x213: {  	v12 =	vmul.f32 v22, v4;
	v21 =	vld [tilespmem:s0+$0x11800];
	v22 =	vmul.f32 v34, v7  }
0x214: {  	v19 =	vmul.f32 v19, v7;
	v10 =	vmul.f32 v35, v4;
	v34 =	vld [tilespmem:s0+$0x13CB0]  }
0x215: {  	v35 =	vmul.f32 v14, v4;
	v14 =	vmul.f32 v38, v4;
	v38 =	vld [tilespmem:s0+$0x13CC0];
	v33 =	vadd.f32 v33, v22  }
0x216: {  	v29 =	vmul.f32 v29, v9;
	v42 =	vadd.f32 v20, v19;
	v40 =	vmul.f32 v40, v4;
	v43 =	vld [tilespmem:s0+$0xCEA0]  }
0x217: {  	v19 =	vmul.f32 v26, v7;
	v26 =	vld [tilespmem:s0+$0x13C80];
	v22 =	vmul.f32 v37, v4;
	v20 =	vadd.f32 v36, v33  }
0x218: {  	v25 =	vmul.f32 v25, v9;
	v24 =	vadd.f32 v27, v24;
	v33 =	vld [tilespmem:s0+$0x13C70];
	v27 =	vmul.f32 v21, v4  }
0x219: {  	v18 =	vmul.f32 v18, v7;
	v21 =	vmul.f32 v34, v3;
	v34 =	vadd.f32 v41, v20;
	v37 =	vld [tilespmem:s0+$0x11820]  }
0x21a: {  	v41 =	vmul.f32 v15, v7;
	v36 =	vld [tilespmem:s0+$0x13C60];
	v27 =	vadd.f32 v27, v24;
	v38 =	vmul.f32 v38, v3  }
0x21b: {  	v16 =	vmul.f32 v16, v9;
	v29 =	vadd.f32 v29, v19;
	v20 =	vmul.f32 v23, v9;
	[tilespmem:s0+$0x18650] =	vst v34;
	v24 =	vld [tilespmem:s0+$0xCEB0]  }
0x21c: {  	v19 =	vmul.f32 v30, v9;
	v34 =	vld [tilespmem:s0+$0x13C50];
	v15 =	vmul.f32 v26, v3;
	v23 =	vadd.f32 v38, v27  }
.Ltmp8:
0x21d: {  	v26 =	vadd.f32 v16, v32;
	v16 =	vmul.f32 v33, v3;
	v33 =	vmul.f32 v17, v9;
	v30 =	vld [tilespmem:s0+$0xF360];
	(pc) =	sbr.rel @p0 .LBB2_10-.Ltmp8, $4  }
0x21e: {  	v32 =	vmul.f32 v31, v4;
	v17 =	vadd.f32 v19, v41;
	v19 =	vadd.f32 v25, v39;
	[tilespmem:s0+$0x18640] =	vst v23;
	v31 =	vld [tilespmem:s0+$0xF370]  }
0x21f: {  	v38 =	vadd.f32 v35, v26;
	v27 =	vld [tilespmem:s0+$0xCE00];
	v39 =	vmul.f32 v36, v3;
	v36 =	vadd.f32 v33, v18  }
0x220: {  	v25 =	vmul.f32 v28, v9;
	v26 =	vmul.f32 v37, v4;
	v18 =	vadd.f32 v40, v42;
	v28 =	vld [tilespmem:s0+$0x13CF0]  }
0x221: {  	s15 =	sadd.s32 $0x1, s15;
	s6 =	smov.u32 s4;
	v33 =	vmul.f32 v43, v7;
	v23 =	vld [tilespmem:s0+$0x13C40];
	v35 =	vmul.f32 v34, v3;
	v34 =	vadd.f32 v39, v38  }
0x222: {  	v29 =	vadd.f32 v32, v29;
	v22 =	vadd.f32 v22, v36  }
0x223: {  	v52 =	vmul.f32 v30, v9;
	v11 =	vadd.f32 v20, v11;
	v60 =	vadd.f32 v10, v19  }
0x224: {  	v24 =	vmul.f32 v24, v7;
	v61 =	vadd.f32 v12, v17;
	v29 =	vadd.f32 v35, v29  }
0x225: {  	v54 =	vld [tilespmem:s0+$0x13CA0];
	v31 =	vmul.f32 v31, v9;
	v21 =	vadd.f32 v21, v22;
	v9 =	vadd.f32 v52, v33  }
0x226: {  	[tilespmem:s0+$0x185E0] =	vst v34;
	v53 =	vmul.f32 v27, v7;
	v57 =	vadd.f32 v14, v11;
	v62 =	vadd.f32 v15, v60  }
0x227: {  	v63 =	vadd.f32 v16, v61;
	v24 =	vadd.f32 v31, v24;
	[tilespmem:s0+$0x185D0] =	vst v29  }
0x228: {  	v4 =	vmul.f32 v5, v4;
	v7 =	vadd.f32 v25, v53;
	v56 =	vadd.f32 v26, v9;
	[tilespmem:s0+$0x18630] =	vst v21  }
0x229: {  	v55 =	vmul.f32 v28, v3;
	v6 =	vadd.f32 v6, v57;
	[tilespmem:s0+$0x18600] =	vst v62;
	v13 =	vadd.f32 v13, v24  }
0x22a: {  	v59 =	vmul.f32 v23, v3;
	[tilespmem:s0+$0x185F0] =	vst v63;
	v3 =	vmul.f32 v54, v3;
	v5 =	vadd.f32 v8, v56  }
0x22b: {  	v4 =	vadd.f32 v4, v7;
	[tilespmem:s0+$0x18610] =	vst v6;
	v58 =	vadd.f32 v55, v13  }
.Ltmp9:
0x22c: {  	s2 =	sadd.s32 s8, s29;
	v3 =	vadd.f32 v3, v18;
	[tilespmem:s0+$0x18660] =	vst v5;
	(pc) =	sbr.rel .LBB2_12-.Ltmp9, $4  }
0x22d: {  	s2 =	smul.u32 $0x498, s2;
	v4 =	vadd.f32 v59, v4;
	[tilespmem:s0+$0x18670] =	vst v58  }
0x22e: {  	[tilespmem:s0+$0x18620] =	vst v3  }
0x22f: {  	[smem:$0x41] =	sst s17;
	s31 =	sadd.s32 s7, s2;
	[tilespmem:s0+$0x185C0] =	vst v4  }
0x230: {  	[hbm4b:s31+s3] =	stream.linear.scatter [tilespmem:s21], [sflag:$0x5], $0x24C0, $0x38;
	[tilespmem:$0x1CF40] =	vst v63  }
.LBB2_13:
0x231: {  	s0 =	sld [smem:$0x40];
	_ =	sdelay $0x2  }
0x232: {  	p0 =	sne.s32 s0, $0x1  }
0x233: {  	s0 =	simm.s32 @!p0 $0x4  }
0x234: {  	_ =	swait.ge @!p0 [sflag:s0], $0x24C0  }
0x235: {  	[sflag:s0] =	ssyncset.done @!p0 $0x0  }
0x236: {  	[sflag:s0] =	ssyncadd.s32 @!p0 $0xFFFFDB40  }
0x237: {  	s0 =	sld [smem:$0x41];
	_ =	sdelay $0x1  }
0x238: {  	p1 =	slt.s32 s24, $0x1  }
.Ltmp10:
0x239: {  	p0 =	sne.s32 s0, $0x1;
	(pc) =	sbr.rel @p1 .LBB2_17-.Ltmp10, $4  }
0x23a: {  	s0 =	simm.s32 @!p0 $0x5  }
0x23b: {  	_ =	swait.ge @!p0 [sflag:s0], $0x24C0  }
0x23c: {  	[sflag:s0] =	ssyncset.done @!p0 $0x0  }
0x23d: {  	[sflag:s0] =	ssyncadd.s32 @!p0 $0xFFFFDB40  }
0x23e: {  	s0 =	sadd.s32 s25, s26  }
0x23f: {  	p0 =	sne.s32 s0, $0x1  }
.Ltmp11:
0x240: {  	_ = 	snop;
	(pc) =	sbr.rel @!p0 .LBB2_16-.Ltmp11, $3  }
0x241: {  	_ =	sdelay $0x1  }
0x242: {  	_ =	swait.ge [sflag:s22], $0x24C0  }
0x243: {  	s0 =	sadd.s32 $0xFFFFFFFF, s0;
	[sflag:s22] =	ssyncset.done $0x0  }
.LBB2_15:
0x244: {  	p0 =	sne.s32 s0, $0x1;
	s0 =	sadd.s32 $0xFFFFFFFF, s0;
	[sflag:s22] =	ssyncadd.s32 $0xFFFFDB40  }
.Ltmp12:
0x245: {  	(pc) =	sbr.rel @p0 .LBB2_15-.Ltmp12, $3  }
0x246: {  	_ =	sdelay $0x1  }
0x247: {  	_ =	swait.ge [sflag:s22], $0x24C0  }
0x248: {  	[sflag:s22] =	ssyncset.done $0x0  }
.Ltmp13:
0x249: {  	_ = 	snop;
	(pc) =	sbr.rel .LBB2_16-.Ltmp13, $1  }
0x24a: {  	_ =	sdelay $0x3  }
.LBB2_18:
0x24b: {  	_ =	sfence.sel $0x180000  }
0x24c: {  	[bflag:$0x0] =	sbarrier.arrive $0xFFFF  }
0x24d: {  	_ =	strace $0x9000004A  }
0x24e: {  	s0 =	stileid.u32;
	[bflag:$0x2] =	sbarrier.arrive $0xFFFF  }
0x24f: {  	p0 =	sne.s32 s0, $0x0;
	s0 =	rddreg [dreg:$0x2]  }
0x250: {  	s0 =	sadd.s32 @!p0 $0x100000, s0  }
0x251: {  	[sflag:s0] =	ssyncadd.tile.s32 @!p0 $0x1;
	_ =	shalt  }
.Lfunc_end2:
_tile_overlayer_lowered:
.L_overlay_start_2:
0x252: {  	(tag) =	ssettag $0x2  }
0x253: {  	s0 =	rddreg [dreg:$0x0];
	s2 =	stileid.u32  }
0x254: {  	s1 =	rddreg [dreg:$0x1];
	p0 =	sne.s32 s2, $0x0  }
0x255: {  	s3 =	rddreg [dreg:$0x2];
	[bflag:$0x3] =	sbarrier.arrive $0xFFFF;
	s2 =	simm.s32 @!p0 $0x1C06  }
0x256: {  	[timem:s3], [sflag:s2] =	dma.local @!p0 [hbm:s0], s1  }
0x257: {  	s0 =	simm.s32 @!p0 $0x6  }
0x258: {  	_ =	swait.ge @!p0 [sflag:s0], s1  }
0x259: {  	s1 =	ssub.s32 @!p0 $0x0, s1;
	[sflag:s0] =	ssyncset.done @!p0 $0x0  }
0x25a: {  	[sflag:s0] =	ssyncadd.s32 @!p0 s1  }
0x25b: {  	[bflag:$0x3] =	sbarrier.arrive $0xFFFF  }
0x25c: {  	_ =	shalt  }

// kernel: sparse-core-data-format-call.1.cloned.1.call-start
scs
called_computation.1_lowered:
.L_overlay_start_0:
0x0: {  	s2 =	sld [smem:$0x3FD9]  }
0x1: {  	s3 =	sld [smem:$0x3FFE];
	_ =	sdelay $0x1  }
0x2: {  	s1 =	srdreg.scid  }
0x3: {  	s0 =	sand.u32 $0x1, s1  }
0x4: {  	s18 =	sshll.u32 s0, $0xA;
	s2 =	sadd.s32 s3, s2  }
0x5: {  	s2 =	sadd.s32 s2, s18  }
0x6: {  	[smem:$0x3FC6] =	sst s2  }
0x7: {  	_ = 	snop  }
0x8: {  	s2 =	sld [smem:$0x3FC9];
	(tm) =	ssettm $0x1  }
0x9: {  	s19 =	sld [smem:$0x3FFB];
	_ =	sdelay $0x3  }
0xa: {  	_ =	strace s19  }
0xb: {  	s3 =	sld [smem:$0x3FFC];
	_ =	sdelay $0x3  }
0xc: {  	_ =	strace s3  }
0xd: {  	s3 =	sld [smem:$0x3FFD];
	_ =	sdelay $0x3  }
0xe: {  	_ =	strace s3  }
0xf: {  	_ =	strace $0x8FFFFFFF  }
0x10: {  	s20 =	sld [smem:$0x3FDB];
	_ =	sdelay $0x1  }
0x11: {  	s4 =	simm.s32 $_scs_section_size  }
0x12: {  	s5 =	simm.s32 $_size__tile_overlayer_lowered;
	s6 =	simm.s32 $_tile_overlayer_lowered  }
0x13: {  	s23 =	simm.s32 $0x1BFF;
	s22 =	sshll.u32 s6, $0x1;
	s3 =	sadd.s32 s4, s20  }
0x14: {  	s7 =	simm.s32 $0x0;
	s21 =	sshll.u32 s5, $0x1;
	s5 =	sadd.s32 s22, s3  }
0x15: {  	[timem:s7], [sflag:s23] =	dma.local [hbm:s5], s21  }
0x16: {  	_ =	swait.ge [sflag:s23], s21  }
0x17: {  	s4 =	ssub.s32 $0x0, s21;
	[sflag:s23] =	ssyncset.done $0x0  }
0x18: {  	[sflag:s23] =	ssyncadd.s32 s4;
	_ =	sdelay $0x1  }
0x19: {  	s24 =	simm.s32 $0x1B8B  }
0x1a: {  	_ =	swait.ge [sflag:s24], $0x1  }
0x1b: {  	[sflag:s24] =	ssyncset.done $0x0  }
0x1c: {  	s26 =	simm.s32 $0x1B8E;
	s25 =	sld [smem:$0x3FFE];
	[sflag:s24] =	ssyncadd.s32 $0xFFFFFFFF  }
0x1d: {  	s27 =	simm.s32 $execute0_lowered;
	[smem:$0x3FD2] =	sst s26  }
0x1e: {  	s5 =	sshll.u32 s27, $0x1;
	_ =	strace $0x80000046;
	[dreg:$0x1] =	wrdreg $0xFFFFFFFF  }
0x1f: {  	s28 =	simm.s32 $_size_execute0_lowered;
	s3 =	sadd.s32 s3, s5;
	[dreg:$0x0] =	wrdreg $0x0  }
0x20: {  	s5 =	sshll.u32 s28, $0x1;
	[dreg:$0x2] =	wrdreg s3  }
0x21: {  	[dreg:$0x3] =	wrdreg s5  }
0x22: {  	[dreg:$0x4] =	wrdreg $0xC0  }
0x23: {  	_ =	task [dreg:s7], $0x5FFFF  }
0x24: {  	[dreg:$0x1] =	wrdreg $0xFFFFFFFF  }
0x25: {  	[dreg:$0x0] =	wrdreg $0x60  }
0x26: {  	[dreg:$0x2] =	wrdreg s2  }
0x27: {  	[dreg:$0x3] =	wrdreg s25  }
0x28: {  	[dreg:$0x4] =	wrdreg $0x9  }
0x29: {  	_ =	task.clear_ibuf [dreg:s7], $0x5FFFF;
	_ =	strace $0x90000046  }
0x2a: {  	s29 =	simm.s32 $0x9;
	_ =	strace $0x80000048  }
0x2b: {  	_ =	swait.ge [sflag:s29], $0x1  }
0x2c: {  	[sflag:s29] =	ssyncadd.s32 $0xFFFFFFFF  }
0x2d: {  	_ =	strace $0x90000048  }
0x2e: {  	_ =	sfence  }
0x2f: {  	s30 =	sld [smem:$0x0];
	_ =	sdelay $0x2  }
0x30: {  	s31 =	sshll.u32 s1, $0xD;
	s1 =	sshrl.u32 s1, $0x2  }
0x31: {  	s3 =	sand.u32 $0x4000, s31;
	s1 =	sadd.s32 s1, s30  }
0x32: {  	s0 =	sor.u32 s3, s0;
	s1 =	sshll.u32 s1, $0x11  }
0x33: {  	s0 =	sor.u32 s1, s0  }
0x34: {  	s0 =	sadd.s32 $0x8F2B, s0  }
0x35: {  	[sflag:s0] =	ssyncadd.remote.s32 $0x1  }
0x36: {  	_ =	sfence.sel $0xFFFF  }
0x37: {  	[dreg:$0x0] =	wrdreg $0xFFFFFFFF;
	(pc) =	sbr.abs _section_cstart, $3  }
0x38: {  	[dreg:$0x1] =	wrdreg $0xFFFFFFFF  }
0x39: {  	_ =	task.clear_ibuf [dreg:s7], $0x2FFFF;
	_ =	strace $0x9FFFFFFF  }
0x3a: {  	(tm) =	ssettm $0x7FFFFFFF  }
0x3b: {  	_ =	shalt  }
tec
execute0_lowered:
.L_overlay_start_1:
0x0: {  	(tag) =	ssettag $0x1  }
0x1: {  	s7 =	rddreg [dreg:$0x0]  }
0x2: {  	s0 =	rddreg [dreg:$0x1];
	s1 =	srdreg.scid  }
0x3: {  	_ =	strace $0x80000047;
	s2 =	stileid.u32;
	s3 =	simm.s32 $0x1  }
0x4: {  	s31 =	simm.s32 $0x2;
	s17 =	simm.s32 $0x0;
	s19 =	simm.s32 $0x0  }
0x5: {  	s18 =	simm.s32 $0x0;
	s11 =	simm.s32 $0x0;
	s12 =	simm.s32 $0x0  }
0x6: {  	s14 =	simm.s32 $0x0;
	s13 =	simm.s32 $0x0;
	s9 =	simm.s32 $0x0  }
.Ltmp0:
0x7: {  	s1 =	sshll.u32 s1, $0x4;
	s0 =	sadd.s32 $0xE00, s0;
	(pc) =	sbr.rel .LBB1_1-.Ltmp0, $4  }
0x8: {  	s30 =	sshll.u32 s2, $0x7;
	[sflag:s3] =	ssyncpa.u1 $0x0;
	s1 =	sand.u32 $0x10, s1  }
0x9: {  	[dreg:$0x3] =	wrdreg s0;
	s10 =	sand.u32 $0x80, s30;
	s29 =	sor.u32 s2, s1  }
0xa: {  	[sflag:s31] =	ssyncpa.u1 $0x0;
	[dreg:$0x5] =	wrdreg s10;
	s8 =	sshrl.u32 s29, $0x1  }
0xb: {  	s16 =	smov.u32 s10;
	s15 =	smov.u32 s8;
	[dreg:$0x4] =	wrdreg s8  }
.LBB1_14:
0xc: {  	s11 =	rddreg [dreg:$0x6]  }
0xd: {  	s14 =	rddreg [dreg:$0x9]  }
0xe: {  	s4 =	rddreg [dreg:$0xf]  }
0xf: {  	s5 =	rddreg [dreg:$0x11]  }
0x10: {  	s23 =	rddreg [dreg:$0x10]  }
0x11: {  	s12 =	rddreg [dreg:$0x7]  }
0x12: {  	s26 =	rddreg [dreg:$0x3]  }
0x13: {  	s29 =	rddreg [dreg:$0x12]  }
0x14: {  	s7 =	rddreg [dreg:$0x0]  }
0x15: {  	s8 =	rddreg [dreg:$0x4]  }
0x16: {  	s10 =	rddreg [dreg:$0x5]  }
0x17: {  	s13 =	rddreg [dreg:$0x8]  }
0x18: {  	s15 =	rddreg [dreg:$0xa]  }
0x19: {  	s16 =	rddreg [dreg:$0xb]  }
0x1a: {  	s17 =	rddreg [dreg:$0xc]  }
0x1b: {  	s31 =	simm.s32 $0x800;
	s18 =	rddreg [dreg:$0xd]  }
0x1c: {  	s19 =	rddreg [dreg:$0xe];
	s0 =	sshll.u32 s11, $0x8;
	s1 =	sshll.u32 s14, $0x3  }
0x1d: {  	s2 =	sshll.u32 s11, $0x7;
	p0 =	sgt.s32 s14, $0x80;
	s3 =	smov.u32 s14  }
0x1e: {  	s24 =	sand.u32 $0x78, s14;
	s25 =	smul.u32 $0x1C00, s12;
	s27 =	sand.u32 $0x7, s14  }
0x1f: {  	s0 =	sand.u32 $0xFFFFF800, s0;
	s1 =	sand.u32 $0xFFFFFC00, s1;
	s21 =	sand.u32 $0x300, s2  }
0x20: {  	s3 =	simm.s32 @!p0 $0x80;
	p0 =	sgt.s32 s11, $0x60;
	s2 =	sand.u32 $0x80, s2  }
0x21: {  	s0 =	sadd.s32 s1, s0;
	s1 =	smov.u32 s11;
	s3 =	sadd.s32 s4, s3  }
0x22: {  	s0 =	sor.u32 s21, s0;
	s1 =	simm.s32 @!p0 $0x60;
	s4 =	sadd.s32 $0xFFFFFF80, s3  }
0x23: {  	s3 =	ssub.s32 $0x100, s3;
	s0 =	sshrl.u32 s0, $0x8;
	p0 =	sgt.s32 s4, $0x7F  }
0x24: {  	s1 =	sadd.s32 s5, s1;
	s22 =	smulhi.u32 $0x124924A, s0;
	s3 =	simm.s32 @p0 $0x0  }
0x25: {  	s2 =	sor.u32 s24, s2;
	s5 =	sadd.s32 $0xFFFFFFA0, s1;
	s3 =	smul.u32 s3, s23  }
0x26: {  	s1 =	ssub.s32 $0xE0, s1;
	p0 =	sgt.s32 s5, $0x7F;
	s4 =	smul.u32 $0xE0, s22  }
0x27: {  	s28 =	sshll.u32 s27, $0x12;
	s2 =	sshrl.u32 s2, $0x3;
	s1 =	simm.s32 @p0 $0x0  }
0x28: {  	s1 =	smul.u32 s1, s3;
	s3 =	sadd.s32 s26, s25;
	s0 =	ssub.s32 s0, s4  }
0x29: {  	s30 =	sor.u32 $0x400, s28;
	s2 =	sadd.s32 s2, s3;
	s0 =	sshll.u32 s0, $0x5  }
0x2a: {  	s4 =	sor.u32 $0x8000, s29;
	s1 =	sand.u32 $0x3FFFFFFF, s1;
	s0 =	sadd.s32 s0, s2  }
0x2b: {  	[hbm4b:s0+s30] =	stream.strided.scatter [tilespmem:s4], [sflag:$0x2], s1, s31, s30, $0x20;
	[tilespmem:$0x10100] =	vst v63  }
.LBB1_15:
0x2c: {  	p0 =	slt.u32 s9, $0x2  }
0x2d: {  	p1 =	sgt.s32 @!p0 s19, $0xDF  }
0x2e: {  	s0 =	smov.u32 s19;
	s1 =	sshra.s32 @!p0 s19, $0x1F;
	p1 =	por !p1, p0  }
0x2f: {  	s1 =	sand.u32 @!p0 s1, s19;
	s0 =	simm.s32 @p1 $0xDF  }
0x30: {  	s3 =	smov.u32 s17;
	s0 =	ssub.s32 @!p0 s0, s1  }
0x31: {  	p2 =	sgt.s32 @!p0 s18, $0x80;
	s2 =	sshra.s32 @!p0 s18, $0x1F;
	s1 =	sadd.s32 @!p0 $0xFFFFFF21, s0  }
0x32: {  	p2 =	por !p2, p0;
	p1 =	sgt.s32 @!p0 s1, $0x0;
	s1 =	smov.u32 s18  }
0x33: {  	s2 =	sand.u32 @!p0 s2, s18;
	s1 =	simm.s32 @p2 $0x80;
	p2 =	sgt.s32 @!p0 s17, $0x60  }
0x34: {  	s0 =	ssub.s32 @!p0 $0xE0, s0;
	p1 =	por !p1, p0;
	p2 =	por !p2, p0  }
0x35: {  	s1 =	ssub.s32 @!p0 s1, s2;
	s2 =	sshra.s32 @!p0 s17, $0x1F;
	s0 =	simm.s32 @!p1 $0x0  }
0x36: {  	s3 =	simm.s32 @p2 $0x60;
	s2 =	sand.u32 @!p0 s2, s17;
	s4 =	sadd.s32 @!p0 $0xFFFFFF80, s1  }
0x37: {  	s1 =	ssub.s32 @!p0 $0x100, s1;
	s2 =	ssub.s32 @!p0 s3, s2;
	p1 =	sgt.s32 @!p0 s4, $0x7F  }
0x38: {  	s4 =	smov.u32 s15;
	s3 =	sadd.s32 @!p0 $0xFFFFFFA0, s2;
	p1 =	por !p1, p0  }
0x39: {  	s2 =	ssub.s32 @!p0 $0xE0, s2;
	p2 =	sgt.s32 @!p0 s3, $0x7F;
	s1 =	simm.s32 @!p1 $0x0  }
0x3a: {  	p1 =	por !p2, p0;
	s0 =	smul.u32 @!p0 s1, s0;
	s1 =	sadd.s32 $0x80, s13  }
0x3b: {  	s3 =	sadd.s32 $0x10, s15;
	s2 =	simm.s32 @!p1 $0x0;
	p1 =	sgt.s32 s1, $0xDF  }
0x3c: {  	s0 =	smul.u32 @!p0 s2, s0;
	s4 =	smov.u32 @p1 s3  }
0x3d: {  	s2 =	sadd.s32 $0x100, s16;
	s3 =	smov.u32 s16;
	p2 =	sgt.s32 s4, $0xDF  }
0x3e: {  	s9 =	sadd.s32 $0x1, s9;
	s3 =	smov.u32 @p2 s2  }
0x3f: {  	s19 =	smov.u32 s12;
	s1 =	simm.s32 @p1 $0x0;
	p1 =	sgt.s32 s3, $0xBF  }
0x40: {  	s12 =	smov.u32 s15;
	s3 =	smov.u32 @p1 s10;
	p1 =	sne.s32 s9, $0x1E  }
.Ltmp1:
0x41: {  	s18 =	smov.u32 s14;
	s14 =	smov.u32 s16;
	(pc) =	sbr.rel @!p1 .LBB1_16-.Ltmp1, $4  }
0x42: {  	s17 =	smov.u32 s11;
	s0 =	sand.u32 @!p0 $0x3FFFFFFF, s0;
	s2 =	simm.s32 @!p0 $0x2  }
0x43: {  	s11 =	smov.u32 s13;
	s13 =	smov.u32 s1;
	_ =	swait.ge @!p0 [sflag:s2], s0  }
0x44: {  	s4 =	smov.u32 @p2 s8;
	s0 =	ssub.s32 @!p0 $0x0, s0;
	[sflag:s2] =	ssyncset.done @!p0 $0x0  }
0x45: {  	s15 =	smov.u32 s4;
	[sflag:s2] =	ssyncadd.s32 @!p0 s0;
	s16 =	smov.u32 s3  }
.LBB1_1:
0x46: {  	p0 =	sgt.u32 s9, $0x1B  }
0x47: {  	s2 =	smov.u32 s16;
	s0 =	sshll.u32 @!p0 s15, $0x8;
	s1 =	sshll.u32 @!p0 s13, $0x3  }
0x48: {  	p1 =	sgt.s32 @!p0 s16, $0x40;
	s3 =	sshra.s32 @!p0 s16, $0x1F;
	s4 =	sshll.u32 @!p0 s15, $0x7  }
0x49: {  	p2 =	sgt.s32 @!p0 s15, $0xDF;
	s5 =	sshra.s32 @!p0 s13, $0x1F;
	s0 =	sand.u32 @!p0 $0xFFFFF800, s0  }
0x4a: {  	s1 =	sand.u32 @!p0 $0xFFFFFC00, s1;
	p1 =	por !p1, p0;
	s3 =	sand.u32 @!p0 s3, s16  }
0x4b: {  	p2 =	por !p2, p0;
	s5 =	sand.u32 @!p0 s5, s13;
	s2 =	simm.s32 @p1 $0x40  }
0x4c: {  	s0 =	sadd.s32 @!p0 s0, s1;
	s1 =	sand.u32 @!p0 $0x300, s4;
	s2 =	ssub.s32 @!p0 s2, s3  }
0x4d: {  	s0 =	sor.u32 @!p0 s1, s0;
	s3 =	sshra.s32 @!p0 s15, $0x1F;
	s1 =	sadd.s32 @!p0 $0xFFFFFFC0, s2  }
0x4e: {  	p1 =	sgt.s32 @!p0 s1, $0x7F;
	s1 =	ssub.s32 @!p0 $0xC0, s2;
	s2 =	smov.u32 s15  }
0x4f: {  	s3 =	sand.u32 @!p0 s3, s15;
	s2 =	simm.s32 @p2 $0xDF;
	p2 =	sgt.s32 @!p0 s13, $0x80  }
0x50: {  	s2 =	ssub.s32 @!p0 s2, s3;
	p2 =	por !p2, p0;
	s3 =	smov.u32 s13  }
0x51: {  	p1 =	por !p1, p0;
	s6 =	sadd.s32 @!p0 $0xFFFFFF21, s2;
	s3 =	simm.s32 @p2 $0x80  }
0x52: {  	s1 =	simm.s32 @!p1 $0x0;
	p2 =	sgt.s32 @!p0 s6, $0x0;
	s3 =	ssub.s32 @!p0 s3, s5  }
0x53: {  	s2 =	ssub.s32 @!p0 $0xE0, s2;
	p1 =	por !p2, p0;
	s5 =	sadd.s32 @!p0 $0xFFFFFF80, s3  }
0x54: {  	s0 =	sshrl.u32 @!p0 s0, $0x8;
	s2 =	simm.s32 @!p1 $0x0;
	p1 =	sgt.s32 @!p0 s5, $0x7F  }
0x55: {  	s1 =	smul.u32 @!p0 s1, s2;
	s2 =	ssub.s32 @!p0 $0x100, s3;
	p1 =	por !p1, p0  }
0x56: {  	s3 =	smulhi.u32 @!p0 $0x124924A, s0;
	s2 =	simm.s32 @!p1 $0x0  }
0x57: {  	s4 =	sand.u32 @!p0 $0x80, s4;
	s1 =	smul.u32 @!p0 s2, s1  }
0x58: {  	s5 =	sxor.u32 @!p0 $0xFFFFFFFF, s9;
	s2 =	sand.u32 @!p0 $0x78, s13;
	s3 =	smul.u32 @!p0 $0xE0, s3  }
0x59: {  	s5 =	sshll.u32 @!p0 s5, $0xE;
	s2 =	sor.u32 @!p0 s2, s4;
	s4 =	smul.u32 @!p0 $0x1C00, s16  }
0x5a: {  	s5 =	sand.u32 @!p0 $0x4000, s5;
	s0 =	ssub.s32 @!p0 s0, s3;
	s1 =	sand.u32 @!p0 $0x3FFFFFFF, s1  }
0x5b: {  	s2 =	sshrl.u32 @!p0 s2, $0x3;
	s3 =	sadd.s32 @!p0 s7, s4;
	s4 =	sand.u32 @!p0 $0x7, s13  }
0x5c: {  	s0 =	sshll.u32 @!p0 s0, $0x5;
	s2 =	sadd.s32 @!p0 s2, s3;
	s3 =	sshll.u32 @!p0 s4, $0x12  }
0x5d: {  	s0 =	sadd.s32 @!p0 s0, s2;
	s2 =	sor.u32 @!p0 $0x80, s3;
	s3 =	simm.s32 @!p0 $0xE000  }
0x5e: {  	[tilespmem:s5], [sflag:$0x1] =	stream.strided.gather @!p0 [hbm4b:s0+s2], s1, s3, s2, $0x38;
	[tilespmem:$0x10100] =	vst v63  }
0x5f: {  	p0 =	seq.s32 s9, $0x0  }
0x60: {  	p1 =	seq.s32 @!p0 s9, $0x1D  }
0x61: {  	p0 =	por p0, p1  }
.Ltmp2:
0x62: {  	_ = 	snop;
	(pc) =	sbr.rel @p0 .LBB1_15-.Ltmp2, $1  }
0x63: {  	_ =	sdelay $0x3  }
0x64: {  	[dreg:$0xe] =	wrdreg s19  }
0x65: {  	[dreg:$0xd] =	wrdreg s18  }
0x66: {  	[dreg:$0xc] =	wrdreg s17;
	s0 =	ssub.s32 $0x0, s14;
	s1 =	sshra.s32 s14, $0x1F  }
0x67: {  	p0 =	sgt.s32 s14, $0x40;
	s2 =	smov.u32 s14;
	s27 =	sshra.s32 s12, $0x1F  }
0x68: {  	p1 =	sgt.s32 s11, $0x80;
	s4 =	ssub.s32 $0x0, s11;
	s5 =	sshra.s32 s11, $0x1F  }
0x69: {  	s0 =	sand.u32 s0, s1;
	s2 =	simm.s32 @!p0 $0x40;
	p0 =	sgt.s32 s12, $0xDF  }
0x6a: {  	s1 =	smov.u32 s12;
	s28 =	sand.u32 s4, s5;
	[dreg:$0xf] =	wrdreg s0  }
0x6b: {  	s0 =	sadd.s32 s0, s2;
	s1 =	simm.s32 @!p0 $0xDF;
	s2 =	sand.u32 s27, s12  }
0x6c: {  	s3 =	sadd.s32 $0xFFFFFFC0, s0;
	s1 =	ssub.s32 s1, s2;
	s0 =	ssub.s32 $0xC0, s0  }
0x6d: {  	p0 =	sgt.s32 s3, $0x7F;
	s2 =	sadd.s32 $0xFFFFFF21, s1;
	s3 =	smov.u32 s11  }
0x6e: {  	s3 =	simm.s32 @!p1 $0x80;
	p1 =	sgt.s32 s2, $0x0;
	s2 =	ssub.s32 $0xE0, s1  }
0x6f: {  	s0 =	simm.s32 @p0 $0x0;
	s2 =	simm.s32 @p1 $0x0;
	s1 =	sadd.s32 s28, s3  }
0x70: {  	[dreg:$0x10] =	wrdreg s2;
	s0 =	smul.u32 s0, s2;
	s29 =	sadd.s32 $0xFFFFFF80, s1  }
0x71: {  	s1 =	ssub.s32 $0x100, s1;
	s2 =	sadd.s32 $0x80, s14;
	p0 =	sgt.s32 s29, $0x7F  }
0x72: {  	s3 =	sadd.s32 $0x1, s12;
	s1 =	simm.s32 @p0 $0x0;
	p0 =	slt.s32 s2, $0xC0  }
0x73: {  	[dreg:$0xb] =	wrdreg s16;
	s2 =	simm.s32 @!p0 $0xC0;
	p0 =	slt.s32 s3, $0xE0  }
0x74: {  	[dreg:$0xa] =	wrdreg s15;
	s22 =	ssub.s32 s2, s14;
	s3 =	simm.s32 @!p0 $0xE0  }
0x75: {  	[dreg:$0x8] =	wrdreg s13;
	s23 =	ssub.s32 s3, s12;
	p0 =	slt.s32 s22, $0x1  }
0x76: {  	[dreg:$0x6] =	wrdreg s11;
	p1 =	slt.s32 @!p0 s23, $0x1  }
0x77: {  	[dreg:$0x9] =	wrdreg s14;
	s0 =	smul.u32 s1, s0;
	p1 =	por p0, p1  }
.Ltmp3:
0x78: {  	[dreg:$0x7] =	wrdreg s12;
	s30 =	simm.s32 $0x1;
	(pc) =	sbr.rel @p1 .LBB1_14-.Ltmp3, $4  }
0x79: {  	[dreg:$0x11] =	wrdreg s28;
	s1 =	sand.u32 $0x3FFFFFFF, s0;
	s0 =	sand.u32 $0x1, s9  }
0x7a: {  	_ =	swait.ge [sflag:s30], s1;
	s31 =	smul.u32 $0x4080, s0  }
0x7b: {  	s1 =	ssub.s32 $0x0, s1;
	[sflag:s30] =	ssyncset.done $0x0  }
0x7c: {  	[sflag:s30] =	ssyncadd.s32 s1;
	[dreg:$0x12] =	wrdreg s31  }
0x7d: {  	s2 =	rddreg [dreg:$0x6]  }
0x7e: {  	s1 =	sadd.s32 $0x80, s2  }
0x7f: {  	p1 =	slt.s32 s1, $0xE0  }
.Ltmp4:
0x80: {  	s1 =	simm.s32 @!p1 $0xE0;
	(pc) =	sbr.rel .LBB1_4-.Ltmp4, $4  }
0x81: {  	s1 =	ssub.s32 s1, s2  }
0x82: {  	s26 =	sshll.u32 @!p0 s0, $0xE;
	s0 =	rddreg [dreg:$0x12];
	s1 =	sadd.s32 $0xF, s1  }
0x83: {  	s28 =	simm.s32 $0x0;
	s24 =	sand.u32 $0xFFFFFFF0, s1;
	s25 =	sand.u32 @!p0 $0xFFFFFF00, s1  }
0x84: {  	s27 =	sor.u32 @!p0 $0x8000, s0;
	p0 =	slt.s32 s1, $0x100;
	p1 =	sge.s32 s25, s24  }
.LBB1_13:
0x85: {  	s28 =	sadd.s32 $0x1, s28  }
0x86: {  	p2 =	sne.s32 s28, s22  }
.Ltmp5:
0x87: {  	_ = 	snop;
	(pc) =	sbr.rel @!p2 .LBB1_14-.Ltmp5, $1  }
0x88: {  	_ =	sdelay $0x3  }
.LBB1_4:
0x89: {  	s29 =	sshrl.u32 s28, $0x4;
	s0 =	sshll.u32 s28, $0x3;
	s1 =	sshll.u32 s28, $0x9  }
0x8a: {  	s2 =	sand.u32 $0x78, s29;
	s3 =	sadd.s32 $0x800, s0;
	s5 =	sadd.s32 $0x1000, s0  }
0x8b: {  	s6 =	sadd.s32 $0x1800, s0;
	s7 =	sadd.s32 $0x2800, s0;
	s20 =	sadd.s32 $0x3000, s0  }
0x8c: {  	s4 =	smul.u32 $0x204, s2;
	s3 =	sshrl.u32 s3, $0x7;
	s2 =	sxor.u32 $0x40, s2  }
0x8d: {  	s5 =	sshrl.u32 s5, $0x7;
	s3 =	sand.u32 $0x78, s3;
	s8 =	smul.u32 $0x204, s2  }
0x8e: {  	s6 =	sshrl.u32 s6, $0x7;
	s5 =	sand.u32 $0x78, s5;
	s3 =	smul.u32 $0x204, s3  }
0x8f: {  	s19 =	sshrl.u32 s7, $0x7;
	s6 =	sand.u32 $0x78, s6;
	s5 =	smul.u32 $0x204, s5  }
0x90: {  	s7 =	sshrl.u32 s20, $0x7;
	s2 =	sand.u32 $0x78, s19;
	s6 =	smul.u32 $0x204, s6  }
0x91: {  	s0 =	sadd.s32 $0x3800, s0;
	s21 =	sand.u32 $0x78, s7;
	s10 =	smul.u32 $0x204, s2  }
0x92: {  	s30 =	sand.u32 $0x7F, s28;
	s0 =	sshrl.u32 s0, $0x7;
	s11 =	smul.u32 $0x204, s21  }
.Ltmp6:
0x93: {  	s1 =	sshra.s32 s1, $0x2;
	s0 =	sand.u32 $0x78, s0;
	(pc) =	sbr.rel .LBB1_5-.Ltmp6, $4  }
0x94: {  	s18 =	simm.s32 $0x0;
	s31 =	sadd.s32 s1, s26;
	s12 =	smul.u32 $0x204, s0  }
0x95: {  	s0 =	sadd.s32 s30, s27;
	s1 =	sshrl.u32 s4, $0x2;
	s4 =	sshrl.u32 s8, $0x2  }
0x96: {  	s7 =	sshrl.u32 s3, $0x2;
	s2 =	sshrl.u32 s5, $0x2;
	s3 =	sshrl.u32 s6, $0x2  }
0x97: {  	s5 =	sshrl.u32 s10, $0x2;
	s6 =	sshrl.u32 s11, $0x2;
	s21 =	sshrl.u32 s12, $0x2  }
.LBB1_12:
0x98: {  	s18 =	sadd.s32 $0x1, s18  }
0x99: {  	p2 =	sne.s32 s18, s23  }
.Ltmp7:
0x9a: {  	_ = 	snop;
	(pc) =	sbr.rel @!p2 .LBB1_13-.Ltmp7, $1  }
0x9b: {  	_ =	sdelay $0x3  }
.LBB1_5:
.Ltmp8:
0x9c: {  	(pc) =	sbr.rel @p0 .LBB1_9-.Ltmp8, $2  }
0x9d: {  	_ =	sdelay $0x2  }
0x9e: {  	s20 =	smul.u32 $0x10200, s18  }
0x9f: {  	s10 =	sshll.u32 s18, $0x7  }
0xa0: {  	s8 =	sshra.s32 s20, $0x2;
	s14 =	sand.u32 $0x380, s10  }
0xa1: {  	s11 =	sadd.s32 s8, s27;
	s19 =	sadd.s32 s14, s31  }
0xa2: {  	s15 =	sadd.s32 s1, s11;
	s12 =	sadd.s32 s7, s11;
	v0 =	vld [tilespmem:s19+$0x70]  }
0xa3: {  	s16 =	sadd.s32 s2, s11;
	s17 =	sadd.s32 s3, s11;
	s13 =	sadd.s32 s4, s11;
	v3 =	vld [tilespmem:s19+$0x60]  }
0xa4: {  	s14 =	sadd.s32 s6, s11;
	v1 =	vld [tilespmem:s19+$0x50];
	s8 =	sadd.s32 s30, s16;
	s16 =	sadd.s32 s30, s17  }
0xa5: {  	v2 =	vld [tilespmem:s19+$0x40];
	s17 =	sadd.s32 s30, s13;
	s13 =	sadd.s32 s5, s11;
	s11 =	sadd.s32 s21, s11  }
0xa6: {  	v4 =	vld [tilespmem:s19+$0x30];
	s11 =	sadd.s32 s30, s11  }
0xa7: {  	v5 =	vld [tilespmem:s19+$0x20];
	s14 =	sadd.s32 s30, s14;
	[tilespmem:s11+$0x0 ss:$0x81] =	vst.msk $0xffff, v0  }
0xa8: {  	v6 =	vld [tilespmem:s19+$0x10];
	s10 =	sadd.s32 s30, s12;
	s12 =	sadd.s32 s30, s13;
	[tilespmem:s14+$0x0 ss:$0x81] =	vst.msk $0xffff, v3  }
0xa9: {  	v7 =	vld [tilespmem:s19+$0x0];
	[tilespmem:s12+$0x0 ss:$0x81] =	vst.msk $0xffff, v1  }
0xaa: {  	[tilespmem:s17+$0x0 ss:$0x81] =	vst.msk $0xffff, v2  }
0xab: {  	[tilespmem:s16+$0x0 ss:$0x81] =	vst.msk $0xffff, v4  }
0xac: {  	p2 =	sgt.s32 s25, $0x100;
	[tilespmem:s8+$0x0 ss:$0x81] =	vst.msk $0xffff, v5  }
.Ltmp9:
0xad: {  	s15 =	sadd.s32 s30, s15;
	[tilespmem:s10+$0x0 ss:$0x81] =	vst.msk $0xffff, v6;
	(pc) =	sbr.rel @!p2 .LBB1_8-.Ltmp9, $4  }
0xae: {  	[tilespmem:s15+$0x0 ss:$0x81] =	vst.msk $0xffff, v7  }
0xaf: {  	[tilespmem:s15+$0x0 ss:$0x81] =	vst.msk $0xffff, v7  }
0xb0: {  	[tilespmem:s10+$0x0 ss:$0x81] =	vst.msk $0xffff, v6  }
0xb1: {  	s13 =	simm.s32 $0x100;
	[tilespmem:s8+$0x0 ss:$0x81] =	vst.msk $0xffff, v5  }
.LBB1_7:
0xb2: {  	v5 =	vld [tilespmem:s19+$0x70];
	[tilespmem:s16+$0x0 ss:$0x81] =	vst.msk $0xffff, v4  }
0xb3: {  	v6 =	vld [tilespmem:s19+$0x60];
	[tilespmem:s17+$0x0 ss:$0x81] =	vst.msk $0xffff, v2  }
0xb4: {  	[tilespmem:s12+$0x0 ss:$0x81] =	vst.msk $0xffff, v1;
	v1 =	vld [tilespmem:s19+$0x50]  }
0xb5: {  	v2 =	vld [tilespmem:s19+$0x40];
	[tilespmem:s14+$0x0 ss:$0x81] =	vst.msk $0xffff, v3  }
0xb6: {  	v4 =	vld [tilespmem:s19+$0x30];
	[tilespmem:s11+$0x0 ss:$0x81] =	vst.msk $0xffff, v0  }
0xb7: {  	v7 =	vld [tilespmem:s19+$0x20];
	[tilespmem:s11+$0x0 ss:$0x81] =	vst.msk $0xffff, v5;
	v0 =	vmov v5  }
0xb8: {  	v5 =	vld [tilespmem:s19+$0x10];
	[tilespmem:s14+$0x0 ss:$0x81] =	vst.msk $0xffff, v6;
	v3 =	vmov v6  }
0xb9: {  	s13 =	sadd.s32 $0x100, s13;
	v6 =	vld [tilespmem:s19+$0x0];
	[tilespmem:s12+$0x0 ss:$0x81] =	vst.msk $0xffff, v1  }
0xba: {  	p2 =	slt.s32 s13, s25;
	[tilespmem:s17+$0x0 ss:$0x81] =	vst.msk $0xffff, v2  }
0xbb: {  	[tilespmem:s16+$0x0 ss:$0x81] =	vst.msk $0xffff, v4  }
0xbc: {  	[tilespmem:s8+$0x0 ss:$0x81] =	vst.msk $0xffff, v7  }
.Ltmp10:
0xbd: {  	[tilespmem:s10+$0x0 ss:$0x81] =	vst.msk $0xffff, v5;
	(pc) =	sbr.rel @p2 .LBB1_7-.Ltmp10, $4  }
0xbe: {  	[tilespmem:s15+$0x0 ss:$0x81] =	vst.msk $0xffff, v6  }
0xbf: {  	[tilespmem:s15+$0x0 ss:$0x81] =	vst.msk $0xffff, v6  }
0xc0: {  	[tilespmem:s10+$0x0 ss:$0x81] =	vst.msk $0xffff, v5  }
0xc1: {  	[tilespmem:s8+$0x0 ss:$0x81] =	vst.msk $0xffff, v7  }
.LBB1_8:
0xc2: {  	[tilespmem:s16+$0x0 ss:$0x81] =	vst.msk $0xffff, v4  }
0xc3: {  	[tilespmem:s17+$0x0 ss:$0x81] =	vst.msk $0xffff, v2  }
0xc4: {  	[tilespmem:s12+$0x0 ss:$0x81] =	vst.msk $0xffff, v1  }
0xc5: {  	[tilespmem:s14+$0x0 ss:$0x81] =	vst.msk $0xffff, v3  }
0xc6: {  	[tilespmem:s11+$0x0 ss:$0x81] =	vst.msk $0xffff, v0  }
.LBB1_9:
.Ltmp11:
0xc7: {  	(pc) =	sbr.rel @p1 .LBB1_12-.Ltmp11, $1  }
0xc8: {  	_ =	sdelay $0x3  }
0xc9: {  	s8 =	sand.u32 $0x7, s18  }
0xca: {  	s8 =	sadd.s32 s28, s8  }
0xcb: {  	s8 =	sshll.u32 s8, $0x9  }
0xcc: {  	s8 =	sshra.s32 s8, $0x2  }
0xcd: {  	s10 =	sadd.s32 s8, s26  }
0xce: {  	v0 =	vmov s10  }
0xcf: {  	s20 =	sshra.s32 s20, $0x2  }
0xd0: {  	s8 =	sadd.s32 s20, s0;
	s10 =	smov.u32 s25  }
.LBB1_11:
0xd1: {  	s12 =	sadd.s32 s10, s29  }
0xd2: {  	s11 =	sand.u32 $0x70, s10;
	s10 =	sadd.s32 $0x10, s10;
	s20 =	sand.u32 $0x78, s12  }
0xd3: {  	v1 =	vld.idx.msk [tilespmem:v0+s11+$0x0 ss:$0x1], $0xffff;
	p2 =	slt.s32 s10, s24;
	s11 =	smul.u32 $0x204, s20  }
.Ltmp12:
0xd4: {  	_ = 	snop;
	(pc) =	sbr.rel @p2 .LBB1_11-.Ltmp12, $4  }
0xd5: {  	_ = 	snop  }
0xd6: {  	s11 =	sshrl.u32 s11, $0x2  }
0xd7: {  	s11 =	sadd.s32 s11, s8  }
0xd8: {  	[tilespmem:s11+$0x0 ss:$0x81] =	vst.msk $0xffff, v1  }
.Ltmp13:
0xd9: {  	_ = 	snop;
	(pc) =	sbr.rel .LBB1_12-.Ltmp13, $1  }
0xda: {  	_ =	sdelay $0x3  }
.LBB1_16:
0xdb: {  	_ =	sfence.sel $0x180000  }
0xdc: {  	s0 =	simm.s32 $0x1;
	[bflag:$0x0] =	sbarrier.arrive $0xFFFF  }
0xdd: {  	s30 =	simm.s32 $0x2;
	[sflag:s0] =	ssyncpa.u1 $0x1  }
0xde: {  	[sflag:s30] =	ssyncpa.u1 $0x1  }
0xdf: {  	_ =	strace $0x90000047  }
0xe0: {  	s31 =	stileid.u32;
	[bflag:$0x2] =	sbarrier.arrive $0xFFFF  }
0xe1: {  	p0 =	sne.s32 s31, $0x0;
	s0 =	rddreg [dreg:$0x2]  }
0xe2: {  	s0 =	sadd.s32 @!p0 $0x100000, s0  }
0xe3: {  	[sflag:s0] =	ssyncadd.tile.s32 @!p0 $0x1;
	_ =	shalt  }
.Lfunc_end1:
_tile_overlayer_lowered:
.L_overlay_start_2:
0xe4: {  	(tag) =	ssettag $0x2  }
0xe5: {  	s0 =	rddreg [dreg:$0x0];
	s2 =	stileid.u32  }
0xe6: {  	s1 =	rddreg [dreg:$0x1];
	p0 =	sne.s32 s2, $0x0  }
0xe7: {  	s3 =	rddreg [dreg:$0x2];
	[bflag:$0x3] =	sbarrier.arrive $0xFFFF;
	s2 =	simm.s32 @!p0 $0x1C01  }
0xe8: {  	[timem:s3], [sflag:s2] =	dma.local @!p0 [hbm:s0], s1  }
0xe9: {  	s0 =	simm.s32 @!p0 $0x1  }
0xea: {  	_ =	swait.ge @!p0 [sflag:s0], s1  }
0xeb: {  	s1 =	ssub.s32 @!p0 $0x0, s1;
	[sflag:s0] =	ssyncset.done @!p0 $0x0  }
0xec: {  	[sflag:s0] =	ssyncadd.s32 @!p0 s1  }
0xed: {  	[bflag:$0x3] =	sbarrier.arrive $0xFFFF  }
0xee: {  	_ =	shalt  }

// kernel: sparse-core-data-format-call.cloned.1.call-start
scs
called_computation_lowered:
.L_overlay_start_0:
0x0: {  	s2 =	sld [smem:$0x3FD9]  }
0x1: {  	s3 =	sld [smem:$0x3FFE];
	_ =	sdelay $0x1  }
0x2: {  	s1 =	srdreg.scid  }
0x3: {  	s0 =	sand.u32 $0x1, s1  }
0x4: {  	s18 =	sshll.u32 s0, $0xA;
	s2 =	sadd.s32 s3, s2  }
0x5: {  	s2 =	sadd.s32 s2, s18  }
0x6: {  	[smem:$0x3FC6] =	sst s2  }
0x7: {  	_ = 	snop  }
0x8: {  	s2 =	sld [smem:$0x3FD0];
	(tm) =	ssettm $0x1  }
0x9: {  	s19 =	sld [smem:$0x3FFB];
	_ =	sdelay $0x3  }
0xa: {  	_ =	strace s19  }
0xb: {  	s3 =	sld [smem:$0x3FFC];
	_ =	sdelay $0x3  }
0xc: {  	_ =	strace s3  }
0xd: {  	s3 =	sld [smem:$0x3FFD];
	_ =	sdelay $0x3  }
0xe: {  	_ =	strace s3  }
0xf: {  	_ =	strace $0x8FFFFFFF  }
0x10: {  	s20 =	sld [smem:$0x3FDB];
	_ =	sdelay $0x1  }
0x11: {  	s4 =	simm.s32 $_scs_section_size  }
0x12: {  	s5 =	simm.s32 $_size__tile_overlayer_lowered;
	s6 =	simm.s32 $_tile_overlayer_lowered  }
0x13: {  	s23 =	simm.s32 $0x1BFF;
	s22 =	sshll.u32 s6, $0x1;
	s3 =	sadd.s32 s4, s20  }
0x14: {  	s7 =	simm.s32 $0x0;
	s21 =	sshll.u32 s5, $0x1;
	s5 =	sadd.s32 s22, s3  }
0x15: {  	[timem:s7], [sflag:s23] =	dma.local [hbm:s5], s21  }
0x16: {  	_ =	swait.ge [sflag:s23], s21  }
0x17: {  	s4 =	ssub.s32 $0x0, s21;
	[sflag:s23] =	ssyncset.done $0x0  }
0x18: {  	[sflag:s23] =	ssyncadd.s32 s4;
	_ =	sdelay $0x1  }
0x19: {  	s24 =	simm.s32 $0x1B8B  }
0x1a: {  	_ =	swait.ge [sflag:s24], $0x1  }
0x1b: {  	[sflag:s24] =	ssyncset.done $0x0  }
0x1c: {  	s26 =	simm.s32 $0x1B8E;
	s25 =	sld [smem:$0x3FFE];
	[sflag:s24] =	ssyncadd.s32 $0xFFFFFFFF  }
0x1d: {  	s27 =	simm.s32 $execute0_lowered;
	[smem:$0x3FD2] =	sst s26  }
0x1e: {  	s5 =	sshll.u32 s27, $0x1;
	_ =	strace $0x8000004C;
	[dreg:$0x1] =	wrdreg $0xFFFFFFFF  }
0x1f: {  	s28 =	simm.s32 $_size_execute0_lowered;
	s3 =	sadd.s32 s3, s5;
	[dreg:$0x0] =	wrdreg $0x0  }
0x20: {  	s5 =	sshll.u32 s28, $0x1;
	[dreg:$0x2] =	wrdreg s3  }
0x21: {  	[dreg:$0x3] =	wrdreg s5  }
0x22: {  	[dreg:$0x4] =	wrdreg $0xC0  }
0x23: {  	_ =	task [dreg:s7], $0x5FFFF  }
0x24: {  	[dreg:$0x1] =	wrdreg $0xFFFFFFFF  }
0x25: {  	[dreg:$0x0] =	wrdreg $0x60  }
0x26: {  	[dreg:$0x2] =	wrdreg s25  }
0x27: {  	[dreg:$0x3] =	wrdreg s2  }
0x28: {  	[dreg:$0x4] =	wrdreg $0x9  }
0x29: {  	_ =	task.clear_ibuf [dreg:s7], $0x5FFFF;
	_ =	strace $0x9000004C  }
0x2a: {  	s29 =	simm.s32 $0x9;
	_ =	strace $0x8000004E  }
0x2b: {  	_ =	swait.ge [sflag:s29], $0x1  }
0x2c: {  	[sflag:s29] =	ssyncadd.s32 $0xFFFFFFFF  }
0x2d: {  	_ =	strace $0x9000004E  }
0x2e: {  	_ =	sfence  }
0x2f: {  	s30 =	sld [smem:$0x0];
	_ =	sdelay $0x2  }
0x30: {  	s31 =	sshll.u32 s1, $0xD;
	s1 =	sshrl.u32 s1, $0x2  }
0x31: {  	s3 =	sand.u32 $0x4000, s31;
	s1 =	sadd.s32 s1, s30  }
0x32: {  	s0 =	sor.u32 s3, s0;
	s1 =	sshll.u32 s1, $0x11  }
0x33: {  	s0 =	sor.u32 s1, s0  }
0x34: {  	s0 =	sadd.s32 $0x8F2B, s0  }
0x35: {  	[sflag:s0] =	ssyncadd.remote.s32 $0x1  }
0x36: {  	_ =	sfence.sel $0xFFFF  }
0x37: {  	[dreg:$0x0] =	wrdreg $0xFFFFFFFF;
	(pc) =	sbr.abs _section_cstart, $3  }
0x38: {  	[dreg:$0x1] =	wrdreg $0xFFFFFFFF  }
0x39: {  	_ =	task.clear_ibuf [dreg:s7], $0x2FFFF;
	_ =	strace $0x9FFFFFFF  }
0x3a: {  	(tm) =	ssettm $0x7FFFFFFF  }
0x3b: {  	_ =	shalt  }
tec
execute0_lowered:
.L_overlay_start_1:
0x0: {  	(tag) =	ssettag $0x1  }
0x1: {  	s0 =	rddreg [dreg:$0x0];
	s3 =	stileid.u32  }
0x2: {  	s1 =	srdreg.scid;
	_ =	strace $0x8000004D;
	s30 =	simm.s32 $0x1  }
0x3: {  	s31 =	simm.s32 $0x2;
	s15 =	simm.s32 $0x0;
	s10 =	simm.s32 $0x0  }
0x4: {  	s2 =	sshll.u32 s3, $0x4;
	s1 =	sshll.u32 s1, $0x8;
	s0 =	sadd.s32 $0x120600, s0  }
0x5: {  	s29 =	sshll.u32 s3, $0x7;
	s1 =	sor.u32 s2, s1;
	[dreg:$0x3] =	wrdreg s0  }
.Ltmp0:
0x6: {  	s13 =	sand.u32 $0x380, s29;
	s11 =	sand.u32 $0x180, s1;
	(pc) =	sbr.rel .LBB1_1-.Ltmp0, $4  }
0x7: {  	s9 =	simm.s32 $0x0;
	[dreg:$0x6] =	wrdreg s13;
	s1 =	ssub.s32 $0x2480, s11  }
0x8: {  	s12 =	simm.s32 $0x0;
	[dreg:$0x4] =	wrdreg s11;
	s1 =	sshrl.u32 s1, $0x9  }
0x9: {  	[sflag:s30] =	ssyncpa.u1 $0x0;
	[dreg:$0x5] =	wrdreg s1;
	s8 =	sadd.s32 $0x2, s1  }
0xa: {  	s14 =	simm.s32 $0x0;
	[sflag:s31] =	ssyncpa.u1 $0x0;
	[dreg:$0x7] =	wrdreg s8  }
.LBB1_12:
0xb: {  	s9 =	rddreg [dreg:$0x8]  }
0xc: {  	s23 =	rddreg [dreg:$0xc]  }
0xd: {  	s1 =	sshll.u32 s12, $0x3;
	s2 =	sand.u32 $0x78, s12;
	s25 =	rddreg [dreg:$0xb]  }
0xe: {  	s5 =	smov.u32 s12;
	s28 =	sand.u32 $0x7, s12;
	s29 =	rddreg [dreg:$0x1]  }
0xf: {  	s31 =	simm.s32 $0x2000;
	s8 =	rddreg [dreg:$0x7];
	s0 =	sshll.u32 s9, $0xA  }
0x10: {  	s10 =	rddreg [dreg:$0x9];
	s1 =	sand.u32 $0xFFFFFC00, s1;
	s0 =	sand.u32 $0xFFFFE000, s0  }
0x11: {  	p0 =	sgt.s32 s9, $0x2440;
	s3 =	smov.u32 s9;
	s0 =	sadd.s32 s1, s0  }
0x12: {  	s22 =	sshll.u32 s9, $0x7;
	s3 =	simm.s32 @!p0 $0x2440;
	s0 =	sshrl.u32 s0, $0xA  }
0x13: {  	p0 =	sgt.s32 s12, $0x380;
	s1 =	sand.u32 $0x380, s22;
	s4 =	smulhi.u32 $0x6F74AF, s0  }
0x14: {  	s5 =	simm.s32 @!p0 $0x380;
	s1 =	sor.u32 s2, s1;
	s2 =	sadd.s32 s23, s3  }
0x15: {  	s26 =	sadd.s32 $0xFFFFDBC0, s2;
	s24 =	sshrl.u32 s4, $0x4;
	s4 =	sadd.s32 s25, s5  }
0x16: {  	s2 =	ssub.s32 $0x24C0, s2;
	p0 =	sgt.s32 s26, $0x7F;
	s27 =	sadd.s32 $0xFFFFFC80, s4  }
0x17: {  	s3 =	smul.u32 $0x24C0, s24;
	s4 =	ssub.s32 $0x400, s4;
	p1 =	sgt.s32 s27, $0x7F  }
0x18: {  	s15 =	rddreg [dreg:$0xa];
	s2 =	simm.s32 @p0 $0x0;
	s4 =	simm.s32 @p1 $0x0  }
0x19: {  	s1 =	sshrl.u32 s1, $0x3;
	s0 =	ssub.s32 s0, s3;
	s2 =	smul.u32 s4, s2  }
0x1a: {  	s1 =	sadd.s32 s29, s1;
	s3 =	sshll.u32 s28, $0x12;
	s0 =	sshll.u32 s0, $0x7  }
0x1b: {  	s30 =	sor.u32 $0x400, s3;
	s0 =	sadd.s32 s0, s1;
	s2 =	sand.u32 $0x3FFFFFFF, s2  }
0x1c: {  	[hbm4b:s0+s30] =	stream.strided.scatter [tilespmem:s19], [sflag:$0x2], s2, s31, s30, $0x20;
	[tilespmem:$0x10100] =	vst v63  }
.LBB1_13:
0x1d: {  	p0 =	slt.u32 s14, $0x2  }
0x1e: {  	s1 =	smov.u32 s15;
	s2 =	smov.u32 s10;
	p1 =	sgt.s32 @!p0 s15, $0x2440  }
0x1f: {  	s0 =	sshra.s32 @!p0 s15, $0x1F;
	p2 =	sgt.s32 @!p0 s10, $0x380;
	s3 =	sshra.s32 @!p0 s10, $0x1F  }
0x20: {  	p1 =	por !p1, p0;
	s0 =	sand.u32 @!p0 s0, s15;
	p2 =	por !p2, p0  }
0x21: {  	s3 =	sand.u32 @!p0 s3, s10;
	s1 =	simm.s32 @p1 $0x2440;
	s2 =	simm.s32 @p2 $0x380  }
0x22: {  	s0 =	ssub.s32 @!p0 s1, s0;
	s1 =	ssub.s32 @!p0 s2, s3  }
0x23: {  	s2 =	sadd.s32 @!p0 $0xFFFFDBC0, s0;
	s3 =	sadd.s32 @!p0 $0xFFFFFC80, s1  }
0x24: {  	s0 =	ssub.s32 @!p0 $0x24C0, s0;
	p1 =	sgt.s32 @!p0 s2, $0x7F;
	p2 =	sgt.s32 @!p0 s3, $0x7F  }
0x25: {  	s1 =	ssub.s32 @!p0 $0x400, s1;
	p1 =	por !p1, p0;
	p2 =	por !p2, p0  }
0x26: {  	s0 =	simm.s32 @!p1 $0x0;
	s1 =	simm.s32 @!p2 $0x0  }
0x27: {  	s0 =	smul.u32 @!p0 s1, s0  }
0x28: {  	s4 =	smov.u32 s13  }
0x29: {  	s2 =	simm.s32 @!p0 $0x2;
	s1 =	sadd.s32 $0x200, s11;
	s0 =	sand.u32 @!p0 $0x3FFFFFFF, s0  }
0x2a: {  	s3 =	sadd.s32 $0x400, s13;
	p1 =	sgt.s32 s1, $0x24BF;
	_ =	swait.ge @!p0 [sflag:s2], s0  }
0x2b: {  	s4 =	smov.u32 @p1 s3;
	s3 =	rddreg [dreg:$0x4]  }
0x2c: {  	s1 =	smov.u32 @p1 s3;
	p1 =	sgt.s32 s4, $0x3E7;
	s3 =	rddreg [dreg:$0x6]  }
0x2d: {  	s4 =	smov.u32 @p1 s3;
	p1 =	sne.s32 s14, s8  }
.Ltmp1:
0x2e: {  	_ = 	snop;
	(pc) =	sbr.rel @!p1 .LBB1_14-.Ltmp1, $4  }
0x2f: {  	s15 =	smov.u32 s9  }
0x30: {  	s10 =	smov.u32 s12;
	s0 =	ssub.s32 @!p0 $0x0, s0;
	[sflag:s2] =	ssyncset.done @!p0 $0x0  }
0x31: {  	s9 =	smov.u32 s11;
	s12 =	smov.u32 s13;
	[sflag:s2] =	ssyncadd.s32 @!p0 s0  }
0x32: {  	s14 =	sadd.s32 $0x1, s14;
	s11 =	smov.u32 s1;
	s13 =	smov.u32 s4  }
.LBB1_1:
0x33: {  	s0 =	rddreg [dreg:$0x5]  }
0x34: {  	p0 =	sgt.u32 s14, s0  }
0x35: {  	s0 =	sshrl.u32 @!p0 s13, $0x3  }
0x36: {  	s4 =	smov.u32 s11;
	s1 =	sshll.u32 @!p0 s11, $0x3;
	s0 =	smul.u32 @!p0 $0x12800, s0  }
0x37: {  	s2 =	sshll.u32 @!p0 s13, $0x7;
	p1 =	sgt.s32 @!p0 s13, $0x368;
	s1 =	sand.u32 @!p0 $0xFFFFFC00, s1  }
0x38: {  	s3 =	sshra.s32 @!p0 s13, $0x1F;
	s0 =	sadd.s32 @!p0 s0, s1;
	s1 =	sand.u32 @!p0 $0x380, s2  }
0x39: {  	p1 =	por !p1, p0;
	s2 =	sand.u32 @!p0 $0x7F, s11;
	s0 =	sor.u32 @!p0 s1, s0  }
0x3a: {  	s1 =	sor.u32 @!p0 s2, s0;
	s0 =	sshrl.u32 @!p0 s0, $0x8;
	s2 =	smov.u32 s13  }
0x3b: {  	s0 =	smulhi.u32 @!p0 $0x6EB3E46, s0;
	s2 =	simm.s32 @p1 $0x368;
	p1 =	sgt.s32 @!p0 s11, $0x2480  }
0x3c: {  	s5 =	sshra.s32 @!p0 s11, $0x1F;
	s3 =	sand.u32 @!p0 s3, s13;
	p1 =	por !p1, p0  }
0x3d: {  	s5 =	sand.u32 @!p0 s5, s11;
	s4 =	simm.s32 @p1 $0x2480;
	s6 =	smul.u32 @!p0 $0x2500, s0  }
0x3e: {  	s2 =	ssub.s32 @!p0 s2, s3;
	s3 =	ssub.s32 @!p0 s4, s5;
	s4 =	smulhi.u32 @!p0 $0x418938, s0  }
0x3f: {  	s5 =	sadd.s32 @!p0 $0xFFFFFC98, s2;
	s2 =	ssub.s32 @!p0 $0x3E8, s2;
	s7 =	sadd.s32 @!p0 $0xFFFFDB80, s3  }
0x40: {  	s1 =	ssub.s32 @!p0 s1, s6;
	p1 =	sgt.s32 @!p0 s5, $0x7F;
	s5 =	sxor.u32 @!p0 $0xFFFFFFFF, s14  }
0x41: {  	s3 =	ssub.s32 @!p0 $0x2500, s3;
	p2 =	sgt.s32 @!p0 s7, $0x7F;
	s4 =	smul.u32 @!p0 $0x3E8, s4  }
0x42: {  	p1 =	por !p1, p0;
	s5 =	sshll.u32 @!p0 s5, $0xE;
	p2 =	por !p2, p0  }
0x43: {  	s2 =	simm.s32 @!p1 $0x0;
	s5 =	sand.u32 @!p0 $0x4000, s5;
	s3 =	simm.s32 @!p2 $0x0  }
0x44: {  	s0 =	ssub.s32 @!p0 s0, s4;
	s4 =	rddreg [dreg:$0x3];
	s2 =	smul.u32 @!p0 s2, s3  }
0x45: {  	s0 =	smul.u32 @!p0 $0x4A0, s0;
	s3 =	sshrl.u32 @!p0 s1, $0x3;
	s1 =	sand.u32 @!p0 $0x7, s1  }
0x46: {  	s3 =	sadd.s32 @!p0 s4, s3;
	s1 =	sshll.u32 @!p0 s1, $0x12;
	s2 =	sand.u32 @!p0 $0x3FFFFFFF, s2  }
0x47: {  	s0 =	sadd.s32 @!p0 s0, s3;
	s1 =	sor.u32 @!p0 $0x400, s1;
	s3 =	simm.s32 @!p0 $0x12800  }
0x48: {  	[tilespmem:s5], [sflag:$0x1] =	stream.strided.gather @!p0 [hbm4b:s0+s1], s2, s3, s1, $0x38;
	[tilespmem:$0x10100] =	vst v63  }
0x49: {  	p0 =	seq.s32 s14, $0x0  }
0x4a: {  	p1 =	sge.u32 @!p0 s14, s8  }
0x4b: {  	p0 =	por p0, p1  }
.Ltmp2:
0x4c: {  	_ = 	snop;
	(pc) =	sbr.rel @p0 .LBB1_13-.Ltmp2, $1  }
0x4d: {  	_ =	sdelay $0x3  }
0x4e: {  	s0 =	ssub.s32 $0x0, s12;
	s1 =	sshra.s32 s12, $0x1F;
	p0 =	sgt.s32 s12, $0x368  }
0x4f: {  	s2 =	smov.u32 s12;
	s25 =	ssub.s32 $0x0, s9;
	s26 =	sshra.s32 s9, $0x1F  }
0x50: {  	s3 =	smov.u32 s9;
	s2 =	simm.s32 @!p0 $0x368;
	p0 =	sgt.s32 s9, $0x2480  }
0x51: {  	s4 =	sand.u32 s0, s1;
	s1 =	sand.u32 s25, s26;
	s3 =	simm.s32 @!p0 $0x2480  }
0x52: {  	s2 =	sadd.s32 s4, s2;
	[dreg:$0xc] =	wrdreg s1;
	s1 =	sadd.s32 s1, s3  }
0x53: {  	s27 =	sadd.s32 $0xFFFFFC98, s2;
	s2 =	ssub.s32 $0x3E8, s2;
	s28 =	sadd.s32 $0xFFFFDB80, s1  }
0x54: {  	p0 =	sgt.s32 s27, $0x7F;
	s0 =	ssub.s32 $0x2500, s1;
	p1 =	sgt.s32 s28, $0x7F  }
0x55: {  	s2 =	simm.s32 @p0 $0x0;
	s0 =	simm.s32 @p1 $0x0  }
0x56: {  	s29 =	smul.u32 s2, s0;
	s2 =	sadd.s32 $0x80, s12  }
0x57: {  	p0 =	slt.s32 s2, $0x3E8  }
0x58: {  	s2 =	simm.s32 @!p0 $0x3E8  }
0x59: {  	[dreg:$0xa] =	wrdreg s15;
	s20 =	ssub.s32 s2, s12  }
0x5a: {  	[dreg:$0x9] =	wrdreg s10;
	p0 =	slt.s32 s20, $0x1  }
.Ltmp3:
0x5b: {  	[dreg:$0x8] =	wrdreg s9;
	s30 =	simm.s32 $0x1;
	(pc) =	sbr.rel @p0 .LBB1_12-.Ltmp3, $4  }
0x5c: {  	[dreg:$0xb] =	wrdreg s4;
	s0 =	sand.u32 $0x1, s14;
	s1 =	sand.u32 $0x3FFFFFFF, s29  }
0x5d: {  	s31 =	smul.u32 $0x4080, s0;
	_ =	swait.ge [sflag:s30], s1  }
0x5e: {  	s1 =	ssub.s32 $0x0, s1;
	[sflag:s30] =	ssyncset.done $0x0  }
0x5f: {  	s19 =	sor.u32 $0x8000, s31;
	[sflag:s30] =	ssyncadd.s32 s1  }
0x60: {  	s2 =	rddreg [dreg:$0x8]  }
0x61: {  	s1 =	sadd.s32 $0x80, s2  }
0x62: {  	p0 =	slt.s32 s1, $0x24C0  }
.Ltmp4:
0x63: {  	s1 =	simm.s32 @!p0 $0x24C0;
	(pc) =	sbr.rel .LBB1_4-.Ltmp4, $4  }
0x64: {  	s23 =	sshll.u32 s0, $0xE;
	s1 =	ssub.s32 s1, s2  }
0x65: {  	s25 =	simm.s32 $0x0;
	s26 =	simm.s32 $0x400;
	s1 =	sadd.s32 $0xF, s1  }
0x66: {  	s21 =	sand.u32 $0xFFFFFFF0, s1;
	s22 =	sand.u32 $0xFFFFFF00, s1;
	s31 =	sshll.u32 s1, $0x3  }
0x67: {  	p0 =	slt.s32 s1, $0x100;
	s24 =	sand.u32 $0xFFFFF800, s31;
	p1 =	sge.s32 s22, s21  }
.LBB1_11:
0x68: {  	s25 =	sadd.s32 $0x1, s25  }
0x69: {  	p2 =	sne.s32 s25, s20  }
.Ltmp5:
0x6a: {  	_ = 	snop;
	(pc) =	sbr.rel @!p2 .LBB1_12-.Ltmp5, $2  }
0x6b: {  	_ =	sdelay $0x2  }
0x6c: {  	s26 =	sadd.s32 $0x80, s26  }
.LBB1_4:
.Ltmp6:
0x6d: {  	(pc) =	sbr.rel @p0 .LBB1_8-.Ltmp6, $2  }
0x6e: {  	_ =	sdelay $0x2  }
0x6f: {  	s27 =	sshll.u32 s25, $0x7;
	s28 =	sand.u32 $0x7F, s25  }
0x70: {  	s2 =	sshll.u32 s25, $0x3;
	s5 =	sand.u32 $0x380, s27  }
0x71: {  	s4 =	sshrl.u32 s2, $0x7;
	s1 =	sadd.s32 $0x800, s2;
	s6 =	sadd.s32 $0x1000, s2  }
0x72: {  	s18 =	sadd.s32 s5, s23;
	s17 =	sadd.s32 $0x1800, s2;
	s8 =	sadd.s32 $0x2800, s2  }
0x73: {  	s10 =	sadd.s32 $0x3000, s2;
	s2 =	sadd.s32 $0x3800, s2;
	s0 =	sand.u32 $0x78, s4  }
0x74: {  	s1 =	sshrl.u32 s1, $0x7;
	s16 =	sshrl.u32 s6, $0x7;
	s6 =	sshrl.u32 s17, $0x7  }
0x75: {  	s9 =	sshrl.u32 s8, $0x7;
	s15 =	sshrl.u32 s2, $0x7;
	s17 =	sadd.s32 $0x10, s4  }
0x76: {  	s8 =	sadd.s32 $0x30, s4;
	v0 =	vmov s18;
	s18 =	sand.u32 $0x3C00, s26;
	s3 =	smul.u32 $0x204, s0  }
0x77: {  	s1 =	sand.u32 $0x78, s1;
	s5 =	sand.u32 $0x78, s16;
	s6 =	sand.u32 $0x78, s6  }
0x78: {  	s16 =	sand.u32 $0x78, s15;
	s15 =	sadd.s32 $0x60, s4;
	s1 =	smul.u32 $0x204, s1  }
0x79: {  	s5 =	smul.u32 $0x204, s5;
	s15 =	sand.u32 $0x78, s15;
	s3 =	sshrl.u32 s3, $0x2  }
0x7a: {  	s15 =	smul.u32 $0x204, s15;
	s3 =	sadd.s32 s3, s19;
	s1 =	sshrl.u32 s1, $0x2  }
0x7b: {  	s7 =	sshrl.u32 s5, $0x2;
	s5 =	sshrl.u32 s10, $0x7;
	s1 =	sadd.s32 s1, s19  }
0x7c: {  	s29 =	sadd.s32 s28, s3;
	s3 =	sadd.s32 s7, s19;
	s5 =	sand.u32 $0x78, s5  }
0x7d: {  	s7 =	sadd.s32 $0x20, s4;
	s30 =	sadd.s32 s28, s1;
	s1 =	smul.u32 $0x204, s6  }
0x7e: {  	s31 =	sadd.s32 s28, s3;
	s3 =	sand.u32 $0x78, s9;
	s5 =	smul.u32 $0x204, s5  }
0x7f: {  	s15 =	sshrl.u32 s15, $0x2;
	s6 =	sand.u32 $0x78, s17;
	s3 =	smul.u32 $0x204, s3  }
0x80: {  	s7 =	sand.u32 $0x78, s7;
	s6 =	smul.u32 $0x204, s6;
	s5 =	sshrl.u32 s5, $0x2  }
0x81: {  	s15 =	sadd.s32 s15, s19;
	s3 =	sshrl.u32 s3, $0x2;
	s5 =	sadd.s32 s5, s19  }
0x82: {  	s6 =	sshrl.u32 s6, $0x2;
	s3 =	sadd.s32 s3, s19;
	s9 =	sadd.s32 s28, s5  }
0x83: {  	s5 =	smul.u32 $0x204, s7;
	s7 =	sand.u32 $0x78, s8;
	s8 =	sadd.s32 $0x50, s4  }
0x84: {  	s4 =	sadd.s32 $0x70, s4;
	s7 =	smul.u32 $0x204, s7;
	s8 =	sand.u32 $0x78, s8  }
0x85: {  	v1 =	vld.idx.msk [tilespmem:v0+s18+$0x0 ss:$0x1], $0xffff;
	s6 =	sadd.s32 s6, s19;
	s4 =	sand.u32 $0x78, s4;
	s8 =	smul.u32 $0x204, s8  }
0x86: {  	s2 =	sadd.s32 s28, s3;
	s4 =	smul.u32 $0x204, s4;
	s7 =	sshrl.u32 s7, $0x2  }
0x87: {  	s3 =	smul.u32 $0x204, s16;
	s16 =	sadd.s32 s7, s19;
	s7 =	sadd.s32 s28, s6  }
0x88: {  	s8 =	sshrl.u32 s8, $0x2;
	s4 =	sshrl.u32 s4, $0x2;
	s6 =	sadd.s32 s28, s16  }
0x89: {  	s8 =	sadd.s32 s8, s19;
	s10 =	sadd.s32 s4, s19;
	s16 =	sadd.s32 $0xFFFFFC00, s26  }
0x8a: {  	[tilespmem:s29+$0x0 ss:$0x81] =	vst.msk $0xffff, v1;
	v1 =	vld.idx.msk [tilespmem:v0+s18+$0x20 ss:$0x1], $0xffff;
	s4 =	sadd.s32 s28, s8;
	s8 =	sadd.s32 s28, s15;
	s15 =	sand.u32 $0x3C00, s16  }
0x8b: {  	v2 =	vld.idx.msk [tilespmem:v0+s15+$0x70 ss:$0x1], $0xffff  }
0x8c: {  	v3 =	vld.idx.msk [tilespmem:v0+s15+$0x0 ss:$0x1], $0xffff  }
0x8d: {  	s3 =	sshrl.u32 s3, $0x2;
	v4 =	vld.idx.msk [tilespmem:v0+s15+$0x10 ss:$0x1], $0xffff  }
0x8e: {  	s3 =	sadd.s32 s3, s19;
	v5 =	vld.idx.msk [tilespmem:v0+s15+$0x20 ss:$0x1], $0xffff  }
0x8f: {  	s0 =	sxor.u32 $0x40, s0;
	s3 =	sadd.s32 s28, s3;
	v6 =	vld.idx.msk [tilespmem:v0+s15+$0x30 ss:$0x1], $0xffff  }
0x90: {  	s0 =	smul.u32 $0x204, s0;
	v7 =	vld.idx.msk [tilespmem:v0+s15+$0x40 ss:$0x1], $0xffff;
	[tilespmem:s3+$0x0 ss:$0x81] =	vst.msk $0xffff, v2  }
0x91: {  	s1 =	sshrl.u32 s1, $0x2;
	v8 =	vld.idx.msk [tilespmem:v0+s15+$0x50 ss:$0x1], $0xffff;
	[tilespmem:s29+$0x0 ss:$0x81] =	vst.msk $0xffff, v3  }
0x92: {  	p2 =	sgt.s32 s22, $0x100;
	s0 =	sshrl.u32 s0, $0x2;
	s1 =	sadd.s32 s1, s19;
	v9 =	vld.idx.msk [tilespmem:v0+s15+$0x60 ss:$0x1], $0xffff;
	[tilespmem:s30+$0x0 ss:$0x81] =	vst.msk $0xffff, v4  }
.Ltmp7:
0x93: {  	s0 =	sadd.s32 s0, s19;
	s1 =	sadd.s32 s28, s1;
	v4 =	vld.idx.msk [tilespmem:v0+s18+$0x10 ss:$0x1], $0xffff;
	[tilespmem:s31+$0x0 ss:$0x81] =	vst.msk $0xffff, v5;
	(pc) =	sbr.rel @!p2 .LBB1_7-.Ltmp7, $4  }
0x94: {  	s0 =	sadd.s32 s28, s0;
	s5 =	sshrl.u32 s5, $0x2;
	[tilespmem:s1+$0x0 ss:$0x81] =	vst.msk $0xffff, v6;
	v2 =	vld.idx.msk [tilespmem:v0+s18+$0x30 ss:$0x1], $0xffff  }
0x95: {  	s5 =	sadd.s32 s5, s19;
	[tilespmem:s0+$0x0 ss:$0x81] =	vst.msk $0xffff, v7;
	v3 =	vld.idx.msk [tilespmem:v0+s18+$0x40 ss:$0x1], $0xffff  }
0x96: {  	s5 =	sadd.s32 s28, s5;
	[tilespmem:s2+$0x0 ss:$0x81] =	vst.msk $0xffff, v8;
	v5 =	vld.idx.msk [tilespmem:v0+s18+$0x50 ss:$0x1], $0xffff  }
0x97: {  	s17 =	sadd.s32 s28, s10;
	s16 =	sadd.s32 $0x800, s26;
	s15 =	simm.s32 $0x100;
	[tilespmem:s9+$0x0 ss:$0x81] =	vst.msk $0xffff, v9;
	v6 =	vld.idx.msk [tilespmem:v0+s18+$0x60 ss:$0x1], $0xffff  }
.LBB1_6:
0x98: {  	s10 =	sadd.s32 $0xFFFFFC00, s16;
	s15 =	sadd.s32 $0x100, s15;
	[tilespmem:s7+$0x0 ss:$0x81] =	vst.msk $0xffff, v4;
	v4 =	vld.idx.msk [tilespmem:v0+s18+$0x70 ss:$0x1], $0xffff;
	s18 =	sand.u32 $0x3C00, s16  }
0x99: {  	s10 =	sand.u32 $0x3C00, s10;
	v7 =	vld.idx.msk [tilespmem:v0+s18+$0x0 ss:$0x1], $0xffff;
	p2 =	slt.s32 s15, s22;
	[tilespmem:s5+$0x0 ss:$0x81] =	vst.msk $0xffff, v1  }
0x9a: {  	v1 =	vld.idx.msk [tilespmem:v0+s10+$0x70 ss:$0x1], $0xffff;
	[tilespmem:s6+$0x0 ss:$0x81] =	vst.msk $0xffff, v2  }
0x9b: {  	v2 =	vld.idx.msk [tilespmem:v0+s10+$0x0 ss:$0x1], $0xffff;
	[tilespmem:s0+$0x0 ss:$0x81] =	vst.msk $0xffff, v3  }
0x9c: {  	v3 =	vld.idx.msk [tilespmem:v0+s10+$0x10 ss:$0x1], $0xffff;
	[tilespmem:s4+$0x0 ss:$0x81] =	vst.msk $0xffff, v5  }
0x9d: {  	v5 =	vld.idx.msk [tilespmem:v0+s10+$0x20 ss:$0x1], $0xffff;
	[tilespmem:s8+$0x0 ss:$0x81] =	vst.msk $0xffff, v6  }
0x9e: {  	v6 =	vld.idx.msk [tilespmem:v0+s10+$0x30 ss:$0x1], $0xffff;
	[tilespmem:s17+$0x0 ss:$0x81] =	vst.msk $0xffff, v4  }
0x9f: {  	v8 =	vld.idx.msk [tilespmem:v0+s10+$0x40 ss:$0x1], $0xffff;
	[tilespmem:s29+$0x0 ss:$0x81] =	vst.msk $0xffff, v7  }
0xa0: {  	v7 =	vld.idx.msk [tilespmem:v0+s10+$0x50 ss:$0x1], $0xffff;
	[tilespmem:s3+$0x0 ss:$0x81] =	vst.msk $0xffff, v1  }
0xa1: {  	[tilespmem:s29+$0x0 ss:$0x81] =	vst.msk $0xffff, v2;
	v9 =	vld.idx.msk [tilespmem:v0+s10+$0x60 ss:$0x1], $0xffff  }
0xa2: {  	[tilespmem:s30+$0x0 ss:$0x81] =	vst.msk $0xffff, v3;
	v4 =	vld.idx.msk [tilespmem:v0+s18+$0x10 ss:$0x1], $0xffff  }
.Ltmp8:
0xa3: {  	[tilespmem:s31+$0x0 ss:$0x81] =	vst.msk $0xffff, v5;
	v1 =	vld.idx.msk [tilespmem:v0+s18+$0x20 ss:$0x1], $0xffff;
	(pc) =	sbr.rel @p2 .LBB1_6-.Ltmp8, $4  }
0xa4: {  	[tilespmem:s1+$0x0 ss:$0x81] =	vst.msk $0xffff, v6;
	v2 =	vld.idx.msk [tilespmem:v0+s18+$0x30 ss:$0x1], $0xffff  }
0xa5: {  	[tilespmem:s0+$0x0 ss:$0x81] =	vst.msk $0xffff, v8;
	v3 =	vld.idx.msk [tilespmem:v0+s18+$0x40 ss:$0x1], $0xffff  }
0xa6: {  	[tilespmem:s2+$0x0 ss:$0x81] =	vst.msk $0xffff, v7;
	v5 =	vld.idx.msk [tilespmem:v0+s18+$0x50 ss:$0x1], $0xffff  }
0xa7: {  	s16 =	sadd.s32 $0x800, s16;
	[tilespmem:s9+$0x0 ss:$0x81] =	vst.msk $0xffff, v9;
	v6 =	vld.idx.msk [tilespmem:v0+s18+$0x60 ss:$0x1], $0xffff  }
.LBB1_7:
0xa8: {  	_ =	sdelay $0x2  }
0xa9: {  	[tilespmem:s7+$0x0 ss:$0x81] =	vst.msk $0xffff, v4  }
0xaa: {  	v0 =	vld.idx.msk [tilespmem:v0+s18+$0x70 ss:$0x1], $0xffff;
	[tilespmem:s5+$0x0 ss:$0x81] =	vst.msk $0xffff, v1  }
0xab: {  	[tilespmem:s6+$0x0 ss:$0x81] =	vst.msk $0xffff, v2  }
0xac: {  	[tilespmem:s0+$0x0 ss:$0x81] =	vst.msk $0xffff, v3  }
0xad: {  	[tilespmem:s4+$0x0 ss:$0x81] =	vst.msk $0xffff, v5  }
0xae: {  	[tilespmem:s8+$0x0 ss:$0x81] =	vst.msk $0xffff, v6  }
0xaf: {  	[tilespmem:s17+$0x0 ss:$0x81] =	vst.msk $0xffff, v0  }
.LBB1_8:
.Ltmp9:
0xb0: {  	(pc) =	sbr.rel @p1 .LBB1_11-.Ltmp9, $1  }
0xb1: {  	_ =	sdelay $0x3  }
0xb2: {  	s1 =	sand.u32 $0x380, s27;
	s0 =	sshrl.u32 s25, $0x4;
	s2 =	sadd.s32 s28, s19  }
0xb3: {  	s3 =	smov.u32 s24;
	s4 =	smov.u32 s22;
	s1 =	sadd.s32 s1, s23  }
.LBB1_10:
0xb4: {  	s5 =	sand.u32 $0x3C00, s3  }
0xb5: {  	s5 =	sadd.s32 s27, s5  }
0xb6: {  	s5 =	sand.u32 $0x3C00, s5  }
0xb7: {  	s6 =	sand.u32 $0x70, s4;
	s30 =	sadd.s32 s4, s0;
	s5 =	sadd.s32 s5, s1  }
0xb8: {  	s4 =	sadd.s32 $0x10, s4;
	s31 =	sand.u32 $0x78, s30;
	s5 =	sadd.s32 s6, s5  }
0xb9: {  	p2 =	slt.s32 s4, s21;
	v0 =	vld [tilespmem:s5+$0x0];
	s5 =	smul.u32 $0x204, s31  }
.Ltmp10:
0xba: {  	_ = 	snop;
	(pc) =	sbr.rel @p2 .LBB1_10-.Ltmp10, $4  }
0xbb: {  	_ = 	snop  }
0xbc: {  	s5 =	sshrl.u32 s5, $0x2  }
0xbd: {  	s5 =	sadd.s32 s5, s2  }
0xbe: {  	s3 =	sadd.s32 $0x80, s3;
	[tilespmem:s5+$0x0 ss:$0x81] =	vst.msk $0xffff, v0  }
.Ltmp11:
0xbf: {  	_ = 	snop;
	(pc) =	sbr.rel .LBB1_11-.Ltmp11, $1  }
0xc0: {  	_ =	sdelay $0x3  }
.LBB1_14:
0xc1: {  	_ =	sfence.sel $0x180000  }
0xc2: {  	s0 =	simm.s32 $0x1;
	[bflag:$0x0] =	sbarrier.arrive $0xFFFF  }
0xc3: {  	s30 =	simm.s32 $0x2;
	[sflag:s0] =	ssyncpa.u1 $0x1  }
0xc4: {  	[sflag:s30] =	ssyncpa.u1 $0x1  }
0xc5: {  	_ =	strace $0x9000004D  }
0xc6: {  	s31 =	stileid.u32;
	[bflag:$0x2] =	sbarrier.arrive $0xFFFF  }
0xc7: {  	p0 =	sne.s32 s31, $0x0;
	s0 =	rddreg [dreg:$0x2]  }
0xc8: {  	s0 =	sadd.s32 @!p0 $0x100000, s0  }
0xc9: {  	[sflag:s0] =	ssyncadd.tile.s32 @!p0 $0x1;
	_ =	shalt  }
.Lfunc_end1:
_tile_overlayer_lowered:
.L_overlay_start_2:
0xca: {  	(tag) =	ssettag $0x2  }
0xcb: {  	s0 =	rddreg [dreg:$0x0];
	s2 =	stileid.u32  }
0xcc: {  	s1 =	rddreg [dreg:$0x1];
	p0 =	sne.s32 s2, $0x0  }
0xcd: {  	s3 =	rddreg [dreg:$0x2];
	[bflag:$0x3] =	sbarrier.arrive $0xFFFF;
	s2 =	simm.s32 @!p0 $0x1C01  }
0xce: {  	[timem:s3], [sflag:s2] =	dma.local @!p0 [hbm:s0], s1  }
0xcf: {  	s0 =	simm.s32 @!p0 $0x1  }
0xd0: {  	_ =	swait.ge @!p0 [sflag:s0], s1  }
0xd1: {  	s1 =	ssub.s32 @!p0 $0x0, s1;
	[sflag:s0] =	ssyncset.done @!p0 $0x0  }
0xd2: {  	[sflag:s0] =	ssyncadd.s32 @!p0 s1  }
0xd3: {  	[bflag:$0x3] =	sbarrier.arrive $0xFFFF  }
0xd4: {  	_ =	shalt  }

</sc_bundles>
